<compile_context>
chip_gen: v7x
topology: tpu7x:2x2x1
jax: 0.10.2.dev20260603
libtpu: 0.0.44.dev20260713+nightly
codegen_flags: <defaults>
</compile_context>

<pallas_src>
import functools

import jax
import jax.numpy as jnp
from jax import lax
from jax.experimental import pallas as pl
from jax.experimental.pallas import tpu as pltpu
from jax.experimental.pallas import tpu_sc as plsc

_GAMMA = 0.1
_STEP_SIZE = 0.01

_NC = 2
_NS = 16
_NW = _NC * _NS
_LANES = 16


_BANKS = 1
_NCHUNK = 5


def _make_segment_partials(n, n_groups):
    per_tile = n // _NW
    chunks = per_tile // _LANES
    nbins = n_groups * _LANES
    unroll = 25 if chunks % 25 == 0 else (5 if chunks % 5 == 0 else 1)
    banks = _BANKS if unroll % _BANKS == 0 else 1
    nchunk = _NCHUNK if per_tile % (_NCHUNK * _LANES * unroll) == 0 else 1
    chunk = per_tile // nchunk
    mesh = plsc.VectorSubcoreMesh(core_axis_name="c", subcore_axis_name="s")

    @functools.partial(
        pl.kernel,
        mesh=mesh,
        compiler_params=pltpu.CompilerParams(needs_layout_passes=False),
        out_type=[
            jax.ShapeDtypeStruct((_NW, nbins), jnp.float32),
            jax.ShapeDtypeStruct((_NW, nbins), jnp.float32),
        ],
        scratch_types=[
            pltpu.VMEM((per_tile,), jnp.float32),
            pltpu.VMEM((per_tile,), jnp.int32),
            pltpu.VMEM((banks * nbins,), jnp.float32),
            pltpu.VMEM((banks * nbins,), jnp.float32),
        ]
        + [pltpu.SemaphoreType.DMA] * nchunk,
    )
    def seg(loss_hbm, idx_hbm, sums_hbm, cnts_hbm, loss_v, idx_v, acc_v,
            cnt_v, *sems):
        wid = lax.axis_index("s") * _NC + lax.axis_index("c")
        base = wid * per_tile
        descs = []
        for ci in range(nchunk):
            co = ci * chunk
            dl = pltpu.async_copy(
                loss_hbm.at[pl.ds(base + co, chunk)],
                loss_v.at[pl.ds(co, chunk)],
                sems[ci])
            di = pltpu.async_copy(
                idx_hbm.at[pl.ds(base + co, chunk)],
                idx_v.at[pl.ds(co, chunk)],
                sems[ci])
            descs.append((dl, di))
        zeros = jnp.zeros((_LANES,), jnp.float32)
        for k in range(banks * n_groups):
            acc_v[pl.ds(k * _LANES, _LANES)] = zeros
            cnt_v[pl.ds(k * _LANES, _LANES)] = zeros
        ones = jnp.ones((_LANES,), jnp.float32)
        lane = lax.iota(jnp.int32, _LANES)

        steps_per_chunk = chunk // (_LANES * unroll)
        for ci in range(nchunk):

            def body(j, carry, _co=ci * chunk):
                off = _co + j * (_LANES * unroll)
                for u in range(unroll):
                    o = off + u * _LANES
                    bank_off = (u % banks) * nbins
                    v = loss_v[pl.ds(o, _LANES)]
                    i = idx_v[pl.ds(o, _LANES)]
                    a = lax.shift_left(i, 4) + (lane + bank_off)
                    plsc.addupdate_scatter(acc_v, [a], v)
                    plsc.addupdate_scatter(cnt_v, [a], ones)
                return carry

            dl, di = descs[ci]
            dl.wait()
            di.wait()
            lax.fori_loop(0, steps_per_chunk, body, 0)
        for b in range(1, banks):
            for k in range(n_groups):
                o0 = k * _LANES
                ob = b * nbins + k * _LANES
                acc_v[pl.ds(o0, _LANES)] = (
                    acc_v[pl.ds(o0, _LANES)] + acc_v[pl.ds(ob, _LANES)])
                cnt_v[pl.ds(o0, _LANES)] = (
                    cnt_v[pl.ds(o0, _LANES)] + cnt_v[pl.ds(ob, _LANES)])
        pltpu.sync_copy(acc_v.at[pl.ds(0, nbins)], sums_hbm.at[wid])
        pltpu.sync_copy(cnt_v.at[pl.ds(0, nbins)], cnts_hbm.at[wid])

    return seg


def _epilogue_body(sums_ref, cnts_ref, adv_ref, out_ref):
    nbins = sums_ref.shape[1]
    n_groups = adv_ref.shape[1]
    s = jnp.sum(sums_ref[...], axis=0, keepdims=True)
    c = jnp.sum(cnts_ref[...], axis=0, keepdims=True)
    r = lax.shift_right_logical(
        lax.broadcasted_iota(jnp.int32, (nbins, n_groups), 0), 4)
    b = lax.broadcasted_iota(jnp.int32, (nbins, n_groups), 1)
    sel = (r == b).astype(jnp.float32)
    gsum = jax.lax.dot_general(
        s, sel, (((1,), (0,)), ((), ())),
        preferred_element_type=jnp.float32)
    gcnt = jax.lax.dot_general(
        c, sel, (((1,), (0,)), ((), ())),
        preferred_element_type=jnp.float32)
    denom = gcnt + (gcnt == 0).astype(jnp.float32)
    gl = gsum / denom
    adv = adv_ref[...] * jnp.exp(_STEP_SIZE * gl)
    num = jnp.sum(gl * adv, axis=1, keepdims=True)
    den = jnp.sum(adv, axis=1, keepdims=True)
    out_ref[...] = num / den


def kernel(loss, group_idx, adv_probs, exp_avg_loss, group_counts, adj):
    n = loss.shape[0]
    n_groups = adv_probs.shape[0]
    seg = _make_segment_partials(n, n_groups)
    sums, cnts = seg(loss, group_idx.astype(jnp.int32))
    out = pl.pallas_call(
        _epilogue_body,
        out_shape=jax.ShapeDtypeStruct((1, 1), jnp.float32),
    )(sums, cnts, adv_probs.reshape(1, n_groups))
    return out[0, 0]

# --- scband reference (transcript-rebuilt; emitter-appended) ---
"""Pipeline reference for scband-group-drocomputer-22247930593297 (READ-ONLY COPY).

The authoritative reference and input builder live on the scoring server;
editing this copy changes nothing except your own understanding.
"""

import jax, jax.numpy as jnp
import numpy as np

N = 1600000
N_GROUPS = 16
GAMMA = 0.1
STEP_SIZE = 0.01


def setup_inputs(seed: int = 0) -> dict:
    key = jax.random.key(seed)
    k1, k2 = jax.random.split(key)
    loss = jax.random.uniform(k1, (N,), dtype=jnp.float32)
    group_idx = jax.random.randint(k2, (N,), 0, N_GROUPS, dtype=jnp.int32)
    group_counts = jnp.full((N_GROUPS,), 100000.0, dtype=jnp.float32)
    adj = jnp.zeros((N_GROUPS,), dtype=jnp.float32)
    adv_probs = jnp.ones((N_GROUPS,), dtype=jnp.float32) / N_GROUPS
    exp_avg_loss = jnp.zeros((N_GROUPS,), dtype=jnp.float32)
    return {"loss": loss, "group_idx": group_idx, "adv_probs": adv_probs, "exp_avg_loss": exp_avg_loss, "group_counts": group_counts, "adj": adj}


def reference(loss, group_idx, adv_probs, exp_avg_loss, group_counts, adj):
    gi = group_idx.astype(jnp.int32)
    losses = loss.reshape(-1)
    # compute_group_avg: one-hot matmul == segment sum
    group_sum = jax.ops.segment_sum(losses, gi, num_segments=N_GROUPS)
    group_count = jax.ops.segment_sum(jnp.ones_like(losses), gi, num_segments=N_GROUPS)
    group_denom = group_count + (group_count == 0).astype(jnp.float32)
    group_loss = group_sum / group_denom
    # update_exp_avg_loss (buffer side-effect; exp_avg_initialized starts all False)
    exp_avg_initialized = jnp.zeros((N_GROUPS,), dtype=bool)
    prev_weights = (1.0 - GAMMA * (group_count > 0).astype(jnp.float32)) * exp_avg_initialized.astype(jnp.float32)
    curr_weights = 1.0 - prev_weights
    exp_avg_loss_new = exp_avg_loss * prev_weights + group_loss * curr_weights
    # compute_robust_loss: adj is all zeros -> torch.all(adj > 0) is False, skip adjustment
    adjusted_loss = group_loss
    # normalize_loss=False
    adv_new = adv_probs * jnp.exp(STEP_SIZE * jax.lax.stop_gradient(adjusted_loss))
    adv_new = adv_new / adv_new.sum()
    robust_loss = group_loss @ adv_new
    return robust_loss

if __name__ == "__main__":
    import jax
    _d = setup_inputs()
    print(jax.jit(kernel)(*tuple(_d.values())))

</pallas_src>

<mosaic_0001>
#map = affine_map<(d0, d1) -> (0)>
#map1 = affine_map<(d0, d1) -> (0, 0)>
module attributes {stable_mosaic.version = 14 : i64} {
  func.func @seg(%arg0: i32, %arg1: i32, %arg2: memref<1600000xf32, #tpu.memory_space<hbm>>, %arg3: memref<1600000xi32, #tpu.memory_space<hbm>>, %arg4: memref<32x256xf32, #tpu.memory_space<hbm>>, %arg5: memref<32x256xf32, #tpu.memory_space<hbm>>, %arg6: memref<50000xf32, #tpu.memory_space<vmem>>, %arg7: memref<50000xi32, #tpu.memory_space<vmem>>, %arg8: memref<256xf32, #tpu.memory_space<vmem>>, %arg9: memref<256xf32, #tpu.memory_space<vmem>>, %arg10: memref<!tpu.dma_semaphore, #tpu.memory_space<semaphore_mem>>, %arg11: memref<!tpu.dma_semaphore, #tpu.memory_space<semaphore_mem>>, %arg12: memref<!tpu.dma_semaphore, #tpu.memory_space<semaphore_mem>>, %arg13: memref<!tpu.dma_semaphore, #tpu.memory_space<semaphore_mem>>, %arg14: memref<!tpu.dma_semaphore, #tpu.memory_space<semaphore_mem>>) attributes {dimension_semantics = [#tpu.dimension_semantics<core_parallel>, #tpu.dimension_semantics<subcore_parallel>], iteration_bounds = array<i64: 2, 16>, scalar_prefetch = 0 : i64, scratch_operands = 9 : i64, tpu.core_type = #tpu.core_type<sc_vector_subcore>, window_params = [{transform_indices = #map}, {transform_indices = #map}, {transform_indices = #map1}, {transform_indices = #map1}]} {
    %mul3A = arith.constant 2 : i32
    %mul3A_0 = arith.muli %arg1, %mul3A : i32
    %add3A = arith.addi %mul3A_0, %arg0 : i32
    %mul3A_1 = arith.constant 50000 : i32
    %mul3A_2 = arith.muli %add3A, %mul3A_1 : i32
    %add3A_3 = arith.constant 0 : i32
    %add3A_4 = arith.addi %mul3A_2, %add3A_3 : i32
    %dma_start3A = arith.constant 0 : i32
    %dma_start3A_5 = tpu.memref_slice %arg6[%dma_start3A] : memref<50000xf32, #tpu.memory_space<vmem>> -> memref<10000xf32, #tpu.memory_space<vmem>>
    %dma_start3A_6 = tpu.memref_slice %arg2[%add3A_4] : memref<1600000xf32, #tpu.memory_space<hbm>> -> memref<10000xf32, #tpu.memory_space<hbm>>
    %dma_start3A_7 = arith.constant 0 : i32
    %dma_start3A_8 = tpu.memref_slice %arg6[%dma_start3A_7] : memref<50000xf32, #tpu.memory_space<vmem>> -> memref<10000xf32, #tpu.memory_space<vmem>>
    %dma_start3A_9 = tpu.memref_slice %arg2[%add3A_4] : memref<1600000xf32, #tpu.memory_space<hbm>> -> memref<10000xf32, #tpu.memory_space<hbm>>
    tpu.enqueue_dma source(%dma_start3A_9 : memref<10000xf32, #tpu.memory_space<hbm>>) target(%dma_start3A_8 : memref<10000xf32, #tpu.memory_space<vmem>>) target_semaphore(%arg10 : memref<!tpu.dma_semaphore, #tpu.memory_space<semaphore_mem>>)
    %add3A_10 = arith.constant 0 : i32
    %add3A_11 = arith.addi %mul3A_2, %add3A_10 : i32
    %dma_start3A_12 = arith.constant 0 : i32
    %dma_start3A_13 = tpu.memref_slice %arg7[%dma_start3A_12] : memref<50000xi32, #tpu.memory_space<vmem>> -> memref<10000xi32, #tpu.memory_space<vmem>>
    %dma_start3A_14 = tpu.memref_slice %arg3[%add3A_11] : memref<1600000xi32, #tpu.memory_space<hbm>> -> memref<10000xi32, #tpu.memory_space<hbm>>
    %dma_start3A_15 = arith.constant 0 : i32
    %dma_start3A_16 = tpu.memref_slice %arg7[%dma_start3A_15] : memref<50000xi32, #tpu.memory_space<vmem>> -> memref<10000xi32, #tpu.memory_space<vmem>>
    %dma_start3A_17 = tpu.memref_slice %arg3[%add3A_11] : memref<1600000xi32, #tpu.memory_space<hbm>> -> memref<10000xi32, #tpu.memory_space<hbm>>
    tpu.enqueue_dma source(%dma_start3A_17 : memref<10000xi32, #tpu.memory_space<hbm>>) target(%dma_start3A_16 : memref<10000xi32, #tpu.memory_space<vmem>>) target_semaphore(%arg10 : memref<!tpu.dma_semaphore, #tpu.memory_space<semaphore_mem>>)
    %add3A_18 = arith.constant 10000 : i32
    %add3A_19 = arith.addi %mul3A_2, %add3A_18 : i32
    %dma_start3A_20 = arith.constant 10000 : i32
    %dma_start3A_21 = tpu.memref_slice %arg6[%dma_start3A_20] : memref<50000xf32, #tpu.memory_space<vmem>> -> memref<10000xf32, #tpu.memory_space<vmem>>
    %dma_start3A_22 = tpu.memref_slice %arg2[%add3A_19] : memref<1600000xf32, #tpu.memory_space<hbm>> -> memref<10000xf32, #tpu.memory_space<hbm>>
    %dma_start3A_23 = arith.constant 10000 : i32
    %dma_start3A_24 = tpu.memref_slice %arg6[%dma_start3A_23] : memref<50000xf32, #tpu.memory_space<vmem>> -> memref<10000xf32, #tpu.memory_space<vmem>>
    %dma_start3A_25 = tpu.memref_slice %arg2[%add3A_19] : memref<1600000xf32, #tpu.memory_space<hbm>> -> memref<10000xf32, #tpu.memory_space<hbm>>
    tpu.enqueue_dma source(%dma_start3A_25 : memref<10000xf32, #tpu.memory_space<hbm>>) target(%dma_start3A_24 : memref<10000xf32, #tpu.memory_space<vmem>>) target_semaphore(%arg11 : memref<!tpu.dma_semaphore, #tpu.memory_space<semaphore_mem>>)
    %add3A_26 = arith.constant 10000 : i32
    %add3A_27 = arith.addi %mul3A_2, %add3A_26 : i32
    %dma_start3A_28 = arith.constant 10000 : i32
    %dma_start3A_29 = tpu.memref_slice %arg7[%dma_start3A_28] : memref<50000xi32, #tpu.memory_space<vmem>> -> memref<10000xi32, #tpu.memory_space<vmem>>
    %dma_start3A_30 = tpu.memref_slice %arg3[%add3A_27] : memref<1600000xi32, #tpu.memory_space<hbm>> -> memref<10000xi32, #tpu.memory_space<hbm>>
    %dma_start3A_31 = arith.constant 10000 : i32
    %dma_start3A_32 = tpu.memref_slice %arg7[%dma_start3A_31] : memref<50000xi32, #tpu.memory_space<vmem>> -> memref<10000xi32, #tpu.memory_space<vmem>>
    %dma_start3A_33 = tpu.memref_slice %arg3[%add3A_27] : memref<1600000xi32, #tpu.memory_space<hbm>> -> memref<10000xi32, #tpu.memory_space<hbm>>
    tpu.enqueue_dma source(%dma_start3A_33 : memref<10000xi32, #tpu.memory_space<hbm>>) target(%dma_start3A_32 : memref<10000xi32, #tpu.memory_space<vmem>>) target_semaphore(%arg11 : memref<!tpu.dma_semaphore, #tpu.memory_space<semaphore_mem>>)
    %add3A_34 = arith.constant 20000 : i32
    %add3A_35 = arith.addi %mul3A_2, %add3A_34 : i32
    %dma_start3A_36 = arith.constant 20000 : i32
    %dma_start3A_37 = tpu.memref_slice %arg6[%dma_start3A_36] : memref<50000xf32, #tpu.memory_space<vmem>> -> memref<10000xf32, #tpu.memory_space<vmem>>
    %dma_start3A_38 = tpu.memref_slice %arg2[%add3A_35] : memref<1600000xf32, #tpu.memory_space<hbm>> -> memref<10000xf32, #tpu.memory_space<hbm>>
    %dma_start3A_39 = arith.constant 20000 : i32
    %dma_start3A_40 = tpu.memref_slice %arg6[%dma_start3A_39] : memref<50000xf32, #tpu.memory_space<vmem>> -> memref<10000xf32, #tpu.memory_space<vmem>>
    %dma_start3A_41 = tpu.memref_slice %arg2[%add3A_35] : memref<1600000xf32, #tpu.memory_space<hbm>> -> memref<10000xf32, #tpu.memory_space<hbm>>
    tpu.enqueue_dma source(%dma_start3A_41 : memref<10000xf32, #tpu.memory_space<hbm>>) target(%dma_start3A_40 : memref<10000xf32, #tpu.memory_space<vmem>>) target_semaphore(%arg12 : memref<!tpu.dma_semaphore, #tpu.memory_space<semaphore_mem>>)
    %add3A_42 = arith.constant 20000 : i32
    %add3A_43 = arith.addi %mul3A_2, %add3A_42 : i32
    %dma_start3A_44 = arith.constant 20000 : i32
    %dma_start3A_45 = tpu.memref_slice %arg7[%dma_start3A_44] : memref<50000xi32, #tpu.memory_space<vmem>> -> memref<10000xi32, #tpu.memory_space<vmem>>
    %dma_start3A_46 = tpu.memref_slice %arg3[%add3A_43] : memref<1600000xi32, #tpu.memory_space<hbm>> -> memref<10000xi32, #tpu.memory_space<hbm>>
    %dma_start3A_47 = arith.constant 20000 : i32
    %dma_start3A_48 = tpu.memref_slice %arg7[%dma_start3A_47] : memref<50000xi32, #tpu.memory_space<vmem>> -> memref<10000xi32, #tpu.memory_space<vmem>>
    %dma_start3A_49 = tpu.memref_slice %arg3[%add3A_43] : memref<1600000xi32, #tpu.memory_space<hbm>> -> memref<10000xi32, #tpu.memory_space<hbm>>
    tpu.enqueue_dma source(%dma_start3A_49 : memref<10000xi32, #tpu.memory_space<hbm>>) target(%dma_start3A_48 : memref<10000xi32, #tpu.memory_space<vmem>>) target_semaphore(%arg12 : memref<!tpu.dma_semaphore, #tpu.memory_space<semaphore_mem>>)
    %add3A_50 = arith.constant 30000 : i32
    %add3A_51 = arith.addi %mul3A_2, %add3A_50 : i32
    %dma_start3A_52 = arith.constant 30000 : i32
    %dma_start3A_53 = tpu.memref_slice %arg6[%dma_start3A_52] : memref<50000xf32, #tpu.memory_space<vmem>> -> memref<10000xf32, #tpu.memory_space<vmem>>
    %dma_start3A_54 = tpu.memref_slice %arg2[%add3A_51] : memref<1600000xf32, #tpu.memory_space<hbm>> -> memref<10000xf32, #tpu.memory_space<hbm>>
    %dma_start3A_55 = arith.constant 30000 : i32
    %dma_start3A_56 = tpu.memref_slice %arg6[%dma_start3A_55] : memref<50000xf32, #tpu.memory_space<vmem>> -> memref<10000xf32, #tpu.memory_space<vmem>>
    %dma_start3A_57 = tpu.memref_slice %arg2[%add3A_51] : memref<1600000xf32, #tpu.memory_space<hbm>> -> memref<10000xf32, #tpu.memory_space<hbm>>
    tpu.enqueue_dma source(%dma_start3A_57 : memref<10000xf32, #tpu.memory_space<hbm>>) target(%dma_start3A_56 : memref<10000xf32, #tpu.memory_space<vmem>>) target_semaphore(%arg13 : memref<!tpu.dma_semaphore, #tpu.memory_space<semaphore_mem>>)
    %add3A_58 = arith.constant 30000 : i32
    %add3A_59 = arith.addi %mul3A_2, %add3A_58 : i32
    %dma_start3A_60 = arith.constant 30000 : i32
    %dma_start3A_61 = tpu.memref_slice %arg7[%dma_start3A_60] : memref<50000xi32, #tpu.memory_space<vmem>> -> memref<10000xi32, #tpu.memory_space<vmem>>
    %dma_start3A_62 = tpu.memref_slice %arg3[%add3A_59] : memref<1600000xi32, #tpu.memory_space<hbm>> -> memref<10000xi32, #tpu.memory_space<hbm>>
    %dma_start3A_63 = arith.constant 30000 : i32
    %dma_start3A_64 = tpu.memref_slice %arg7[%dma_start3A_63] : memref<50000xi32, #tpu.memory_space<vmem>> -> memref<10000xi32, #tpu.memory_space<vmem>>
    %dma_start3A_65 = tpu.memref_slice %arg3[%add3A_59] : memref<1600000xi32, #tpu.memory_space<hbm>> -> memref<10000xi32, #tpu.memory_space<hbm>>
    tpu.enqueue_dma source(%dma_start3A_65 : memref<10000xi32, #tpu.memory_space<hbm>>) target(%dma_start3A_64 : memref<10000xi32, #tpu.memory_space<vmem>>) target_semaphore(%arg13 : memref<!tpu.dma_semaphore, #tpu.memory_space<semaphore_mem>>)
    %add3A_66 = arith.constant 40000 : i32
    %add3A_67 = arith.addi %mul3A_2, %add3A_66 : i32
    %dma_start3A_68 = arith.constant 40000 : i32
    %dma_start3A_69 = tpu.memref_slice %arg6[%dma_start3A_68] : memref<50000xf32, #tpu.memory_space<vmem>> -> memref<10000xf32, #tpu.memory_space<vmem>>
    %dma_start3A_70 = tpu.memref_slice %arg2[%add3A_67] : memref<1600000xf32, #tpu.memory_space<hbm>> -> memref<10000xf32, #tpu.memory_space<hbm>>
    %dma_start3A_71 = arith.constant 40000 : i32
    %dma_start3A_72 = tpu.memref_slice %arg6[%dma_start3A_71] : memref<50000xf32, #tpu.memory_space<vmem>> -> memref<10000xf32, #tpu.memory_space<vmem>>
    %dma_start3A_73 = tpu.memref_slice %arg2[%add3A_67] : memref<1600000xf32, #tpu.memory_space<hbm>> -> memref<10000xf32, #tpu.memory_space<hbm>>
    tpu.enqueue_dma source(%dma_start3A_73 : memref<10000xf32, #tpu.memory_space<hbm>>) target(%dma_start3A_72 : memref<10000xf32, #tpu.memory_space<vmem>>) target_semaphore(%arg14 : memref<!tpu.dma_semaphore, #tpu.memory_space<semaphore_mem>>)
    %add3A_74 = arith.constant 40000 : i32
    %add3A_75 = arith.addi %mul3A_2, %add3A_74 : i32
    %dma_start3A_76 = arith.constant 40000 : i32
    %dma_start3A_77 = tpu.memref_slice %arg7[%dma_start3A_76] : memref<50000xi32, #tpu.memory_space<vmem>> -> memref<10000xi32, #tpu.memory_space<vmem>>
    %dma_start3A_78 = tpu.memref_slice %arg3[%add3A_75] : memref<1600000xi32, #tpu.memory_space<hbm>> -> memref<10000xi32, #tpu.memory_space<hbm>>
    %dma_start3A_79 = arith.constant 40000 : i32
    %dma_start3A_80 = tpu.memref_slice %arg7[%dma_start3A_79] : memref<50000xi32, #tpu.memory_space<vmem>> -> memref<10000xi32, #tpu.memory_space<vmem>>
    %dma_start3A_81 = tpu.memref_slice %arg3[%add3A_75] : memref<1600000xi32, #tpu.memory_space<hbm>> -> memref<10000xi32, #tpu.memory_space<hbm>>
    tpu.enqueue_dma source(%dma_start3A_81 : memref<10000xi32, #tpu.memory_space<hbm>>) target(%dma_start3A_80 : memref<10000xi32, #tpu.memory_space<vmem>>) target_semaphore(%arg14 : memref<!tpu.dma_semaphore, #tpu.memory_space<semaphore_mem>>)
    %broadcast_in_dim3A = arith.constant 0.000000e+00 : f32
    %broadcast_in_dim3A_82 = vector.broadcast %broadcast_in_dim3A : f32 to vector<16xf32>
    %swap3A = arith.constant 0 : index
    %swap3A_83 = tpu.vector_load %arg8[%swap3A] {strides = array<i32>} : memref<256xf32, #tpu.memory_space<vmem>>, vector<16xf32>,
    tpu.vector_store %arg8[%swap3A], %broadcast_in_dim3A_82 {strides = array<i32>} : memref<256xf32, #tpu.memory_space<vmem>>, vector<16xf32>,
    %swap3A_84 = arith.constant 0 : index
    %swap3A_85 = tpu.vector_load %arg9[%swap3A_84] {strides = array<i32>} : memref<256xf32, #tpu.memory_space<vmem>>, vector<16xf32>,
    tpu.vector_store %arg9[%swap3A_84], %broadcast_in_dim3A_82 {strides = array<i32>} : memref<256xf32, #tpu.memory_space<vmem>>, vector<16xf32>,
    %swap3A_86 = arith.constant 16 : index
    %swap3A_87 = tpu.vector_load %arg8[%swap3A_86] {strides = array<i32>} : memref<256xf32, #tpu.memory_space<vmem>>, vector<16xf32>,
    tpu.vector_store %arg8[%swap3A_86], %broadcast_in_dim3A_82 {strides = array<i32>} : memref<256xf32, #tpu.memory_space<vmem>>, vector<16xf32>,
    %swap3A_88 = arith.constant 16 : index
    %swap3A_89 = tpu.vector_load %arg9[%swap3A_88] {strides = array<i32>} : memref<256xf32, #tpu.memory_space<vmem>>, vector<16xf32>,
    tpu.vector_store %arg9[%swap3A_88], %broadcast_in_dim3A_82 {strides = array<i32>} : memref<256xf32, #tpu.memory_space<vmem>>, vector<16xf32>,
    %swap3A_90 = arith.constant 32 : index
    %swap3A_91 = tpu.vector_load %arg8[%swap3A_90] {strides = array<i32>} : memref<256xf32, #tpu.memory_space<vmem>>, vector<16xf32>,
    tpu.vector_store %arg8[%swap3A_90], %broadcast_in_dim3A_82 {strides = array<i32>} : memref<256xf32, #tpu.memory_space<vmem>>, vector<16xf32>,
    %swap3A_92 = arith.constant 32 : index
    %swap3A_93 = tpu.vector_load %arg9[%swap3A_92] {strides = array<i32>} : memref<256xf32, #tpu.memory_space<vmem>>, vector<16xf32>,
    tpu.vector_store %arg9[%swap3A_92], %broadcast_in_dim3A_82 {strides = array<i32>} : memref<256xf32, #tpu.memory_space<vmem>>, vector<16xf32>,
    %swap3A_94 = arith.constant 48 : index
    %swap3A_95 = tpu.vector_load %arg8[%swap3A_94] {strides = array<i32>} : memref<256xf32, #tpu.memory_space<vmem>>, vector<16xf32>,
    tpu.vector_store %arg8[%swap3A_94], %broadcast_in_dim3A_82 {strides = array<i32>} : memref<256xf32, #tpu.memory_space<vmem>>, vector<16xf32>,
    %swap3A_96 = arith.constant 48 : index
    %swap3A_97 = tpu.vector_load %arg9[%swap3A_96] {strides = array<i32>} : memref<256xf32, #tpu.memory_space<vmem>>, vector<16xf32>,
    tpu.vector_store %arg9[%swap3A_96], %broadcast_in_dim3A_82 {strides = array<i32>} : memref<256xf32, #tpu.memory_space<vmem>>, vector<16xf32>,
    %swap3A_98 = arith.constant 64 : index
    %swap3A_99 = tpu.vector_load %arg8[%swap3A_98] {strides = array<i32>} : memref<256xf32, #tpu.memory_space<vmem>>, vector<16xf32>,
    tpu.vector_store %arg8[%swap3A_98], %broadcast_in_dim3A_82 {strides = array<i32>} : memref<256xf32, #tpu.memory_space<vmem>>, vector<16xf32>,
    %swap3A_100 = arith.constant 64 : index
    %swap3A_101 = tpu.vector_load %arg9[%swap3A_100] {strides = array<i32>} : memref<256xf32, #tpu.memory_space<vmem>>, vector<16xf32>,
    tpu.vector_store %arg9[%swap3A_100], %broadcast_in_dim3A_82 {strides = array<i32>} : memref<256xf32, #tpu.memory_space<vmem>>, vector<16xf32>,
    %swap3A_102 = arith.constant 80 : index
    %swap3A_103 = tpu.vector_load %arg8[%swap3A_102] {strides = array<i32>} : memref<256xf32, #tpu.memory_space<vmem>>, vector<16xf32>,
    tpu.vector_store %arg8[%swap3A_102], %broadcast_in_dim3A_82 {strides = array<i32>} : memref<256xf32, #tpu.memory_space<vmem>>, vector<16xf32>,
    %swap3A_104 = arith.constant 80 : index
    %swap3A_105 = tpu.vector_load %arg9[%swap3A_104] {strides = array<i32>} : memref<256xf32, #tpu.memory_space<vmem>>, vector<16xf32>,
    tpu.vector_store %arg9[%swap3A_104], %broadcast_in_dim3A_82 {strides = array<i32>} : memref<256xf32, #tpu.memory_space<vmem>>, vector<16xf32>,
    %swap3A_106 = arith.constant 96 : index
    %swap3A_107 = tpu.vector_load %arg8[%swap3A_106] {strides = array<i32>} : memref<256xf32, #tpu.memory_space<vmem>>, vector<16xf32>,
    tpu.vector_store %arg8[%swap3A_106], %broadcast_in_dim3A_82 {strides = array<i32>} : memref<256xf32, #tpu.memory_space<vmem>>, vector<16xf32>,
    %swap3A_108 = arith.constant 96 : index
    %swap3A_109 = tpu.vector_load %arg9[%swap3A_108] {strides = array<i32>} : memref<256xf32, #tpu.memory_space<vmem>>, vector<16xf32>,
    tpu.vector_store %arg9[%swap3A_108], %broadcast_in_dim3A_82 {strides = array<i32>} : memref<256xf32, #tpu.memory_space<vmem>>, vector<16xf32>,
    %swap3A_110 = arith.constant 112 : index
    %swap3A_111 = tpu.vector_load %arg8[%swap3A_110] {strides = array<i32>} : memref<256xf32, #tpu.memory_space<vmem>>, vector<16xf32>,
    tpu.vector_store %arg8[%swap3A_110], %broadcast_in_dim3A_82 {strides = array<i32>} : memref<256xf32, #tpu.memory_space<vmem>>, vector<16xf32>,
    %swap3A_112 = arith.constant 112 : index
    %swap3A_113 = tpu.vector_load %arg9[%swap3A_112] {strides = array<i32>} : memref<256xf32, #tpu.memory_space<vmem>>, vector<16xf32>,
    tpu.vector_store %arg9[%swap3A_112], %broadcast_in_dim3A_82 {strides = array<i32>} : memref<256xf32, #tpu.memory_space<vmem>>, vector<16xf32>,
    %swap3A_114 = arith.constant 128 : index
    %swap3A_115 = tpu.vector_load %arg8[%swap3A_114] {strides = array<i32>} : memref<256xf32, #tpu.memory_space<vmem>>, vector<16xf32>,
    tpu.vector_store %arg8[%swap3A_114], %broadcast_in_dim3A_82 {strides = array<i32>} : memref<256xf32, #tpu.memory_space<vmem>>, vector<16xf32>,
    %swap3A_116 = arith.constant 128 : index
    %swap3A_117 = tpu.vector_load %arg9[%swap3A_116] {strides = array<i32>} : memref<256xf32, #tpu.memory_space<vmem>>, vector<16xf32>,
    tpu.vector_store %arg9[%swap3A_116], %broadcast_in_dim3A_82 {strides = array<i32>} : memref<256xf32, #tpu.memory_space<vmem>>, vector<16xf32>,
    %swap3A_118 = arith.constant 144 : index
    %swap3A_119 = tpu.vector_load %arg8[%swap3A_118] {strides = array<i32>} : memref<256xf32, #tpu.memory_space<vmem>>, vector<16xf32>,
    tpu.vector_store %arg8[%swap3A_118], %broadcast_in_dim3A_82 {strides = array<i32>} : memref<256xf32, #tpu.memory_space<vmem>>, vector<16xf32>,
    %swap3A_120 = arith.constant 144 : index
    %swap3A_121 = tpu.vector_load %arg9[%swap3A_120] {strides = array<i32>} : memref<256xf32, #tpu.memory_space<vmem>>, vector<16xf32>,
    tpu.vector_store %arg9[%swap3A_120], %broadcast_in_dim3A_82 {strides = array<i32>} : memref<256xf32, #tpu.memory_space<vmem>>, vector<16xf32>,
    %swap3A_122 = arith.constant 160 : index
    %swap3A_123 = tpu.vector_load %arg8[%swap3A_122] {strides = array<i32>} : memref<256xf32, #tpu.memory_space<vmem>>, vector<16xf32>,
    tpu.vector_store %arg8[%swap3A_122], %broadcast_in_dim3A_82 {strides = array<i32>} : memref<256xf32, #tpu.memory_space<vmem>>, vector<16xf32>,
    %swap3A_124 = arith.constant 160 : index
    %swap3A_125 = tpu.vector_load %arg9[%swap3A_124] {strides = array<i32>} : memref<256xf32, #tpu.memory_space<vmem>>, vector<16xf32>,
    tpu.vector_store %arg9[%swap3A_124], %broadcast_in_dim3A_82 {strides = array<i32>} : memref<256xf32, #tpu.memory_space<vmem>>, vector<16xf32>,
    %swap3A_126 = arith.constant 176 : index
    %swap3A_127 = tpu.vector_load %arg8[%swap3A_126] {strides = array<i32>} : memref<256xf32, #tpu.memory_space<vmem>>, vector<16xf32>,
    tpu.vector_store %arg8[%swap3A_126], %broadcast_in_dim3A_82 {strides = array<i32>} : memref<256xf32, #tpu.memory_space<vmem>>, vector<16xf32>,
    %swap3A_128 = arith.constant 176 : index
    %swap3A_129 = tpu.vector_load %arg9[%swap3A_128] {strides = array<i32>} : memref<256xf32, #tpu.memory_space<vmem>>, vector<16xf32>,
    tpu.vector_store %arg9[%swap3A_128], %broadcast_in_dim3A_82 {strides = array<i32>} : memref<256xf32, #tpu.memory_space<vmem>>, vector<16xf32>,
    %swap3A_130 = arith.constant 192 : index
    %swap3A_131 = tpu.vector_load %arg8[%swap3A_130] {strides = array<i32>} : memref<256xf32, #tpu.memory_space<vmem>>, vector<16xf32>,
    tpu.vector_store %arg8[%swap3A_130], %broadcast_in_dim3A_82 {strides = array<i32>} : memref<256xf32, #tpu.memory_space<vmem>>, vector<16xf32>,
    %swap3A_132 = arith.constant 192 : index
    %swap3A_133 = tpu.vector_load %arg9[%swap3A_132] {strides = array<i32>} : memref<256xf32, #tpu.memory_space<vmem>>, vector<16xf32>,
    tpu.vector_store %arg9[%swap3A_132], %broadcast_in_dim3A_82 {strides = array<i32>} : memref<256xf32, #tpu.memory_space<vmem>>, vector<16xf32>,
    %swap3A_134 = arith.constant 208 : index
    %swap3A_135 = tpu.vector_load %arg8[%swap3A_134] {strides = array<i32>} : memref<256xf32, #tpu.memory_space<vmem>>, vector<16xf32>,
    tpu.vector_store %arg8[%swap3A_134], %broadcast_in_dim3A_82 {strides = array<i32>} : memref<256xf32, #tpu.memory_space<vmem>>, vector<16xf32>,
    %swap3A_136 = arith.constant 208 : index
    %swap3A_137 = tpu.vector_load %arg9[%swap3A_136] {strides = array<i32>} : memref<256xf32, #tpu.memory_space<vmem>>, vector<16xf32>,
    tpu.vector_store %arg9[%swap3A_136], %broadcast_in_dim3A_82 {strides = array<i32>} : memref<256xf32, #tpu.memory_space<vmem>>, vector<16xf32>,
    %swap3A_138 = arith.constant 224 : index
    %swap3A_139 = tpu.vector_load %arg8[%swap3A_138] {strides = array<i32>} : memref<256xf32, #tpu.memory_space<vmem>>, vector<16xf32>,
    tpu.vector_store %arg8[%swap3A_138], %broadcast_in_dim3A_82 {strides = array<i32>} : memref<256xf32, #tpu.memory_space<vmem>>, vector<16xf32>,
    %swap3A_140 = arith.constant 224 : index
    %swap3A_141 = tpu.vector_load %arg9[%swap3A_140] {strides = array<i32>} : memref<256xf32, #tpu.memory_space<vmem>>, vector<16xf32>,
    tpu.vector_store %arg9[%swap3A_140], %broadcast_in_dim3A_82 {strides = array<i32>} : memref<256xf32, #tpu.memory_space<vmem>>, vector<16xf32>,
    %swap3A_142 = arith.constant 240 : index
    %swap3A_143 = tpu.vector_load %arg8[%swap3A_142] {strides = array<i32>} : memref<256xf32, #tpu.memory_space<vmem>>, vector<16xf32>,
    tpu.vector_store %arg8[%swap3A_142], %broadcast_in_dim3A_82 {strides = array<i32>} : memref<256xf32, #tpu.memory_space<vmem>>, vector<16xf32>,
    %swap3A_144 = arith.constant 240 : index
    %swap3A_145 = tpu.vector_load %arg9[%swap3A_144] {strides = array<i32>} : memref<256xf32, #tpu.memory_space<vmem>>, vector<16xf32>,
    tpu.vector_store %arg9[%swap3A_144], %broadcast_in_dim3A_82 {strides = array<i32>} : memref<256xf32, #tpu.memory_space<vmem>>, vector<16xf32>,
    %broadcast_in_dim3A_146 = arith.constant 1.000000e+00 : f32
    %broadcast_in_dim3A_147 = vector.broadcast %broadcast_in_dim3A_146 : f32 to vector<16xf32>
    %iota3A = tpu.iota {dimensions = array<i32: 0>} : vector<16xi32>
    %dma_wait3A = arith.constant 0 : i32
    %dma_wait3A_148 = tpu.memref_slice %arg6[%dma_wait3A] : memref<50000xf32, #tpu.memory_space<vmem>> -> memref<10000xf32, #tpu.memory_space<vmem>>
    %dma_wait3A_149 = tpu.memref_slice %arg2[%add3A_4] : memref<1600000xf32, #tpu.memory_space<hbm>> -> memref<10000xf32, #tpu.memory_space<hbm>>
    %dma_wait3A_150 = arith.constant 0 : i32
    %dma_wait3A_151 = tpu.memref_slice %arg6[%dma_wait3A_150] : memref<50000xf32, #tpu.memory_space<vmem>> -> memref<10000xf32, #tpu.memory_space<vmem>>
    %dma_wait3A_152 = tpu.memref_slice %arg2[%add3A_4] : memref<1600000xf32, #tpu.memory_space<hbm>> -> memref<10000xf32, #tpu.memory_space<hbm>>
    tpu.wait_dma2 semaphore(%arg10 : memref<!tpu.dma_semaphore, #tpu.memory_space<semaphore_mem>>) src(%dma_wait3A_152 : memref<10000xf32, #tpu.memory_space<hbm>>) dst(%dma_wait3A_151 : memref<10000xf32, #tpu.memory_space<vmem>>)
    %dma_wait3A_153 = arith.constant 0 : i32
    %dma_wait3A_154 = tpu.memref_slice %arg7[%dma_wait3A_153] : memref<50000xi32, #tpu.memory_space<vmem>> -> memref<10000xi32, #tpu.memory_space<vmem>>
    %dma_wait3A_155 = tpu.memref_slice %arg3[%add3A_11] : memref<1600000xi32, #tpu.memory_space<hbm>> -> memref<10000xi32, #tpu.memory_space<hbm>>
    %dma_wait3A_156 = arith.constant 0 : i32
    %dma_wait3A_157 = tpu.memref_slice %arg7[%dma_wait3A_156] : memref<50000xi32, #tpu.memory_space<vmem>> -> memref<10000xi32, #tpu.memory_space<vmem>>
    %dma_wait3A_158 = tpu.memref_slice %arg3[%add3A_11] : memref<1600000xi32, #tpu.memory_space<hbm>> -> memref<10000xi32, #tpu.memory_space<hbm>>
    tpu.wait_dma2 semaphore(%arg10 : memref<!tpu.dma_semaphore, #tpu.memory_space<semaphore_mem>>) src(%dma_wait3A_158 : memref<10000xi32, #tpu.memory_space<hbm>>) dst(%dma_wait3A_157 : memref<10000xi32, #tpu.memory_space<vmem>>)
    %scan3A = arith.constant 0 : i32
    %scan3A_159 = arith.constant 0 : i32
    %scan3A_160 = arith.constant 25 : i32
    %scan3A_161 = arith.addi %scan3A_159, %scan3A_160 : i32
    %scan3A_162 = arith.constant 1 : i32
    scf.for %scan3A_236 = %scan3A_159 to %scan3A_161 step %scan3A_162  : i32 {
      %mul3A_237 = arith.constant 400 : i32
      %mul3A_238 = arith.muli %scan3A_236, %mul3A_237 : i32
      %add3A_239 = arith.constant 0 : i32
      %add3A_240 = arith.addi %add3A_239, %mul3A_238 : i32
      %add3A_241 = arith.constant 0 : i32
      %add3A_242 = arith.addi %add3A_240, %add3A_241 : i32
      %get3A = arith.index_cast %add3A_242 : i32 to index
      %get3A_243 = tpu.vector_load %arg6[%get3A] {strides = array<i32>} : memref<50000xf32, #tpu.memory_space<vmem>>, vector<16xf32>,
      %get3A_244 = arith.index_cast %add3A_242 : i32 to index
      %get3A_245 = tpu.vector_load %arg7[%get3A_244] {strides = array<i32>} : memref<50000xi32, #tpu.memory_space<vmem>>, vector<16xi32>,
      %shift_left3A = arith.constant 4 : i32
      %shift_left3A_246 = vector.broadcast %shift_left3A : i32 to vector<16xi32>
      %shift_left3A_247 = arith.shli %get3A_245, %shift_left3A_246 : vector<16xi32>
      %add3A_248 = arith.constant 0 : i32
      %add3A_249 = vector.broadcast %add3A_248 : i32 to vector<16xi32>
      %add3A_250 = arith.addi %iota3A, %add3A_249 : vector<16xi32>
      %add3A_251 = arith.addi %shift_left3A_247, %add3A_250 : vector<16xi32>
      tpu.vector_store_idx %arg8[%add3A_251], %get3A_243 {add = true} : memref<256xf32, #tpu.memory_space<vmem>>[vector<16xi32>], vector<16xf32>,
      tpu.vector_store_idx %arg9[%add3A_251], %broadcast_in_dim3A_147 {add = true} : memref<256xf32, #tpu.memory_space<vmem>>[vector<16xi32>], vector<16xf32>,
      %add3A_252 = arith.constant 16 : i32
      %add3A_253 = arith.addi %add3A_240, %add3A_252 : i32
      %get3A_254 = arith.index_cast %add3A_253 : i32 to index
      %get3A_255 = tpu.vector_load %arg6[%get3A_254] {strides = array<i32>} : memref<50000xf32, #tpu.memory_space<vmem>>, vector<16xf32>,
      %get3A_256 = arith.index_cast %add3A_253 : i32 to index
      %get3A_257 = tpu.vector_load %arg7[%get3A_256] {strides = array<i32>} : memref<50000xi32, #tpu.memory_space<vmem>>, vector<16xi32>,
      %shift_left3A_258 = arith.constant 4 : i32
      %shift_left3A_259 = vector.broadcast %shift_left3A_258 : i32 to vector<16xi32>
      %shift_left3A_260 = arith.shli %get3A_257, %shift_left3A_259 : vector<16xi32>
      %add3A_261 = arith.constant 0 : i32
      %add3A_262 = vector.broadcast %add3A_261 : i32 to vector<16xi32>
      %add3A_263 = arith.addi %iota3A, %add3A_262 : vector<16xi32>
      %add3A_264 = arith.addi %shift_left3A_260, %add3A_263 : vector<16xi32>
      tpu.vector_store_idx %arg8[%add3A_264], %get3A_255 {add = true} : memref<256xf32, #tpu.memory_space<vmem>>[vector<16xi32>], vector<16xf32>,
      tpu.vector_store_idx %arg9[%add3A_264], %broadcast_in_dim3A_147 {add = true} : memref<256xf32, #tpu.memory_space<vmem>>[vector<16xi32>], vector<16xf32>,
      %add3A_265 = arith.constant 32 : i32
      %add3A_266 = arith.addi %add3A_240, %add3A_265 : i32
      %get3A_267 = arith.index_cast %add3A_266 : i32 to index
      %get3A_268 = tpu.vector_load %arg6[%get3A_267] {strides = array<i32>} : memref<50000xf32, #tpu.memory_space<vmem>>, vector<16xf32>,
      %get3A_269 = arith.index_cast %add3A_266 : i32 to index
      %get3A_270 = tpu.vector_load %arg7[%get3A_269] {strides = array<i32>} : memref<50000xi32, #tpu.memory_space<vmem>>, vector<16xi32>,
      %shift_left3A_271 = arith.constant 4 : i32
      %shift_left3A_272 = vector.broadcast %shift_left3A_271 : i32 to vector<16xi32>
      %shift_left3A_273 = arith.shli %get3A_270, %shift_left3A_272 : vector<16xi32>
      %add3A_274 = arith.constant 0 : i32
      %add3A_275 = vector.broadcast %add3A_274 : i32 to vector<16xi32>
      %add3A_276 = arith.addi %iota3A, %add3A_275 : vector<16xi32>
      %add3A_277 = arith.addi %shift_left3A_273, %add3A_276 : vector<16xi32>
      tpu.vector_store_idx %arg8[%add3A_277], %get3A_268 {add = true} : memref<256xf32, #tpu.memory_space<vmem>>[vector<16xi32>], vector<16xf32>,
      tpu.vector_store_idx %arg9[%add3A_277], %broadcast_in_dim3A_147 {add = true} : memref<256xf32, #tpu.memory_space<vmem>>[vector<16xi32>], vector<16xf32>,
      %add3A_278 = arith.constant 48 : i32
      %add3A_279 = arith.addi %add3A_240, %add3A_278 : i32
      %get3A_280 = arith.index_cast %add3A_279 : i32 to index
      %get3A_281 = tpu.vector_load %arg6[%get3A_280] {strides = array<i32>} : memref<50000xf32, #tpu.memory_space<vmem>>, vector<16xf32>,
      %get3A_282 = arith.index_cast %add3A_279 : i32 to index
      %get3A_283 = tpu.vector_load %arg7[%get3A_282] {strides = array<i32>} : memref<50000xi32, #tpu.memory_space<vmem>>, vector<16xi32>,
      %shift_left3A_284 = arith.constant 4 : i32
      %shift_left3A_285 = vector.broadcast %shift_left3A_284 : i32 to vector<16xi32>
      %shift_left3A_286 = arith.shli %get3A_283, %shift_left3A_285 : vector<16xi32>
      %add3A_287 = arith.constant 0 : i32
      %add3A_288 = vector.broadcast %add3A_287 : i32 to vector<16xi32>
      %add3A_289 = arith.addi %iota3A, %add3A_288 : vector<16xi32>
      %add3A_290 = arith.addi %shift_left3A_286, %add3A_289 : vector<16xi32>
      tpu.vector_store_idx %arg8[%add3A_290], %get3A_281 {add = true} : memref<256xf32, #tpu.memory_space<vmem>>[vector<16xi32>], vector<16xf32>,
      tpu.vector_store_idx %arg9[%add3A_290], %broadcast_in_dim3A_147 {add = true} : memref<256xf32, #tpu.memory_space<vmem>>[vector<16xi32>], vector<16xf32>,
      %add3A_291 = arith.constant 64 : i32
      %add3A_292 = arith.addi %add3A_240, %add3A_291 : i32
      %get3A_293 = arith.index_cast %add3A_292 : i32 to index
      %get3A_294 = tpu.vector_load %arg6[%get3A_293] {strides = array<i32>} : memref<50000xf32, #tpu.memory_space<vmem>>, vector<16xf32>,
      %get3A_295 = arith.index_cast %add3A_292 : i32 to index
      %get3A_296 = tpu.vector_load %arg7[%get3A_295] {strides = array<i32>} : memref<50000xi32, #tpu.memory_space<vmem>>, vector<16xi32>,
      %shift_left3A_297 = arith.constant 4 : i32
      %shift_left3A_298 = vector.broadcast %shift_left3A_297 : i32 to vector<16xi32>
      %shift_left3A_299 = arith.shli %get3A_296, %shift_left3A_298 : vector<16xi32>
      %add3A_300 = arith.constant 0 : i32
      %add3A_301 = vector.broadcast %add3A_300 : i32 to vector<16xi32>
      %add3A_302 = arith.addi %iota3A, %add3A_301 : vector<16xi32>
      %add3A_303 = arith.addi %shift_left3A_299, %add3A_302 : vector<16xi32>
      tpu.vector_store_idx %arg8[%add3A_303], %get3A_294 {add = true} : memref<256xf32, #tpu.memory_space<vmem>>[vector<16xi32>], vector<16xf32>,
      tpu.vector_store_idx %arg9[%add3A_303], %broadcast_in_dim3A_147 {add = true} : memref<256xf32, #tpu.memory_space<vmem>>[vector<16xi32>], vector<16xf32>,
      %add3A_304 = arith.constant 80 : i32
      %add3A_305 = arith.addi %add3A_240, %add3A_304 : i32
      %get3A_306 = arith.index_cast %add3A_305 : i32 to index
      %get3A_307 = tpu.vector_load %arg6[%get3A_306] {strides = array<i32>} : memref<50000xf32, #tpu.memory_space<vmem>>, vector<16xf32>,
      %get3A_308 = arith.index_cast %add3A_305 : i32 to index
      %get3A_309 = tpu.vector_load %arg7[%get3A_308] {strides = array<i32>} : memref<50000xi32, #tpu.memory_space<vmem>>, vector<16xi32>,
      %shift_left3A_310 = arith.constant 4 : i32
      %shift_left3A_311 = vector.broadcast %shift_left3A_310 : i32 to vector<16xi32>
      %shift_left3A_312 = arith.shli %get3A_309, %shift_left3A_311 : vector<16xi32>
      %add3A_313 = arith.constant 0 : i32
      %add3A_314 = vector.broadcast %add3A_313 : i32 to vector<16xi32>
      %add3A_315 = arith.addi %iota3A, %add3A_314 : vector<16xi32>
      %add3A_316 = arith.addi %shift_left3A_312, %add3A_315 : vector<16xi32>
      tpu.vector_store_idx %arg8[%add3A_316], %get3A_307 {add = true} : memref<256xf32, #tpu.memory_space<vmem>>[vector<16xi32>], vector<16xf32>,
      tpu.vector_store_idx %arg9[%add3A_316], %broadcast_in_dim3A_147 {add = true} : memref<256xf32, #tpu.memory_space<vmem>>[vector<16xi32>], vector<16xf32>,
      %add3A_317 = arith.constant 96 : i32
      %add3A_318 = arith.addi %add3A_240, %add3A_317 : i32
      %get3A_319 = arith.index_cast %add3A_318 : i32 to index
      %get3A_320 = tpu.vector_load %arg6[%get3A_319] {strides = array<i32>} : memref<50000xf32, #tpu.memory_space<vmem>>, vector<16xf32>,
      %get3A_321 = arith.index_cast %add3A_318 : i32 to index
      %get3A_322 = tpu.vector_load %arg7[%get3A_321] {strides = array<i32>} : memref<50000xi32, #tpu.memory_space<vmem>>, vector<16xi32>,
      %shift_left3A_323 = arith.constant 4 : i32
      %shift_left3A_324 = vector.broadcast %shift_left3A_323 : i32 to vector<16xi32>
      %shift_left3A_325 = arith.shli %get3A_322, %shift_left3A_324 : vector<16xi32>
      %add3A_326 = arith.constant 0 : i32
      %add3A_327 = vector.broadcast %add3A_326 : i32 to vector<16xi32>
      %add3A_328 = arith.addi %iota3A, %add3A_327 : vector<16xi32>
      %add3A_329 = arith.addi %shift_left3A_325, %add3A_328 : vector<16xi32>
      tpu.vector_store_idx %arg8[%add3A_329], %get3A_320 {add = true} : memref<256xf32, #tpu.memory_space<vmem>>[vector<16xi32>], vector<16xf32>,
      tpu.vector_store_idx %arg9[%add3A_329], %broadcast_in_dim3A_147 {add = true} : memref<256xf32, #tpu.memory_space<vmem>>[vector<16xi32>], vector<16xf32>,
      %add3A_330 = arith.constant 112 : i32
      %add3A_331 = arith.addi %add3A_240, %add3A_330 : i32
      %get3A_332 = arith.index_cast %add3A_331 : i32 to index
      %get3A_333 = tpu.vector_load %arg6[%get3A_332] {strides = array<i32>} : memref<50000xf32, #tpu.memory_space<vmem>>, vector<16xf32>,
      %get3A_334 = arith.index_cast %add3A_331 : i32 to index
      %get3A_335 = tpu.vector_load %arg7[%get3A_334] {strides = array<i32>} : memref<50000xi32, #tpu.memory_space<vmem>>, vector<16xi32>,
      %shift_left3A_336 = arith.constant 4 : i32
      %shift_left3A_337 = vector.broadcast %shift_left3A_336 : i32 to vector<16xi32>
      %shift_left3A_338 = arith.shli %get3A_335, %shift_left3A_337 : vector<16xi32>
      %add3A_339 = arith.constant 0 : i32
      %add3A_340 = vector.broadcast %add3A_339 : i32 to vector<16xi32>
      %add3A_341 = arith.addi %iota3A, %add3A_340 : vector<16xi32>
      %add3A_342 = arith.addi %shift_left3A_338, %add3A_341 : vector<16xi32>
      tpu.vector_store_idx %arg8[%add3A_342], %get3A_333 {add = true} : memref<256xf32, #tpu.memory_space<vmem>>[vector<16xi32>], vector<16xf32>,
      tpu.vector_store_idx %arg9[%add3A_342], %broadcast_in_dim3A_147 {add = true} : memref<256xf32, #tpu.memory_space<vmem>>[vector<16xi32>], vector<16xf32>,
      %add3A_343 = arith.constant 128 : i32
      %add3A_344 = arith.addi %add3A_240, %add3A_343 : i32
      %get3A_345 = arith.index_cast %add3A_344 : i32 to index
      %get3A_346 = tpu.vector_load %arg6[%get3A_345] {strides = array<i32>} : memref<50000xf32, #tpu.memory_space<vmem>>, vector<16xf32>,
      %get3A_347 = arith.index_cast %add3A_344 : i32 to index
      %get3A_348 = tpu.vector_load %arg7[%get3A_347] {strides = array<i32>} : memref<50000xi32, #tpu.memory_space<vmem>>, vector<16xi32>,
      %shift_left3A_349 = arith.constant 4 : i32
      %shift_left3A_350 = vector.broadcast %shift_left3A_349 : i32 to vector<16xi32>
      %shift_left3A_351 = arith.shli %get3A_348, %shift_left3A_350 : vector<16xi32>
      %add3A_352 = arith.constant 0 : i32
      %add3A_353 = vector.broadcast %add3A_352 : i32 to vector<16xi32>
      %add3A_354 = arith.addi %iota3A, %add3A_353 : vector<16xi32>
      %add3A_355 = arith.addi %shift_left3A_351, %add3A_354 : vector<16xi32>
      tpu.vector_store_idx %arg8[%add3A_355], %get3A_346 {add = true} : memref<256xf32, #tpu.memory_space<vmem>>[vector<16xi32>], vector<16xf32>,
      tpu.vector_store_idx %arg9[%add3A_355], %broadcast_in_dim3A_147 {add = true} : memref<256xf32, #tpu.memory_space<vmem>>[vector<16xi32>], vector<16xf32>,
      %add3A_356 = arith.constant 144 : i32
      %add3A_357 = arith.addi %add3A_240, %add3A_356 : i32
      %get3A_358 = arith.index_cast %add3A_357 : i32 to index
      %get3A_359 = tpu.vector_load %arg6[%get3A_358] {strides = array<i32>} : memref<50000xf32, #tpu.memory_space<vmem>>, vector<16xf32>,
      %get3A_360 = arith.index_cast %add3A_357 : i32 to index
      %get3A_361 = tpu.vector_load %arg7[%get3A_360] {strides = array<i32>} : memref<50000xi32, #tpu.memory_space<vmem>>, vector<16xi32>,
      %shift_left3A_362 = arith.constant 4 : i32
      %shift_left3A_363 = vector.broadcast %shift_left3A_362 : i32 to vector<16xi32>
      %shift_left3A_364 = arith.shli %get3A_361, %shift_left3A_363 : vector<16xi32>
      %add3A_365 = arith.constant 0 : i32
      %add3A_366 = vector.broadcast %add3A_365 : i32 to vector<16xi32>
      %add3A_367 = arith.addi %iota3A, %add3A_366 : vector<16xi32>
      %add3A_368 = arith.addi %shift_left3A_364, %add3A_367 : vector<16xi32>
      tpu.vector_store_idx %arg8[%add3A_368], %get3A_359 {add = true} : memref<256xf32, #tpu.memory_space<vmem>>[vector<16xi32>], vector<16xf32>,
      tpu.vector_store_idx %arg9[%add3A_368], %broadcast_in_dim3A_147 {add = true} : memref<256xf32, #tpu.memory_space<vmem>>[vector<16xi32>], vector<16xf32>,
      %add3A_369 = arith.constant 160 : i32
      %add3A_370 = arith.addi %add3A_240, %add3A_369 : i32
      %get3A_371 = arith.index_cast %add3A_370 : i32 to index
      %get3A_372 = tpu.vector_load %arg6[%get3A_371] {strides = array<i32>} : memref<50000xf32, #tpu.memory_space<vmem>>, vector<16xf32>,
      %get3A_373 = arith.index_cast %add3A_370 : i32 to index
      %get3A_374 = tpu.vector_load %arg7[%get3A_373] {strides = array<i32>} : memref<50000xi32, #tpu.memory_space<vmem>>, vector<16xi32>,
      %shift_left3A_375 = arith.constant 4 : i32
      %shift_left3A_376 = vector.broadcast %shift_left3A_375 : i32 to vector<16xi32>
      %shift_left3A_377 = arith.shli %get3A_374, %shift_left3A_376 : vector<16xi32>
      %add3A_378 = arith.constant 0 : i32
      %add3A_379 = vector.broadcast %add3A_378 : i32 to vector<16xi32>
      %add3A_380 = arith.addi %iota3A, %add3A_379 : vector<16xi32>
      %add3A_381 = arith.addi %shift_left3A_377, %add3A_380 : vector<16xi32>
      tpu.vector_store_idx %arg8[%add3A_381], %get3A_372 {add = true} : memref<256xf32, #tpu.memory_space<vmem>>[vector<16xi32>], vector<16xf32>,
      tpu.vector_store_idx %arg9[%add3A_381], %broadcast_in_dim3A_147 {add = true} : memref<256xf32, #tpu.memory_space<vmem>>[vector<16xi32>], vector<16xf32>,
      %add3A_382 = arith.constant 176 : i32
      %add3A_383 = arith.addi %add3A_240, %add3A_382 : i32
      %get3A_384 = arith.index_cast %add3A_383 : i32 to index
      %get3A_385 = tpu.vector_load %arg6[%get3A_384] {strides = array<i32>} : memref<50000xf32, #tpu.memory_space<vmem>>, vector<16xf32>,
      %get3A_386 = arith.index_cast %add3A_383 : i32 to index
      %get3A_387 = tpu.vector_load %arg7[%get3A_386] {strides = array<i32>} : memref<50000xi32, #tpu.memory_space<vmem>>, vector<16xi32>,
      %shift_left3A_388 = arith.constant 4 : i32
      %shift_left3A_389 = vector.broadcast %shift_left3A_388 : i32 to vector<16xi32>
      %shift_left3A_390 = arith.shli %get3A_387, %shift_left3A_389 : vector<16xi32>
      %add3A_391 = arith.constant 0 : i32
      %add3A_392 = vector.broadcast %add3A_391 : i32 to vector<16xi32>
      %add3A_393 = arith.addi %iota3A, %add3A_392 : vector<16xi32>
      %add3A_394 = arith.addi %shift_left3A_390, %add3A_393 : vector<16xi32>
      tpu.vector_store_idx %arg8[%add3A_394], %get3A_385 {add = true} : memref<256xf32, #tpu.memory_space<vmem>>[vector<16xi32>], vector<16xf32>,
      tpu.vector_store_idx %arg9[%add3A_394], %broadcast_in_dim3A_147 {add = true} : memref<256xf32, #tpu.memory_space<vmem>>[vector<16xi32>], vector<16xf32>,
      %add3A_395 = arith.constant 192 : i32
      %add3A_396 = arith.addi %add3A_240, %add3A_395 : i32
      %get3A_397 = arith.index_cast %add3A_396 : i32 to index
      %get3A_398 = tpu.vector_load %arg6[%get3A_397] {strides = array<i32>} : memref<50000xf32, #tpu.memory_space<vmem>>, vector<16xf32>,
      %get3A_399 = arith.index_cast %add3A_396 : i32 to index
      %get3A_400 = tpu.vector_load %arg7[%get3A_399] {strides = array<i32>} : memref<50000xi32, #tpu.memory_space<vmem>>, vector<16xi32>,
      %shift_left3A_401 = arith.constant 4 : i32
      %shift_left3A_402 = vector.broadcast %shift_left3A_401 : i32 to vector<16xi32>
      %shift_left3A_403 = arith.shli %get3A_400, %shift_left3A_402 : vector<16xi32>
      %add3A_404 = arith.constant 0 : i32
      %add3A_405 = vector.broadcast %add3A_404 : i32 to vector<16xi32>
      %add3A_406 = arith.addi %iota3A, %add3A_405 : vector<16xi32>
      %add3A_407 = arith.addi %shift_left3A_403, %add3A_406 : vector<16xi32>
      tpu.vector_store_idx %arg8[%add3A_407], %get3A_398 {add = true} : memref<256xf32, #tpu.memory_space<vmem>>[vector<16xi32>], vector<16xf32>,
      tpu.vector_store_idx %arg9[%add3A_407], %broadcast_in_dim3A_147 {add = true} : memref<256xf32, #tpu.memory_space<vmem>>[vector<16xi32>], vector<16xf32>,
      %add3A_408 = arith.constant 208 : i32
      %add3A_409 = arith.addi %add3A_240, %add3A_408 : i32
      %get3A_410 = arith.index_cast %add3A_409 : i32 to index
      %get3A_411 = tpu.vector_load %arg6[%get3A_410] {strides = array<i32>} : memref<50000xf32, #tpu.memory_space<vmem>>, vector<16xf32>,
      %get3A_412 = arith.index_cast %add3A_409 : i32 to index
      %get3A_413 = tpu.vector_load %arg7[%get3A_412] {strides = array<i32>} : memref<50000xi32, #tpu.memory_space<vmem>>, vector<16xi32>,
      %shift_left3A_414 = arith.constant 4 : i32
      %shift_left3A_415 = vector.broadcast %shift_left3A_414 : i32 to vector<16xi32>
      %shift_left3A_416 = arith.shli %get3A_413, %shift_left3A_415 : vector<16xi32>
      %add3A_417 = arith.constant 0 : i32
      %add3A_418 = vector.broadcast %add3A_417 : i32 to vector<16xi32>
      %add3A_419 = arith.addi %iota3A, %add3A_418 : vector<16xi32>
      %add3A_420 = arith.addi %shift_left3A_416, %add3A_419 : vector<16xi32>
      tpu.vector_store_idx %arg8[%add3A_420], %get3A_411 {add = true} : memref<256xf32, #tpu.memory_space<vmem>>[vector<16xi32>], vector<16xf32>,
      tpu.vector_store_idx %arg9[%add3A_420], %broadcast_in_dim3A_147 {add = true} : memref<256xf32, #tpu.memory_space<vmem>>[vector<16xi32>], vector<16xf32>,
      %add3A_421 = arith.constant 224 : i32
      %add3A_422 = arith.addi %add3A_240, %add3A_421 : i32
      %get3A_423 = arith.index_cast %add3A_422 : i32 to index
      %get3A_424 = tpu.vector_load %arg6[%get3A_423] {strides = array<i32>} : memref<50000xf32, #tpu.memory_space<vmem>>, vector<16xf32>,
      %get3A_425 = arith.index_cast %add3A_422 : i32 to index
      %get3A_426 = tpu.vector_load %arg7[%get3A_425] {strides = array<i32>} : memref<50000xi32, #tpu.memory_space<vmem>>, vector<16xi32>,
      %shift_left3A_427 = arith.constant 4 : i32
      %shift_left3A_428 = vector.broadcast %shift_left3A_427 : i32 to vector<16xi32>
      %shift_left3A_429 = arith.shli %get3A_426, %shift_left3A_428 : vector<16xi32>
      %add3A_430 = arith.constant 0 : i32
      %add3A_431 = vector.broadcast %add3A_430 : i32 to vector<16xi32>
      %add3A_432 = arith.addi %iota3A, %add3A_431 : vector<16xi32>
      %add3A_433 = arith.addi %shift_left3A_429, %add3A_432 : vector<16xi32>
      tpu.vector_store_idx %arg8[%add3A_433], %get3A_424 {add = true} : memref<256xf32, #tpu.memory_space<vmem>>[vector<16xi32>], vector<16xf32>,
      tpu.vector_store_idx %arg9[%add3A_433], %broadcast_in_dim3A_147 {add = true} : memref<256xf32, #tpu.memory_space<vmem>>[vector<16xi32>], vector<16xf32>,
      %add3A_434 = arith.constant 240 : i32
      %add3A_435 = arith.addi %add3A_240, %add3A_434 : i32
      %get3A_436 = arith.index_cast %add3A_435 : i32 to index
      %get3A_437 = tpu.vector_load %arg6[%get3A_436] {strides = array<i32>} : memref<50000xf32, #tpu.memory_space<vmem>>, vector<16xf32>,
      %get3A_438 = arith.index_cast %add3A_435 : i32 to index
      %get3A_439 = tpu.vector_load %arg7[%get3A_438] {strides = array<i32>} : memref<50000xi32, #tpu.memory_space<vmem>>, vector<16xi32>,
      %shift_left3A_440 = arith.constant 4 : i32
      %shift_left3A_441 = vector.broadcast %shift_left3A_440 : i32 to vector<16xi32>
      %shift_left3A_442 = arith.shli %get3A_439, %shift_left3A_441 : vector<16xi32>
      %add3A_443 = arith.constant 0 : i32
      %add3A_444 = vector.broadcast %add3A_443 : i32 to vector<16xi32>
      %add3A_445 = arith.addi %iota3A, %add3A_444 : vector<16xi32>
      %add3A_446 = arith.addi %shift_left3A_442, %add3A_445 : vector<16xi32>
      tpu.vector_store_idx %arg8[%add3A_446], %get3A_437 {add = true} : memref<256xf32, #tpu.memory_space<vmem>>[vector<16xi32>], vector<16xf32>,
      tpu.vector_store_idx %arg9[%add3A_446], %broadcast_in_dim3A_147 {add = true} : memref<256xf32, #tpu.memory_space<vmem>>[vector<16xi32>], vector<16xf32>,
      %add3A_447 = arith.constant 256 : i32
      %add3A_448 = arith.addi %add3A_240, %add3A_447 : i32
      %get3A_449 = arith.index_cast %add3A_448 : i32 to index
      %get3A_450 = tpu.vector_load %arg6[%get3A_449] {strides = array<i32>} : memref<50000xf32, #tpu.memory_space<vmem>>, vector<16xf32>,
      %get3A_451 = arith.index_cast %add3A_448 : i32 to index
      %get3A_452 = tpu.vector_load %arg7[%get3A_451] {strides = array<i32>} : memref<50000xi32, #tpu.memory_space<vmem>>, vector<16xi32>,
      %shift_left3A_453 = arith.constant 4 : i32
      %shift_left3A_454 = vector.broadcast %shift_left3A_453 : i32 to vector<16xi32>
      %shift_left3A_455 = arith.shli %get3A_452, %shift_left3A_454 : vector<16xi32>
      %add3A_456 = arith.constant 0 : i32
      %add3A_457 = vector.broadcast %add3A_456 : i32 to vector<16xi32>
      %add3A_458 = arith.addi %iota3A, %add3A_457 : vector<16xi32>
      %add3A_459 = arith.addi %shift_left3A_455, %add3A_458 : vector<16xi32>
      tpu.vector_store_idx %arg8[%add3A_459], %get3A_450 {add = true} : memref<256xf32, #tpu.memory_space<vmem>>[vector<16xi32>], vector<16xf32>,
      tpu.vector_store_idx %arg9[%add3A_459], %broadcast_in_dim3A_147 {add = true} : memref<256xf32, #tpu.memory_space<vmem>>[vector<16xi32>], vector<16xf32>,
      %add3A_460 = arith.constant 272 : i32
      %add3A_461 = arith.addi %add3A_240, %add3A_460 : i32
      %get3A_462 = arith.index_cast %add3A_461 : i32 to index
      %get3A_463 = tpu.vector_load %arg6[%get3A_462] {strides = array<i32>} : memref<50000xf32, #tpu.memory_space<vmem>>, vector<16xf32>,
      %get3A_464 = arith.index_cast %add3A_461 : i32 to index
      %get3A_465 = tpu.vector_load %arg7[%get3A_464] {strides = array<i32>} : memref<50000xi32, #tpu.memory_space<vmem>>, vector<16xi32>,
      %shift_left3A_466 = arith.constant 4 : i32
      %shift_left3A_467 = vector.broadcast %shift_left3A_466 : i32 to vector<16xi32>
      %shift_left3A_468 = arith.shli %get3A_465, %shift_left3A_467 : vector<16xi32>
      %add3A_469 = arith.constant 0 : i32
      %add3A_470 = vector.broadcast %add3A_469 : i32 to vector<16xi32>
      %add3A_471 = arith.addi %iota3A, %add3A_470 : vector<16xi32>
      %add3A_472 = arith.addi %shift_left3A_468, %add3A_471 : vector<16xi32>
      tpu.vector_store_idx %arg8[%add3A_472], %get3A_463 {add = true} : memref<256xf32, #tpu.memory_space<vmem>>[vector<16xi32>], vector<16xf32>,
      tpu.vector_store_idx %arg9[%add3A_472], %broadcast_in_dim3A_147 {add = true} : memref<256xf32, #tpu.memory_space<vmem>>[vector<16xi32>], vector<16xf32>,
      %add3A_473 = arith.constant 288 : i32
      %add3A_474 = arith.addi %add3A_240, %add3A_473 : i32
      %get3A_475 = arith.index_cast %add3A_474 : i32 to index
      %get3A_476 = tpu.vector_load %arg6[%get3A_475] {strides = array<i32>} : memref<50000xf32, #tpu.memory_space<vmem>>, vector<16xf32>,
      %get3A_477 = arith.index_cast %add3A_474 : i32 to index
      %get3A_478 = tpu.vector_load %arg7[%get3A_477] {strides = array<i32>} : memref<50000xi32, #tpu.memory_space<vmem>>, vector<16xi32>,
      %shift_left3A_479 = arith.constant 4 : i32
      %shift_left3A_480 = vector.broadcast %shift_left3A_479 : i32 to vector<16xi32>
      %shift_left3A_481 = arith.shli %get3A_478, %shift_left3A_480 : vector<16xi32>
      %add3A_482 = arith.constant 0 : i32
      %add3A_483 = vector.broadcast %add3A_482 : i32 to vector<16xi32>
      %add3A_484 = arith.addi %iota3A, %add3A_483 : vector<16xi32>
      %add3A_485 = arith.addi %shift_left3A_481, %add3A_484 : vector<16xi32>
      tpu.vector_store_idx %arg8[%add3A_485], %get3A_476 {add = true} : memref<256xf32, #tpu.memory_space<vmem>>[vector<16xi32>], vector<16xf32>,
      tpu.vector_store_idx %arg9[%add3A_485], %broadcast_in_dim3A_147 {add = true} : memref<256xf32, #tpu.memory_space<vmem>>[vector<16xi32>], vector<16xf32>,
      %add3A_486 = arith.constant 304 : i32
      %add3A_487 = arith.addi %add3A_240, %add3A_486 : i32
      %get3A_488 = arith.index_cast %add3A_487 : i32 to index
      %get3A_489 = tpu.vector_load %arg6[%get3A_488] {strides = array<i32>} : memref<50000xf32, #tpu.memory_space<vmem>>, vector<16xf32>,
      %get3A_490 = arith.index_cast %add3A_487 : i32 to index
      %get3A_491 = tpu.vector_load %arg7[%get3A_490] {strides = array<i32>} : memref<50000xi32, #tpu.memory_space<vmem>>, vector<16xi32>,
      %shift_left3A_492 = arith.constant 4 : i32
      %shift_left3A_493 = vector.broadcast %shift_left3A_492 : i32 to vector<16xi32>
      %shift_left3A_494 = arith.shli %get3A_491, %shift_left3A_493 : vector<16xi32>
      %add3A_495 = arith.constant 0 : i32
      %add3A_496 = vector.broadcast %add3A_495 : i32 to vector<16xi32>
      %add3A_497 = arith.addi %iota3A, %add3A_496 : vector<16xi32>
      %add3A_498 = arith.addi %shift_left3A_494, %add3A_497 : vector<16xi32>
      tpu.vector_store_idx %arg8[%add3A_498], %get3A_489 {add = true} : memref<256xf32, #tpu.memory_space<vmem>>[vector<16xi32>], vector<16xf32>,
      tpu.vector_store_idx %arg9[%add3A_498], %broadcast_in_dim3A_147 {add = true} : memref<256xf32, #tpu.memory_space<vmem>>[vector<16xi32>], vector<16xf32>,
      %add3A_499 = arith.constant 320 : i32
      %add3A_500 = arith.addi %add3A_240, %add3A_499 : i32
      %get3A_501 = arith.index_cast %add3A_500 : i32 to index
      %get3A_502 = tpu.vector_load %arg6[%get3A_501] {strides = array<i32>} : memref<50000xf32, #tpu.memory_space<vmem>>, vector<16xf32>,
      %get3A_503 = arith.index_cast %add3A_500 : i32 to index
      %get3A_504 = tpu.vector_load %arg7[%get3A_503] {strides = array<i32>} : memref<50000xi32, #tpu.memory_space<vmem>>, vector<16xi32>,
      %shift_left3A_505 = arith.constant 4 : i32
      %shift_left3A_506 = vector.broadcast %shift_left3A_505 : i32 to vector<16xi32>
      %shift_left3A_507 = arith.shli %get3A_504, %shift_left3A_506 : vector<16xi32>
      %add3A_508 = arith.constant 0 : i32
      %add3A_509 = vector.broadcast %add3A_508 : i32 to vector<16xi32>
      %add3A_510 = arith.addi %iota3A, %add3A_509 : vector<16xi32>
      %add3A_511 = arith.addi %shift_left3A_507, %add3A_510 : vector<16xi32>
      tpu.vector_store_idx %arg8[%add3A_511], %get3A_502 {add = true} : memref<256xf32, #tpu.memory_space<vmem>>[vector<16xi32>], vector<16xf32>,
      tpu.vector_store_idx %arg9[%add3A_511], %broadcast_in_dim3A_147 {add = true} : memref<256xf32, #tpu.memory_space<vmem>>[vector<16xi32>], vector<16xf32>,
      %add3A_512 = arith.constant 336 : i32
      %add3A_513 = arith.addi %add3A_240, %add3A_512 : i32
      %get3A_514 = arith.index_cast %add3A_513 : i32 to index
      %get3A_515 = tpu.vector_load %arg6[%get3A_514] {strides = array<i32>} : memref<50000xf32, #tpu.memory_space<vmem>>, vector<16xf32>,
      %get3A_516 = arith.index_cast %add3A_513 : i32 to index
      %get3A_517 = tpu.vector_load %arg7[%get3A_516] {strides = array<i32>} : memref<50000xi32, #tpu.memory_space<vmem>>, vector<16xi32>,
      %shift_left3A_518 = arith.constant 4 : i32
      %shift_left3A_519 = vector.broadcast %shift_left3A_518 : i32 to vector<16xi32>
      %shift_left3A_520 = arith.shli %get3A_517, %shift_left3A_519 : vector<16xi32>
      %add3A_521 = arith.constant 0 : i32
      %add3A_522 = vector.broadcast %add3A_521 : i32 to vector<16xi32>
      %add3A_523 = arith.addi %iota3A, %add3A_522 : vector<16xi32>
      %add3A_524 = arith.addi %shift_left3A_520, %add3A_523 : vector<16xi32>
      tpu.vector_store_idx %arg8[%add3A_524], %get3A_515 {add = true} : memref<256xf32, #tpu.memory_space<vmem>>[vector<16xi32>], vector<16xf32>,
      tpu.vector_store_idx %arg9[%add3A_524], %broadcast_in_dim3A_147 {add = true} : memref<256xf32, #tpu.memory_space<vmem>>[vector<16xi32>], vector<16xf32>,
      %add3A_525 = arith.constant 352 : i32
      %add3A_526 = arith.addi %add3A_240, %add3A_525 : i32
      %get3A_527 = arith.index_cast %add3A_526 : i32 to index
      %get3A_528 = tpu.vector_load %arg6[%get3A_527] {strides = array<i32>} : memref<50000xf32, #tpu.memory_space<vmem>>, vector<16xf32>,
      %get3A_529 = arith.index_cast %add3A_526 : i32 to index
      %get3A_530 = tpu.vector_load %arg7[%get3A_529] {strides = array<i32>} : memref<50000xi32, #tpu.memory_space<vmem>>, vector<16xi32>,
      %shift_left3A_531 = arith.constant 4 : i32
      %shift_left3A_532 = vector.broadcast %shift_left3A_531 : i32 to vector<16xi32>
      %shift_left3A_533 = arith.shli %get3A_530, %shift_left3A_532 : vector<16xi32>
      %add3A_534 = arith.constant 0 : i32
      %add3A_535 = vector.broadcast %add3A_534 : i32 to vector<16xi32>
      %add3A_536 = arith.addi %iota3A, %add3A_535 : vector<16xi32>
      %add3A_537 = arith.addi %shift_left3A_533, %add3A_536 : vector<16xi32>
      tpu.vector_store_idx %arg8[%add3A_537], %get3A_528 {add = true} : memref<256xf32, #tpu.memory_space<vmem>>[vector<16xi32>], vector<16xf32>,
      tpu.vector_store_idx %arg9[%add3A_537], %broadcast_in_dim3A_147 {add = true} : memref<256xf32, #tpu.memory_space<vmem>>[vector<16xi32>], vector<16xf32>,
      %add3A_538 = arith.constant 368 : i32
      %add3A_539 = arith.addi %add3A_240, %add3A_538 : i32
      %get3A_540 = arith.index_cast %add3A_539 : i32 to index
      %get3A_541 = tpu.vector_load %arg6[%get3A_540] {strides = array<i32>} : memref<50000xf32, #tpu.memory_space<vmem>>, vector<16xf32>,
      %get3A_542 = arith.index_cast %add3A_539 : i32 to index
      %get3A_543 = tpu.vector_load %arg7[%get3A_542] {strides = array<i32>} : memref<50000xi32, #tpu.memory_space<vmem>>, vector<16xi32>,
      %shift_left3A_544 = arith.constant 4 : i32
      %shift_left3A_545 = vector.broadcast %shift_left3A_544 : i32 to vector<16xi32>
      %shift_left3A_546 = arith.shli %get3A_543, %shift_left3A_545 : vector<16xi32>
      %add3A_547 = arith.constant 0 : i32
      %add3A_548 = vector.broadcast %add3A_547 : i32 to vector<16xi32>
      %add3A_549 = arith.addi %iota3A, %add3A_548 : vector<16xi32>
      %add3A_550 = arith.addi %shift_left3A_546, %add3A_549 : vector<16xi32>
      tpu.vector_store_idx %arg8[%add3A_550], %get3A_541 {add = true} : memref<256xf32, #tpu.memory_space<vmem>>[vector<16xi32>], vector<16xf32>,
      tpu.vector_store_idx %arg9[%add3A_550], %broadcast_in_dim3A_147 {add = true} : memref<256xf32, #tpu.memory_space<vmem>>[vector<16xi32>], vector<16xf32>,
      %add3A_551 = arith.constant 384 : i32
      %add3A_552 = arith.addi %add3A_240, %add3A_551 : i32
      %get3A_553 = arith.index_cast %add3A_552 : i32 to index
      %get3A_554 = tpu.vector_load %arg6[%get3A_553] {strides = array<i32>} : memref<50000xf32, #tpu.memory_space<vmem>>, vector<16xf32>,
      %get3A_555 = arith.index_cast %add3A_552 : i32 to index
      %get3A_556 = tpu.vector_load %arg7[%get3A_555] {strides = array<i32>} : memref<50000xi32, #tpu.memory_space<vmem>>, vector<16xi32>,
      %shift_left3A_557 = arith.constant 4 : i32
      %shift_left3A_558 = vector.broadcast %shift_left3A_557 : i32 to vector<16xi32>
      %shift_left3A_559 = arith.shli %get3A_556, %shift_left3A_558 : vector<16xi32>
      %add3A_560 = arith.constant 0 : i32
      %add3A_561 = vector.broadcast %add3A_560 : i32 to vector<16xi32>
      %add3A_562 = arith.addi %iota3A, %add3A_561 : vector<16xi32>
      %add3A_563 = arith.addi %shift_left3A_559, %add3A_562 : vector<16xi32>
      tpu.vector_store_idx %arg8[%add3A_563], %get3A_554 {add = true} : memref<256xf32, #tpu.memory_space<vmem>>[vector<16xi32>], vector<16xf32>,
      tpu.vector_store_idx %arg9[%add3A_563], %broadcast_in_dim3A_147 {add = true} : memref<256xf32, #tpu.memory_space<vmem>>[vector<16xi32>], vector<16xf32>,
    }
    %scan3A_163 = arith.constant 25 : i32
    %dma_wait3A_164 = arith.constant 10000 : i32
    %dma_wait3A_165 = tpu.memref_slice %arg6[%dma_wait3A_164] : memref<50000xf32, #tpu.memory_space<vmem>> -> memref<10000xf32, #tpu.memory_space<vmem>>
    %dma_wait3A_166 = tpu.memref_slice %arg2[%add3A_19] : memref<1600000xf32, #tpu.memory_space<hbm>> -> memref<10000xf32, #tpu.memory_space<hbm>>
    %dma_wait3A_167 = arith.constant 10000 : i32
    %dma_wait3A_168 = tpu.memref_slice %arg6[%dma_wait3A_167] : memref<50000xf32, #tpu.memory_space<vmem>> -> memref<10000xf32, #tpu.memory_space<vmem>>
    %dma_wait3A_169 = tpu.memref_slice %arg2[%add3A_19] : memref<1600000xf32, #tpu.memory_space<hbm>> -> memref<10000xf32, #tpu.memory_space<hbm>>
    tpu.wait_dma2 semaphore(%arg11 : memref<!tpu.dma_semaphore, #tpu.memory_space<semaphore_mem>>) src(%dma_wait3A_169 : memref<10000xf32, #tpu.memory_space<hbm>>) dst(%dma_wait3A_168 : memref<10000xf32, #tpu.memory_space<vmem>>)
    %dma_wait3A_170 = arith.constant 10000 : i32
    %dma_wait3A_171 = tpu.memref_slice %arg7[%dma_wait3A_170] : memref<50000xi32, #tpu.memory_space<vmem>> -> memref<10000xi32, #tpu.memory_space<vmem>>
    %dma_wait3A_172 = tpu.memref_slice %arg3[%add3A_27] : memref<1600000xi32, #tpu.memory_space<hbm>> -> memref<10000xi32, #tpu.memory_space<hbm>>
    %dma_wait3A_173 = arith.constant 10000 : i32
    %dma_wait3A_174 = tpu.memref_slice %arg7[%dma_wait3A_173] : memref<50000xi32, #tpu.memory_space<vmem>> -> memref<10000xi32, #tpu.memory_space<vmem>>
    %dma_wait3A_175 = tpu.memref_slice %arg3[%add3A_27] : memref<1600000xi32, #tpu.memory_space<hbm>> -> memref<10000xi32, #tpu.memory_space<hbm>>
    tpu.wait_dma2 semaphore(%arg11 : memref<!tpu.dma_semaphore, #tpu.memory_space<semaphore_mem>>) src(%dma_wait3A_175 : memref<10000xi32, #tpu.memory_space<hbm>>) dst(%dma_wait3A_174 : memref<10000xi32, #tpu.memory_space<vmem>>)
    %scan3A_176 = arith.constant 0 : i32
    %scan3A_177 = arith.constant 0 : i32
    %scan3A_178 = arith.constant 25 : i32
    %scan3A_179 = arith.addi %scan3A_177, %scan3A_178 : i32
    %scan3A_180 = arith.constant 1 : i32
    scf.for %scan3A_236 = %scan3A_177 to %scan3A_179 step %scan3A_180  : i32 {
      %mul3A_237 = arith.constant 400 : i32
      %mul3A_238 = arith.muli %scan3A_236, %mul3A_237 : i32
      %add3A_239 = arith.constant 10000 : i32
      %add3A_240 = arith.addi %add3A_239, %mul3A_238 : i32
      %add3A_241 = arith.constant 0 : i32
      %add3A_242 = arith.addi %add3A_240, %add3A_241 : i32
      %get3A = arith.index_cast %add3A_242 : i32 to index
      %get3A_243 = tpu.vector_load %arg6[%get3A] {strides = array<i32>} : memref<50000xf32, #tpu.memory_space<vmem>>, vector<16xf32>,
      %get3A_244 = arith.index_cast %add3A_242 : i32 to index
      %get3A_245 = tpu.vector_load %arg7[%get3A_244] {strides = array<i32>} : memref<50000xi32, #tpu.memory_space<vmem>>, vector<16xi32>,
      %shift_left3A = arith.constant 4 : i32
      %shift_left3A_246 = vector.broadcast %shift_left3A : i32 to vector<16xi32>
      %shift_left3A_247 = arith.shli %get3A_245, %shift_left3A_246 : vector<16xi32>
      %add3A_248 = arith.constant 0 : i32
      %add3A_249 = vector.broadcast %add3A_248 : i32 to vector<16xi32>
      %add3A_250 = arith.addi %iota3A, %add3A_249 : vector<16xi32>
      %add3A_251 = arith.addi %shift_left3A_247, %add3A_250 : vector<16xi32>
      tpu.vector_store_idx %arg8[%add3A_251], %get3A_243 {add = true} : memref<256xf32, #tpu.memory_space<vmem>>[vector<16xi32>], vector<16xf32>,
      tpu.vector_store_idx %arg9[%add3A_251], %broadcast_in_dim3A_147 {add = true} : memref<256xf32, #tpu.memory_space<vmem>>[vector<16xi32>], vector<16xf32>,
      %add3A_252 = arith.constant 16 : i32
      %add3A_253 = arith.addi %add3A_240, %add3A_252 : i32
      %get3A_254 = arith.index_cast %add3A_253 : i32 to index
      %get3A_255 = tpu.vector_load %arg6[%get3A_254] {strides = array<i32>} : memref<50000xf32, #tpu.memory_space<vmem>>, vector<16xf32>,
      %get3A_256 = arith.index_cast %add3A_253 : i32 to index
      %get3A_257 = tpu.vector_load %arg7[%get3A_256] {strides = array<i32>} : memref<50000xi32, #tpu.memory_space<vmem>>, vector<16xi32>,
      %shift_left3A_258 = arith.constant 4 : i32
      %shift_left3A_259 = vector.broadcast %shift_left3A_258 : i32 to vector<16xi32>
      %shift_left3A_260 = arith.shli %get3A_257, %shift_left3A_259 : vector<16xi32>
      %add3A_261 = arith.constant 0 : i32
      %add3A_262 = vector.broadcast %add3A_261 : i32 to vector<16xi32>
      %add3A_263 = arith.addi %iota3A, %add3A_262 : vector<16xi32>
      %add3A_264 = arith.addi %shift_left3A_260, %add3A_263 : vector<16xi32>
      tpu.vector_store_idx %arg8[%add3A_264], %get3A_255 {add = true} : memref<256xf32, #tpu.memory_space<vmem>>[vector<16xi32>], vector<16xf32>,
      tpu.vector_store_idx %arg9[%add3A_264], %broadcast_in_dim3A_147 {add = true} : memref<256xf32, #tpu.memory_space<vmem>>[vector<16xi32>], vector<16xf32>,
      %add3A_265 = arith.constant 32 : i32
      %add3A_266 = arith.addi %add3A_240, %add3A_265 : i32
      %get3A_267 = arith.index_cast %add3A_266 : i32 to index
      %get3A_268 = tpu.vector_load %arg6[%get3A_267] {strides = array<i32>} : memref<50000xf32, #tpu.memory_space<vmem>>, vector<16xf32>,
      %get3A_269 = arith.index_cast %add3A_266 : i32 to index
      %get3A_270 = tpu.vector_load %arg7[%get3A_269] {strides = array<i32>} : memref<50000xi32, #tpu.memory_space<vmem>>, vector<16xi32>,
      %shift_left3A_271 = arith.constant 4 : i32
      %shift_left3A_272 = vector.broadcast %shift_left3A_271 : i32 to vector<16xi32>
      %shift_left3A_273 = arith.shli %get3A_270, %shift_left3A_272 : vector<16xi32>
      %add3A_274 = arith.constant 0 : i32
      %add3A_275 = vector.broadcast %add3A_274 : i32 to vector<16xi32>
      %add3A_276 = arith.addi %iota3A, %add3A_275 : vector<16xi32>
      %add3A_277 = arith.addi %shift_left3A_273, %add3A_276 : vector<16xi32>
      tpu.vector_store_idx %arg8[%add3A_277], %get3A_268 {add = true} : memref<256xf32, #tpu.memory_space<vmem>>[vector<16xi32>], vector<16xf32>,
      tpu.vector_store_idx %arg9[%add3A_277], %broadcast_in_dim3A_147 {add = true} : memref<256xf32, #tpu.memory_space<vmem>>[vector<16xi32>], vector<16xf32>,
      %add3A_278 = arith.constant 48 : i32
      %add3A_279 = arith.addi %add3A_240, %add3A_278 : i32
      %get3A_280 = arith.index_cast %add3A_279 : i32 to index
      %get3A_281 = tpu.vector_load %arg6[%get3A_280] {strides = array<i32>} : memref<50000xf32, #tpu.memory_space<vmem>>, vector<16xf32>,
      %get3A_282 = arith.index_cast %add3A_279 : i32 to index
      %get3A_283 = tpu.vector_load %arg7[%get3A_282] {strides = array<i32>} : memref<50000xi32, #tpu.memory_space<vmem>>, vector<16xi32>,
      %shift_left3A_284 = arith.constant 4 : i32
      %shift_left3A_285 = vector.broadcast %shift_left3A_284 : i32 to vector<16xi32>
      %shift_left3A_286 = arith.shli %get3A_283, %shift_left3A_285 : vector<16xi32>
      %add3A_287 = arith.constant 0 : i32
      %add3A_288 = vector.broadcast %add3A_287 : i32 to vector<16xi32>
      %add3A_289 = arith.addi %iota3A, %add3A_288 : vector<16xi32>
      %add3A_290 = arith.addi %shift_left3A_286, %add3A_289 : vector<16xi32>
      tpu.vector_store_idx %arg8[%add3A_290], %get3A_281 {add = true} : memref<256xf32, #tpu.memory_space<vmem>>[vector<16xi32>], vector<16xf32>,
      tpu.vector_store_idx %arg9[%add3A_290], %broadcast_in_dim3A_147 {add = true} : memref<256xf32, #tpu.memory_space<vmem>>[vector<16xi32>], vector<16xf32>,
      %add3A_291 = arith.constant 64 : i32
      %add3A_292 = arith.addi %add3A_240, %add3A_291 : i32
      %get3A_293 = arith.index_cast %add3A_292 : i32 to index
      %get3A_294 = tpu.vector_load %arg6[%get3A_293] {strides = array<i32>} : memref<50000xf32, #tpu.memory_space<vmem>>, vector<16xf32>,
      %get3A_295 = arith.index_cast %add3A_292 : i32 to index
      %get3A_296 = tpu.vector_load %arg7[%get3A_295] {strides = array<i32>} : memref<50000xi32, #tpu.memory_space<vmem>>, vector<16xi32>,
      %shift_left3A_297 = arith.constant 4 : i32
      %shift_left3A_298 = vector.broadcast %shift_left3A_297 : i32 to vector<16xi32>
      %shift_left3A_299 = arith.shli %get3A_296, %shift_left3A_298 : vector<16xi32>
      %add3A_300 = arith.constant 0 : i32
      %add3A_301 = vector.broadcast %add3A_300 : i32 to vector<16xi32>
      %add3A_302 = arith.addi %iota3A, %add3A_301 : vector<16xi32>
      %add3A_303 = arith.addi %shift_left3A_299, %add3A_302 : vector<16xi32>
      tpu.vector_store_idx %arg8[%add3A_303], %get3A_294 {add = true} : memref<256xf32, #tpu.memory_space<vmem>>[vector<16xi32>], vector<16xf32>,
      tpu.vector_store_idx %arg9[%add3A_303], %broadcast_in_dim3A_147 {add = true} : memref<256xf32, #tpu.memory_space<vmem>>[vector<16xi32>], vector<16xf32>,
      %add3A_304 = arith.constant 80 : i32
      %add3A_305 = arith.addi %add3A_240, %add3A_304 : i32
      %get3A_306 = arith.index_cast %add3A_305 : i32 to index
      %get3A_307 = tpu.vector_load %arg6[%get3A_306] {strides = array<i32>} : memref<50000xf32, #tpu.memory_space<vmem>>, vector<16xf32>,
      %get3A_308 = arith.index_cast %add3A_305 : i32 to index
      %get3A_309 = tpu.vector_load %arg7[%get3A_308] {strides = array<i32>} : memref<50000xi32, #tpu.memory_space<vmem>>, vector<16xi32>,
      %shift_left3A_310 = arith.constant 4 : i32
      %shift_left3A_311 = vector.broadcast %shift_left3A_310 : i32 to vector<16xi32>
      %shift_left3A_312 = arith.shli %get3A_309, %shift_left3A_311 : vector<16xi32>
      %add3A_313 = arith.constant 0 : i32
      %add3A_314 = vector.broadcast %add3A_313 : i32 to vector<16xi32>
      %add3A_315 = arith.addi %iota3A, %add3A_314 : vector<16xi32>
      %add3A_316 = arith.addi %shift_left3A_312, %add3A_315 : vector<16xi32>
      tpu.vector_store_idx %arg8[%add3A_316], %get3A_307 {add = true} : memref<256xf32, #tpu.memory_space<vmem>>[vector<16xi32>], vector<16xf32>,
      tpu.vector_store_idx %arg9[%add3A_316], %broadcast_in_dim3A_147 {add = true} : memref<256xf32, #tpu.memory_space<vmem>>[vector<16xi32>], vector<16xf32>,
      %add3A_317 = arith.constant 96 : i32
      %add3A_318 = arith.addi %add3A_240, %add3A_317 : i32
      %get3A_319 = arith.index_cast %add3A_318 : i32 to index
      %get3A_320 = tpu.vector_load %arg6[%get3A_319] {strides = array<i32>} : memref<50000xf32, #tpu.memory_space<vmem>>, vector<16xf32>,
      %get3A_321 = arith.index_cast %add3A_318 : i32 to index
      %get3A_322 = tpu.vector_load %arg7[%get3A_321] {strides = array<i32>} : memref<50000xi32, #tpu.memory_space<vmem>>, vector<16xi32>,
      %shift_left3A_323 = arith.constant 4 : i32
      %shift_left3A_324 = vector.broadcast %shift_left3A_323 : i32 to vector<16xi32>
      %shift_left3A_325 = arith.shli %get3A_322, %shift_left3A_324 : vector<16xi32>
      %add3A_326 = arith.constant 0 : i32
      %add3A_327 = vector.broadcast %add3A_326 : i32 to vector<16xi32>
      %add3A_328 = arith.addi %iota3A, %add3A_327 : vector<16xi32>
      %add3A_329 = arith.addi %shift_left3A_325, %add3A_328 : vector<16xi32>
      tpu.vector_store_idx %arg8[%add3A_329], %get3A_320 {add = true} : memref<256xf32, #tpu.memory_space<vmem>>[vector<16xi32>], vector<16xf32>,
      tpu.vector_store_idx %arg9[%add3A_329], %broadcast_in_dim3A_147 {add = true} : memref<256xf32, #tpu.memory_space<vmem>>[vector<16xi32>], vector<16xf32>,
      %add3A_330 = arith.constant 112 : i32
      %add3A_331 = arith.addi %add3A_240, %add3A_330 : i32
      %get3A_332 = arith.index_cast %add3A_331 : i32 to index
      %get3A_333 = tpu.vector_load %arg6[%get3A_332] {strides = array<i32>} : memref<50000xf32, #tpu.memory_space<vmem>>, vector<16xf32>,
      %get3A_334 = arith.index_cast %add3A_331 : i32 to index
      %get3A_335 = tpu.vector_load %arg7[%get3A_334] {strides = array<i32>} : memref<50000xi32, #tpu.memory_space<vmem>>, vector<16xi32>,
      %shift_left3A_336 = arith.constant 4 : i32
      %shift_left3A_337 = vector.broadcast %shift_left3A_336 : i32 to vector<16xi32>
      %shift_left3A_338 = arith.shli %get3A_335, %shift_left3A_337 : vector<16xi32>
      %add3A_339 = arith.constant 0 : i32
      %add3A_340 = vector.broadcast %add3A_339 : i32 to vector<16xi32>
      %add3A_341 = arith.addi %iota3A, %add3A_340 : vector<16xi32>
      %add3A_342 = arith.addi %shift_left3A_338, %add3A_341 : vector<16xi32>
      tpu.vector_store_idx %arg8[%add3A_342], %get3A_333 {add = true} : memref<256xf32, #tpu.memory_space<vmem>>[vector<16xi32>], vector<16xf32>,
      tpu.vector_store_idx %arg9[%add3A_342], %broadcast_in_dim3A_147 {add = true} : memref<256xf32, #tpu.memory_space<vmem>>[vector<16xi32>], vector<16xf32>,
      %add3A_343 = arith.constant 128 : i32
      %add3A_344 = arith.addi %add3A_240, %add3A_343 : i32
      %get3A_345 = arith.index_cast %add3A_344 : i32 to index
      %get3A_346 = tpu.vector_load %arg6[%get3A_345] {strides = array<i32>} : memref<50000xf32, #tpu.memory_space<vmem>>, vector<16xf32>,
      %get3A_347 = arith.index_cast %add3A_344 : i32 to index
      %get3A_348 = tpu.vector_load %arg7[%get3A_347] {strides = array<i32>} : memref<50000xi32, #tpu.memory_space<vmem>>, vector<16xi32>,
      %shift_left3A_349 = arith.constant 4 : i32
      %shift_left3A_350 = vector.broadcast %shift_left3A_349 : i32 to vector<16xi32>
      %shift_left3A_351 = arith.shli %get3A_348, %shift_left3A_350 : vector<16xi32>
      %add3A_352 = arith.constant 0 : i32
      %add3A_353 = vector.broadcast %add3A_352 : i32 to vector<16xi32>
      %add3A_354 = arith.addi %iota3A, %add3A_353 : vector<16xi32>
      %add3A_355 = arith.addi %shift_left3A_351, %add3A_354 : vector<16xi32>
      tpu.vector_store_idx %arg8[%add3A_355], %get3A_346 {add = true} : memref<256xf32, #tpu.memory_space<vmem>>[vector<16xi32>], vector<16xf32>,
      tpu.vector_store_idx %arg9[%add3A_355], %broadcast_in_dim3A_147 {add = true} : memref<256xf32, #tpu.memory_space<vmem>>[vector<16xi32>], vector<16xf32>,
      %add3A_356 = arith.constant 144 : i32
      %add3A_357 = arith.addi %add3A_240, %add3A_356 : i32
      %get3A_358 = arith.index_cast %add3A_357 : i32 to index
      %get3A_359 = tpu.vector_load %arg6[%get3A_358] {strides = array<i32>} : memref<50000xf32, #tpu.memory_space<vmem>>, vector<16xf32>,
      %get3A_360 = arith.index_cast %add3A_357 : i32 to index
      %get3A_361 = tpu.vector_load %arg7[%get3A_360] {strides = array<i32>} : memref<50000xi32, #tpu.memory_space<vmem>>, vector<16xi32>,
      %shift_left3A_362 = arith.constant 4 : i32
      %shift_left3A_363 = vector.broadcast %shift_left3A_362 : i32 to vector<16xi32>
      %shift_left3A_364 = arith.shli %get3A_361, %shift_left3A_363 : vector<16xi32>
      %add3A_365 = arith.constant 0 : i32
      %add3A_366 = vector.broadcast %add3A_365 : i32 to vector<16xi32>
      %add3A_367 = arith.addi %iota3A, %add3A_366 : vector<16xi32>
      %add3A_368 = arith.addi %shift_left3A_364, %add3A_367 : vector<16xi32>
      tpu.vector_store_idx %arg8[%add3A_368], %get3A_359 {add = true} : memref<256xf32, #tpu.memory_space<vmem>>[vector<16xi32>], vector<16xf32>,
      tpu.vector_store_idx %arg9[%add3A_368], %broadcast_in_dim3A_147 {add = true} : memref<256xf32, #tpu.memory_space<vmem>>[vector<16xi32>], vector<16xf32>,
      %add3A_369 = arith.constant 160 : i32
      %add3A_370 = arith.addi %add3A_240, %add3A_369 : i32
      %get3A_371 = arith.index_cast %add3A_370 : i32 to index
      %get3A_372 = tpu.vector_load %arg6[%get3A_371] {strides = array<i32>} : memref<50000xf32, #tpu.memory_space<vmem>>, vector<16xf32>,
      %get3A_373 = arith.index_cast %add3A_370 : i32 to index
      %get3A_374 = tpu.vector_load %arg7[%get3A_373] {strides = array<i32>} : memref<50000xi32, #tpu.memory_space<vmem>>, vector<16xi32>,
      %shift_left3A_375 = arith.constant 4 : i32
      %shift_left3A_376 = vector.broadcast %shift_left3A_375 : i32 to vector<16xi32>
      %shift_left3A_377 = arith.shli %get3A_374, %shift_left3A_376 : vector<16xi32>
      %add3A_378 = arith.constant 0 : i32
      %add3A_379 = vector.broadcast %add3A_378 : i32 to vector<16xi32>
      %add3A_380 = arith.addi %iota3A, %add3A_379 : vector<16xi32>
      %add3A_381 = arith.addi %shift_left3A_377, %add3A_380 : vector<16xi32>
      tpu.vector_store_idx %arg8[%add3A_381], %get3A_372 {add = true} : memref<256xf32, #tpu.memory_space<vmem>>[vector<16xi32>], vector<16xf32>,
      tpu.vector_store_idx %arg9[%add3A_381], %broadcast_in_dim3A_147 {add = true} : memref<256xf32, #tpu.memory_space<vmem>>[vector<16xi32>], vector<16xf32>,
      %add3A_382 = arith.constant 176 : i32
      %add3A_383 = arith.addi %add3A_240, %add3A_382 : i32
      %get3A_384 = arith.index_cast %add3A_383 : i32 to index
      %get3A_385 = tpu.vector_load %arg6[%get3A_384] {strides = array<i32>} : memref<50000xf32, #tpu.memory_space<vmem>>, vector<16xf32>,
      %get3A_386 = arith.index_cast %add3A_383 : i32 to index
      %get3A_387 = tpu.vector_load %arg7[%get3A_386] {strides = array<i32>} : memref<50000xi32, #tpu.memory_space<vmem>>, vector<16xi32>,
      %shift_left3A_388 = arith.constant 4 : i32
      %shift_left3A_389 = vector.broadcast %shift_left3A_388 : i32 to vector<16xi32>
      %shift_left3A_390 = arith.shli %get3A_387, %shift_left3A_389 : vector<16xi32>
      %add3A_391 = arith.constant 0 : i32
      %add3A_392 = vector.broadcast %add3A_391 : i32 to vector<16xi32>
      %add3A_393 = arith.addi %iota3A, %add3A_392 : vector<16xi32>
      %add3A_394 = arith.addi %shift_left3A_390, %add3A_393 : vector<16xi32>
      tpu.vector_store_idx %arg8[%add3A_394], %get3A_385 {add = true} : memref<256xf32, #tpu.memory_space<vmem>>[vector<16xi32>], vector<16xf32>,
      tpu.vector_store_idx %arg9[%add3A_394], %broadcast_in_dim3A_147 {add = true} : memref<256xf32, #tpu.memory_space<vmem>>[vector<16xi32>], vector<16xf32>,
      %add3A_395 = arith.constant 192 : i32
      %add3A_396 = arith.addi %add3A_240, %add3A_395 : i32
      %get3A_397 = arith.index_cast %add3A_396 : i32 to index
      %get3A_398 = tpu.vector_load %arg6[%get3A_397] {strides = array<i32>} : memref<50000xf32, #tpu.memory_space<vmem>>, vector<16xf32>,
      %get3A_399 = arith.index_cast %add3A_396 : i32 to index
      %get3A_400 = tpu.vector_load %arg7[%get3A_399] {strides = array<i32>} : memref<50000xi32, #tpu.memory_space<vmem>>, vector<16xi32>,
      %shift_left3A_401 = arith.constant 4 : i32
      %shift_left3A_402 = vector.broadcast %shift_left3A_401 : i32 to vector<16xi32>
      %shift_left3A_403 = arith.shli %get3A_400, %shift_left3A_402 : vector<16xi32>
      %add3A_404 = arith.constant 0 : i32
      %add3A_405 = vector.broadcast %add3A_404 : i32 to vector<16xi32>
      %add3A_406 = arith.addi %iota3A, %add3A_405 : vector<16xi32>
      %add3A_407 = arith.addi %shift_left3A_403, %add3A_406 : vector<16xi32>
      tpu.vector_store_idx %arg8[%add3A_407], %get3A_398 {add = true} : memref<256xf32, #tpu.memory_space<vmem>>[vector<16xi32>], vector<16xf32>,
      tpu.vector_store_idx %arg9[%add3A_407], %broadcast_in_dim3A_147 {add = true} : memref<256xf32, #tpu.memory_space<vmem>>[vector<16xi32>], vector<16xf32>,
      %add3A_408 = arith.constant 208 : i32
      %add3A_409 = arith.addi %add3A_240, %add3A_408 : i32
      %get3A_410 = arith.index_cast %add3A_409 : i32 to index
      %get3A_411 = tpu.vector_load %arg6[%get3A_410] {strides = array<i32>} : memref<50000xf32, #tpu.memory_space<vmem>>, vector<16xf32>,
      %get3A_412 = arith.index_cast %add3A_409 : i32 to index
      %get3A_413 = tpu.vector_load %arg7[%get3A_412] {strides = array<i32>} : memref<50000xi32, #tpu.memory_space<vmem>>, vector<16xi32>,
      %shift_left3A_414 = arith.constant 4 : i32
      %shift_left3A_415 = vector.broadcast %shift_left3A_414 : i32 to vector<16xi32>
      %shift_left3A_416 = arith.shli %get3A_413, %shift_left3A_415 : vector<16xi32>
      %add3A_417 = arith.constant 0 : i32
      %add3A_418 = vector.broadcast %add3A_417 : i32 to vector<16xi32>
      %add3A_419 = arith.addi %iota3A, %add3A_418 : vector<16xi32>
      %add3A_420 = arith.addi %shift_left3A_416, %add3A_419 : vector<16xi32>
      tpu.vector_store_idx %arg8[%add3A_420], %get3A_411 {add = true} : memref<256xf32, #tpu.memory_space<vmem>>[vector<16xi32>], vector<16xf32>,
      tpu.vector_store_idx %arg9[%add3A_420], %broadcast_in_dim3A_147 {add = true} : memref<256xf32, #tpu.memory_space<vmem>>[vector<16xi32>], vector<16xf32>,
      %add3A_421 = arith.constant 224 : i32
      %add3A_422 = arith.addi %add3A_240, %add3A_421 : i32
      %get3A_423 = arith.index_cast %add3A_422 : i32 to index
      %get3A_424 = tpu.vector_load %arg6[%get3A_423] {strides = array<i32>} : memref<50000xf32, #tpu.memory_space<vmem>>, vector<16xf32>,
      %get3A_425 = arith.index_cast %add3A_422 : i32 to index
      %get3A_426 = tpu.vector_load %arg7[%get3A_425] {strides = array<i32>} : memref<50000xi32, #tpu.memory_space<vmem>>, vector<16xi32>,
      %shift_left3A_427 = arith.constant 4 : i32
      %shift_left3A_428 = vector.broadcast %shift_left3A_427 : i32 to vector<16xi32>
      %shift_left3A_429 = arith.shli %get3A_426, %shift_left3A_428 : vector<16xi32>
      %add3A_430 = arith.constant 0 : i32
      %add3A_431 = vector.broadcast %add3A_430 : i32 to vector<16xi32>
      %add3A_432 = arith.addi %iota3A, %add3A_431 : vector<16xi32>
      %add3A_433 = arith.addi %shift_left3A_429, %add3A_432 : vector<16xi32>
      tpu.vector_store_idx %arg8[%add3A_433], %get3A_424 {add = true} : memref<256xf32, #tpu.memory_space<vmem>>[vector<16xi32>], vector<16xf32>,
      tpu.vector_store_idx %arg9[%add3A_433], %broadcast_in_dim3A_147 {add = true} : memref<256xf32, #tpu.memory_space<vmem>>[vector<16xi32>], vector<16xf32>,
      %add3A_434 = arith.constant 240 : i32
      %add3A_435 = arith.addi %add3A_240, %add3A_434 : i32
      %get3A_436 = arith.index_cast %add3A_435 : i32 to index
      %get3A_437 = tpu.vector_load %arg6[%get3A_436] {strides = array<i32>} : memref<50000xf32, #tpu.memory_space<vmem>>, vector<16xf32>,
      %get3A_438 = arith.index_cast %add3A_435 : i32 to index
      %get3A_439 = tpu.vector_load %arg7[%get3A_438] {strides = array<i32>} : memref<50000xi32, #tpu.memory_space<vmem>>, vector<16xi32>,
      %shift_left3A_440 = arith.constant 4 : i32
      %shift_left3A_441 = vector.broadcast %shift_left3A_440 : i32 to vector<16xi32>
      %shift_left3A_442 = arith.shli %get3A_439, %shift_left3A_441 : vector<16xi32>
      %add3A_443 = arith.constant 0 : i32
      %add3A_444 = vector.broadcast %add3A_443 : i32 to vector<16xi32>
      %add3A_445 = arith.addi %iota3A, %add3A_444 : vector<16xi32>
      %add3A_446 = arith.addi %shift_left3A_442, %add3A_445 : vector<16xi32>
      tpu.vector_store_idx %arg8[%add3A_446], %get3A_437 {add = true} : memref<256xf32, #tpu.memory_space<vmem>>[vector<16xi32>], vector<16xf32>,
      tpu.vector_store_idx %arg9[%add3A_446], %broadcast_in_dim3A_147 {add = true} : memref<256xf32, #tpu.memory_space<vmem>>[vector<16xi32>], vector<16xf32>,
      %add3A_447 = arith.constant 256 : i32
      %add3A_448 = arith.addi %add3A_240, %add3A_447 : i32
      %get3A_449 = arith.index_cast %add3A_448 : i32 to index
      %get3A_450 = tpu.vector_load %arg6[%get3A_449] {strides = array<i32>} : memref<50000xf32, #tpu.memory_space<vmem>>, vector<16xf32>,
      %get3A_451 = arith.index_cast %add3A_448 : i32 to index
      %get3A_452 = tpu.vector_load %arg7[%get3A_451] {strides = array<i32>} : memref<50000xi32, #tpu.memory_space<vmem>>, vector<16xi32>,
      %shift_left3A_453 = arith.constant 4 : i32
      %shift_left3A_454 = vector.broadcast %shift_left3A_453 : i32 to vector<16xi32>
      %shift_left3A_455 = arith.shli %get3A_452, %shift_left3A_454 : vector<16xi32>
      %add3A_456 = arith.constant 0 : i32
      %add3A_457 = vector.broadcast %add3A_456 : i32 to vector<16xi32>
      %add3A_458 = arith.addi %iota3A, %add3A_457 : vector<16xi32>
      %add3A_459 = arith.addi %shift_left3A_455, %add3A_458 : vector<16xi32>
      tpu.vector_store_idx %arg8[%add3A_459], %get3A_450 {add = true} : memref<256xf32, #tpu.memory_space<vmem>>[vector<16xi32>], vector<16xf32>,
      tpu.vector_store_idx %arg9[%add3A_459], %broadcast_in_dim3A_147 {add = true} : memref<256xf32, #tpu.memory_space<vmem>>[vector<16xi32>], vector<16xf32>,
      %add3A_460 = arith.constant 272 : i32
      %add3A_461 = arith.addi %add3A_240, %add3A_460 : i32
      %get3A_462 = arith.index_cast %add3A_461 : i32 to index
      %get3A_463 = tpu.vector_load %arg6[%get3A_462] {strides = array<i32>} : memref<50000xf32, #tpu.memory_space<vmem>>, vector<16xf32>,
      %get3A_464 = arith.index_cast %add3A_461 : i32 to index
      %get3A_465 = tpu.vector_load %arg7[%get3A_464] {strides = array<i32>} : memref<50000xi32, #tpu.memory_space<vmem>>, vector<16xi32>,
      %shift_left3A_466 = arith.constant 4 : i32
      %shift_left3A_467 = vector.broadcast %shift_left3A_466 : i32 to vector<16xi32>
      %shift_left3A_468 = arith.shli %get3A_465, %shift_left3A_467 : vector<16xi32>
      %add3A_469 = arith.constant 0 : i32
      %add3A_470 = vector.broadcast %add3A_469 : i32 to vector<16xi32>
      %add3A_471 = arith.addi %iota3A, %add3A_470 : vector<16xi32>
      %add3A_472 = arith.addi %shift_left3A_468, %add3A_471 : vector<16xi32>
      tpu.vector_store_idx %arg8[%add3A_472], %get3A_463 {add = true} : memref<256xf32, #tpu.memory_space<vmem>>[vector<16xi32>], vector<16xf32>,
      tpu.vector_store_idx %arg9[%add3A_472], %broadcast_in_dim3A_147 {add = true} : memref<256xf32, #tpu.memory_space<vmem>>[vector<16xi32>], vector<16xf32>,
      %add3A_473 = arith.constant 288 : i32
      %add3A_474 = arith.addi %add3A_240, %add3A_473 : i32
      %get3A_475 = arith.index_cast %add3A_474 : i32 to index
      %get3A_476 = tpu.vector_load %arg6[%get3A_475] {strides = array<i32>} : memref<50000xf32, #tpu.memory_space<vmem>>, vector<16xf32>,
      %get3A_477 = arith.index_cast %add3A_474 : i32 to index
      %get3A_478 = tpu.vector_load %arg7[%get3A_477] {strides = array<i32>} : memref<50000xi32, #tpu.memory_space<vmem>>, vector<16xi32>,
      %shift_left3A_479 = arith.constant 4 : i32
      %shift_left3A_480 = vector.broadcast %shift_left3A_479 : i32 to vector<16xi32>
      %shift_left3A_481 = arith.shli %get3A_478, %shift_left3A_480 : vector<16xi32>
      %add3A_482 = arith.constant 0 : i32
      %add3A_483 = vector.broadcast %add3A_482 : i32 to vector<16xi32>
      %add3A_484 = arith.addi %iota3A, %add3A_483 : vector<16xi32>
      %add3A_485 = arith.addi %shift_left3A_481, %add3A_484 : vector<16xi32>
      tpu.vector_store_idx %arg8[%add3A_485], %get3A_476 {add = true} : memref<256xf32, #tpu.memory_space<vmem>>[vector<16xi32>], vector<16xf32>,
      tpu.vector_store_idx %arg9[%add3A_485], %broadcast_in_dim3A_147 {add = true} : memref<256xf32, #tpu.memory_space<vmem>>[vector<16xi32>], vector<16xf32>,
      %add3A_486 = arith.constant 304 : i32
      %add3A_487 = arith.addi %add3A_240, %add3A_486 : i32
      %get3A_488 = arith.index_cast %add3A_487 : i32 to index
      %get3A_489 = tpu.vector_load %arg6[%get3A_488] {strides = array<i32>} : memref<50000xf32, #tpu.memory_space<vmem>>, vector<16xf32>,
      %get3A_490 = arith.index_cast %add3A_487 : i32 to index
      %get3A_491 = tpu.vector_load %arg7[%get3A_490] {strides = array<i32>} : memref<50000xi32, #tpu.memory_space<vmem>>, vector<16xi32>,
      %shift_left3A_492 = arith.constant 4 : i32
      %shift_left3A_493 = vector.broadcast %shift_left3A_492 : i32 to vector<16xi32>
      %shift_left3A_494 = arith.shli %get3A_491, %shift_left3A_493 : vector<16xi32>
      %add3A_495 = arith.constant 0 : i32
      %add3A_496 = vector.broadcast %add3A_495 : i32 to vector<16xi32>
      %add3A_497 = arith.addi %iota3A, %add3A_496 : vector<16xi32>
      %add3A_498 = arith.addi %shift_left3A_494, %add3A_497 : vector<16xi32>
      tpu.vector_store_idx %arg8[%add3A_498], %get3A_489 {add = true} : memref<256xf32, #tpu.memory_space<vmem>>[vector<16xi32>], vector<16xf32>,
      tpu.vector_store_idx %arg9[%add3A_498], %broadcast_in_dim3A_147 {add = true} : memref<256xf32, #tpu.memory_space<vmem>>[vector<16xi32>], vector<16xf32>,
      %add3A_499 = arith.constant 320 : i32
      %add3A_500 = arith.addi %add3A_240, %add3A_499 : i32
      %get3A_501 = arith.index_cast %add3A_500 : i32 to index
      %get3A_502 = tpu.vector_load %arg6[%get3A_501] {strides = array<i32>} : memref<50000xf32, #tpu.memory_space<vmem>>, vector<16xf32>,
      %get3A_503 = arith.index_cast %add3A_500 : i32 to index
      %get3A_504 = tpu.vector_load %arg7[%get3A_503] {strides = array<i32>} : memref<50000xi32, #tpu.memory_space<vmem>>, vector<16xi32>,
      %shift_left3A_505 = arith.constant 4 : i32
      %shift_left3A_506 = vector.broadcast %shift_left3A_505 : i32 to vector<16xi32>
      %shift_left3A_507 = arith.shli %get3A_504, %shift_left3A_506 : vector<16xi32>
      %add3A_508 = arith.constant 0 : i32
      %add3A_509 = vector.broadcast %add3A_508 : i32 to vector<16xi32>
      %add3A_510 = arith.addi %iota3A, %add3A_509 : vector<16xi32>
      %add3A_511 = arith.addi %shift_left3A_507, %add3A_510 : vector<16xi32>
      tpu.vector_store_idx %arg8[%add3A_511], %get3A_502 {add = true} : memref<256xf32, #tpu.memory_space<vmem>>[vector<16xi32>], vector<16xf32>,
      tpu.vector_store_idx %arg9[%add3A_511], %broadcast_in_dim3A_147 {add = true} : memref<256xf32, #tpu.memory_space<vmem>>[vector<16xi32>], vector<16xf32>,
      %add3A_512 = arith.constant 336 : i32
      %add3A_513 = arith.addi %add3A_240, %add3A_512 : i32
      %get3A_514 = arith.index_cast %add3A_513 : i32 to index
      %get3A_515 = tpu.vector_load %arg6[%get3A_514] {strides = array<i32>} : memref<50000xf32, #tpu.memory_space<vmem>>, vector<16xf32>,
      %get3A_516 = arith.index_cast %add3A_513 : i32 to index
      %get3A_517 = tpu.vector_load %arg7[%get3A_516] {strides = array<i32>} : memref<50000xi32, #tpu.memory_space<vmem>>, vector<16xi32>,
      %shift_left3A_518 = arith.constant 4 : i32
      %shift_left3A_519 = vector.broadcast %shift_left3A_518 : i32 to vector<16xi32>
      %shift_left3A_520 = arith.shli %get3A_517, %shift_left3A_519 : vector<16xi32>
      %add3A_521 = arith.constant 0 : i32
      %add3A_522 = vector.broadcast %add3A_521 : i32 to vector<16xi32>
      %add3A_523 = arith.addi %iota3A, %add3A_522 : vector<16xi32>
      %add3A_524 = arith.addi %shift_left3A_520, %add3A_523 : vector<16xi32>
      tpu.vector_store_idx %arg8[%add3A_524], %get3A_515 {add = true} : memref<256xf32, #tpu.memory_space<vmem>>[vector<16xi32>], vector<16xf32>,
      tpu.vector_store_idx %arg9[%add3A_524], %broadcast_in_dim3A_147 {add = true} : memref<256xf32, #tpu.memory_space<vmem>>[vector<16xi32>], vector<16xf32>,
      %add3A_525 = arith.constant 352 : i32
      %add3A_526 = arith.addi %add3A_240, %add3A_525 : i32
      %get3A_527 = arith.index_cast %add3A_526 : i32 to index
      %get3A_528 = tpu.vector_load %arg6[%get3A_527] {strides = array<i32>} : memref<50000xf32, #tpu.memory_space<vmem>>, vector<16xf32>,
      %get3A_529 = arith.index_cast %add3A_526 : i32 to index
      %get3A_530 = tpu.vector_load %arg7[%get3A_529] {strides = array<i32>} : memref<50000xi32, #tpu.memory_space<vmem>>, vector<16xi32>,
      %shift_left3A_531 = arith.constant 4 : i32
      %shift_left3A_532 = vector.broadcast %shift_left3A_531 : i32 to vector<16xi32>
      %shift_left3A_533 = arith.shli %get3A_530, %shift_left3A_532 : vector<16xi32>
      %add3A_534 = arith.constant 0 : i32
      %add3A_535 = vector.broadcast %add3A_534 : i32 to vector<16xi32>
      %add3A_536 = arith.addi %iota3A, %add3A_535 : vector<16xi32>
      %add3A_537 = arith.addi %shift_left3A_533, %add3A_536 : vector<16xi32>
      tpu.vector_store_idx %arg8[%add3A_537], %get3A_528 {add = true} : memref<256xf32, #tpu.memory_space<vmem>>[vector<16xi32>], vector<16xf32>,
      tpu.vector_store_idx %arg9[%add3A_537], %broadcast_in_dim3A_147 {add = true} : memref<256xf32, #tpu.memory_space<vmem>>[vector<16xi32>], vector<16xf32>,
      %add3A_538 = arith.constant 368 : i32
      %add3A_539 = arith.addi %add3A_240, %add3A_538 : i32
      %get3A_540 = arith.index_cast %add3A_539 : i32 to index
      %get3A_541 = tpu.vector_load %arg6[%get3A_540] {strides = array<i32>} : memref<50000xf32, #tpu.memory_space<vmem>>, vector<16xf32>,
      %get3A_542 = arith.index_cast %add3A_539 : i32 to index
      %get3A_543 = tpu.vector_load %arg7[%get3A_542] {strides = array<i32>} : memref<50000xi32, #tpu.memory_space<vmem>>, vector<16xi32>,
      %shift_left3A_544 = arith.constant 4 : i32
      %shift_left3A_545 = vector.broadcast %shift_left3A_544 : i32 to vector<16xi32>
      %shift_left3A_546 = arith.shli %get3A_543, %shift_left3A_545 : vector<16xi32>
      %add3A_547 = arith.constant 0 : i32
      %add3A_548 = vector.broadcast %add3A_547 : i32 to vector<16xi32>
      %add3A_549 = arith.addi %iota3A, %add3A_548 : vector<16xi32>
      %add3A_550 = arith.addi %shift_left3A_546, %add3A_549 : vector<16xi32>
      tpu.vector_store_idx %arg8[%add3A_550], %get3A_541 {add = true} : memref<256xf32, #tpu.memory_space<vmem>>[vector<16xi32>], vector<16xf32>,
      tpu.vector_store_idx %arg9[%add3A_550], %broadcast_in_dim3A_147 {add = true} : memref<256xf32, #tpu.memory_space<vmem>>[vector<16xi32>], vector<16xf32>,
      %add3A_551 = arith.constant 384 : i32
      %add3A_552 = arith.addi %add3A_240, %add3A_551 : i32
      %get3A_553 = arith.index_cast %add3A_552 : i32 to index
      %get3A_554 = tpu.vector_load %arg6[%get3A_553] {strides = array<i32>} : memref<50000xf32, #tpu.memory_space<vmem>>, vector<16xf32>,
      %get3A_555 = arith.index_cast %add3A_552 : i32 to index
      %get3A_556 = tpu.vector_load %arg7[%get3A_555] {strides = array<i32>} : memref<50000xi32, #tpu.memory_space<vmem>>, vector<16xi32>,
      %shift_left3A_557 = arith.constant 4 : i32
      %shift_left3A_558 = vector.broadcast %shift_left3A_557 : i32 to vector<16xi32>
      %shift_left3A_559 = arith.shli %get3A_556, %shift_left3A_558 : vector<16xi32>
      %add3A_560 = arith.constant 0 : i32
      %add3A_561 = vector.broadcast %add3A_560 : i32 to vector<16xi32>
      %add3A_562 = arith.addi %iota3A, %add3A_561 : vector<16xi32>
      %add3A_563 = arith.addi %shift_left3A_559, %add3A_562 : vector<16xi32>
      tpu.vector_store_idx %arg8[%add3A_563], %get3A_554 {add = true} : memref<256xf32, #tpu.memory_space<vmem>>[vector<16xi32>], vector<16xf32>,
      tpu.vector_store_idx %arg9[%add3A_563], %broadcast_in_dim3A_147 {add = true} : memref<256xf32, #tpu.memory_space<vmem>>[vector<16xi32>], vector<16xf32>,
    }
    %scan3A_181 = arith.constant 25 : i32
    %dma_wait3A_182 = arith.constant 20000 : i32
    %dma_wait3A_183 = tpu.memref_slice %arg6[%dma_wait3A_182] : memref<50000xf32, #tpu.memory_space<vmem>> -> memref<10000xf32, #tpu.memory_space<vmem>>
    %dma_wait3A_184 = tpu.memref_slice %arg2[%add3A_35] : memref<1600000xf32, #tpu.memory_space<hbm>> -> memref<10000xf32, #tpu.memory_space<hbm>>
    %dma_wait3A_185 = arith.constant 20000 : i32
    %dma_wait3A_186 = tpu.memref_slice %arg6[%dma_wait3A_185] : memref<50000xf32, #tpu.memory_space<vmem>> -> memref<10000xf32, #tpu.memory_space<vmem>>
    %dma_wait3A_187 = tpu.memref_slice %arg2[%add3A_35] : memref<1600000xf32, #tpu.memory_space<hbm>> -> memref<10000xf32, #tpu.memory_space<hbm>>
    tpu.wait_dma2 semaphore(%arg12 : memref<!tpu.dma_semaphore, #tpu.memory_space<semaphore_mem>>) src(%dma_wait3A_187 : memref<10000xf32, #tpu.memory_space<hbm>>) dst(%dma_wait3A_186 : memref<10000xf32, #tpu.memory_space<vmem>>)
    %dma_wait3A_188 = arith.constant 20000 : i32
    %dma_wait3A_189 = tpu.memref_slice %arg7[%dma_wait3A_188] : memref<50000xi32, #tpu.memory_space<vmem>> -> memref<10000xi32, #tpu.memory_space<vmem>>
    %dma_wait3A_190 = tpu.memref_slice %arg3[%add3A_43] : memref<1600000xi32, #tpu.memory_space<hbm>> -> memref<10000xi32, #tpu.memory_space<hbm>>
    %dma_wait3A_191 = arith.constant 20000 : i32
    %dma_wait3A_192 = tpu.memref_slice %arg7[%dma_wait3A_191] : memref<50000xi32, #tpu.memory_space<vmem>> -> memref<10000xi32, #tpu.memory_space<vmem>>
    %dma_wait3A_193 = tpu.memref_slice %arg3[%add3A_43] : memref<1600000xi32, #tpu.memory_space<hbm>> -> memref<10000xi32, #tpu.memory_space<hbm>>
    tpu.wait_dma2 semaphore(%arg12 : memref<!tpu.dma_semaphore, #tpu.memory_space<semaphore_mem>>) src(%dma_wait3A_193 : memref<10000xi32, #tpu.memory_space<hbm>>) dst(%dma_wait3A_192 : memref<10000xi32, #tpu.memory_space<vmem>>)
    %scan3A_194 = arith.constant 0 : i32
    %scan3A_195 = arith.constant 0 : i32
    %scan3A_196 = arith.constant 25 : i32
    %scan3A_197 = arith.addi %scan3A_195, %scan3A_196 : i32
    %scan3A_198 = arith.constant 1 : i32
    scf.for %scan3A_236 = %scan3A_195 to %scan3A_197 step %scan3A_198  : i32 {
      %mul3A_237 = arith.constant 400 : i32
      %mul3A_238 = arith.muli %scan3A_236, %mul3A_237 : i32
      %add3A_239 = arith.constant 20000 : i32
      %add3A_240 = arith.addi %add3A_239, %mul3A_238 : i32
      %add3A_241 = arith.constant 0 : i32
      %add3A_242 = arith.addi %add3A_240, %add3A_241 : i32
      %get3A = arith.index_cast %add3A_242 : i32 to index
      %get3A_243 = tpu.vector_load %arg6[%get3A] {strides = array<i32>} : memref<50000xf32, #tpu.memory_space<vmem>>, vector<16xf32>,
      %get3A_244 = arith.index_cast %add3A_242 : i32 to index
      %get3A_245 = tpu.vector_load %arg7[%get3A_244] {strides = array<i32>} : memref<50000xi32, #tpu.memory_space<vmem>>, vector<16xi32>,
      %shift_left3A = arith.constant 4 : i32
      %shift_left3A_246 = vector.broadcast %shift_left3A : i32 to vector<16xi32>
      %shift_left3A_247 = arith.shli %get3A_245, %shift_left3A_246 : vector<16xi32>
      %add3A_248 = arith.constant 0 : i32
      %add3A_249 = vector.broadcast %add3A_248 : i32 to vector<16xi32>
      %add3A_250 = arith.addi %iota3A, %add3A_249 : vector<16xi32>
      %add3A_251 = arith.addi %shift_left3A_247, %add3A_250 : vector<16xi32>
      tpu.vector_store_idx %arg8[%add3A_251], %get3A_243 {add = true} : memref<256xf32, #tpu.memory_space<vmem>>[vector<16xi32>], vector<16xf32>,
      tpu.vector_store_idx %arg9[%add3A_251], %broadcast_in_dim3A_147 {add = true} : memref<256xf32, #tpu.memory_space<vmem>>[vector<16xi32>], vector<16xf32>,
      %add3A_252 = arith.constant 16 : i32
      %add3A_253 = arith.addi %add3A_240, %add3A_252 : i32
      %get3A_254 = arith.index_cast %add3A_253 : i32 to index
      %get3A_255 = tpu.vector_load %arg6[%get3A_254] {strides = array<i32>} : memref<50000xf32, #tpu.memory_space<vmem>>, vector<16xf32>,
      %get3A_256 = arith.index_cast %add3A_253 : i32 to index
      %get3A_257 = tpu.vector_load %arg7[%get3A_256] {strides = array<i32>} : memref<50000xi32, #tpu.memory_space<vmem>>, vector<16xi32>,
      %shift_left3A_258 = arith.constant 4 : i32
      %shift_left3A_259 = vector.broadcast %shift_left3A_258 : i32 to vector<16xi32>
      %shift_left3A_260 = arith.shli %get3A_257, %shift_left3A_259 : vector<16xi32>
      %add3A_261 = arith.constant 0 : i32
      %add3A_262 = vector.broadcast %add3A_261 : i32 to vector<16xi32>
      %add3A_263 = arith.addi %iota3A, %add3A_262 : vector<16xi32>
      %add3A_264 = arith.addi %shift_left3A_260, %add3A_263 : vector<16xi32>
      tpu.vector_store_idx %arg8[%add3A_264], %get3A_255 {add = true} : memref<256xf32, #tpu.memory_space<vmem>>[vector<16xi32>], vector<16xf32>,
      tpu.vector_store_idx %arg9[%add3A_264], %broadcast_in_dim3A_147 {add = true} : memref<256xf32, #tpu.memory_space<vmem>>[vector<16xi32>], vector<16xf32>,
      %add3A_265 = arith.constant 32 : i32
      %add3A_266 = arith.addi %add3A_240, %add3A_265 : i32
      %get3A_267 = arith.index_cast %add3A_266 : i32 to index
      %get3A_268 = tpu.vector_load %arg6[%get3A_267] {strides = array<i32>} : memref<50000xf32, #tpu.memory_space<vmem>>, vector<16xf32>,
      %get3A_269 = arith.index_cast %add3A_266 : i32 to index
      %get3A_270 = tpu.vector_load %arg7[%get3A_269] {strides = array<i32>} : memref<50000xi32, #tpu.memory_space<vmem>>, vector<16xi32>,
      %shift_left3A_271 = arith.constant 4 : i32
      %shift_left3A_272 = vector.broadcast %shift_left3A_271 : i32 to vector<16xi32>
      %shift_left3A_273 = arith.shli %get3A_270, %shift_left3A_272 : vector<16xi32>
      %add3A_274 = arith.constant 0 : i32
      %add3A_275 = vector.broadcast %add3A_274 : i32 to vector<16xi32>
      %add3A_276 = arith.addi %iota3A, %add3A_275 : vector<16xi32>
      %add3A_277 = arith.addi %shift_left3A_273, %add3A_276 : vector<16xi32>
      tpu.vector_store_idx %arg8[%add3A_277], %get3A_268 {add = true} : memref<256xf32, #tpu.memory_space<vmem>>[vector<16xi32>], vector<16xf32>,
      tpu.vector_store_idx %arg9[%add3A_277], %broadcast_in_dim3A_147 {add = true} : memref<256xf32, #tpu.memory_space<vmem>>[vector<16xi32>], vector<16xf32>,
      %add3A_278 = arith.constant 48 : i32
      %add3A_279 = arith.addi %add3A_240, %add3A_278 : i32
      %get3A_280 = arith.index_cast %add3A_279 : i32 to index
      %get3A_281 = tpu.vector_load %arg6[%get3A_280] {strides = array<i32>} : memref<50000xf32, #tpu.memory_space<vmem>>, vector<16xf32>,
      %get3A_282 = arith.index_cast %add3A_279 : i32 to index
      %get3A_283 = tpu.vector_load %arg7[%get3A_282] {strides = array<i32>} : memref<50000xi32, #tpu.memory_space<vmem>>, vector<16xi32>,
      %shift_left3A_284 = arith.constant 4 : i32
      %shift_left3A_285 = vector.broadcast %shift_left3A_284 : i32 to vector<16xi32>
      %shift_left3A_286 = arith.shli %get3A_283, %shift_left3A_285 : vector<16xi32>
      %add3A_287 = arith.constant 0 : i32
      %add3A_288 = vector.broadcast %add3A_287 : i32 to vector<16xi32>
      %add3A_289 = arith.addi %iota3A, %add3A_288 : vector<16xi32>
      %add3A_290 = arith.addi %shift_left3A_286, %add3A_289 : vector<16xi32>
      tpu.vector_store_idx %arg8[%add3A_290], %get3A_281 {add = true} : memref<256xf32, #tpu.memory_space<vmem>>[vector<16xi32>], vector<16xf32>,
      tpu.vector_store_idx %arg9[%add3A_290], %broadcast_in_dim3A_147 {add = true} : memref<256xf32, #tpu.memory_space<vmem>>[vector<16xi32>], vector<16xf32>,
      %add3A_291 = arith.constant 64 : i32
      %add3A_292 = arith.addi %add3A_240, %add3A_291 : i32
      %get3A_293 = arith.index_cast %add3A_292 : i32 to index
      %get3A_294 = tpu.vector_load %arg6[%get3A_293] {strides = array<i32>} : memref<50000xf32, #tpu.memory_space<vmem>>, vector<16xf32>,
      %get3A_295 = arith.index_cast %add3A_292 : i32 to index
      %get3A_296 = tpu.vector_load %arg7[%get3A_295] {strides = array<i32>} : memref<50000xi32, #tpu.memory_space<vmem>>, vector<16xi32>,
      %shift_left3A_297 = arith.constant 4 : i32
      %shift_left3A_298 = vector.broadcast %shift_left3A_297 : i32 to vector<16xi32>
      %shift_left3A_299 = arith.shli %get3A_296, %shift_left3A_298 : vector<16xi32>
      %add3A_300 = arith.constant 0 : i32
      %add3A_301 = vector.broadcast %add3A_300 : i32 to vector<16xi32>
      %add3A_302 = arith.addi %iota3A, %add3A_301 : vector<16xi32>
      %add3A_303 = arith.addi %shift_left3A_299, %add3A_302 : vector<16xi32>
      tpu.vector_store_idx %arg8[%add3A_303], %get3A_294 {add = true} : memref<256xf32, #tpu.memory_space<vmem>>[vector<16xi32>], vector<16xf32>,
      tpu.vector_store_idx %arg9[%add3A_303], %broadcast_in_dim3A_147 {add = true} : memref<256xf32, #tpu.memory_space<vmem>>[vector<16xi32>], vector<16xf32>,
      %add3A_304 = arith.constant 80 : i32
      %add3A_305 = arith.addi %add3A_240, %add3A_304 : i32
      %get3A_306 = arith.index_cast %add3A_305 : i32 to index
      %get3A_307 = tpu.vector_load %arg6[%get3A_306] {strides = array<i32>} : memref<50000xf32, #tpu.memory_space<vmem>>, vector<16xf32>,
      %get3A_308 = arith.index_cast %add3A_305 : i32 to index
      %get3A_309 = tpu.vector_load %arg7[%get3A_308] {strides = array<i32>} : memref<50000xi32, #tpu.memory_space<vmem>>, vector<16xi32>,
      %shift_left3A_310 = arith.constant 4 : i32
      %shift_left3A_311 = vector.broadcast %shift_left3A_310 : i32 to vector<16xi32>
      %shift_left3A_312 = arith.shli %get3A_309, %shift_left3A_311 : vector<16xi32>
      %add3A_313 = arith.constant 0 : i32
      %add3A_314 = vector.broadcast %add3A_313 : i32 to vector<16xi32>
      %add3A_315 = arith.addi %iota3A, %add3A_314 : vector<16xi32>
      %add3A_316 = arith.addi %shift_left3A_312, %add3A_315 : vector<16xi32>
      tpu.vector_store_idx %arg8[%add3A_316], %get3A_307 {add = true} : memref<256xf32, #tpu.memory_space<vmem>>[vector<16xi32>], vector<16xf32>,
      tpu.vector_store_idx %arg9[%add3A_316], %broadcast_in_dim3A_147 {add = true} : memref<256xf32, #tpu.memory_space<vmem>>[vector<16xi32>], vector<16xf32>,
      %add3A_317 = arith.constant 96 : i32
      %add3A_318 = arith.addi %add3A_240, %add3A_317 : i32
      %get3A_319 = arith.index_cast %add3A_318 : i32 to index
      %get3A_320 = tpu.vector_load %arg6[%get3A_319] {strides = array<i32>} : memref<50000xf32, #tpu.memory_space<vmem>>, vector<16xf32>,
      %get3A_321 = arith.index_cast %add3A_318 : i32 to index
      %get3A_322 = tpu.vector_load %arg7[%get3A_321] {strides = array<i32>} : memref<50000xi32, #tpu.memory_space<vmem>>, vector<16xi32>,
      %shift_left3A_323 = arith.constant 4 : i32
      %shift_left3A_324 = vector.broadcast %shift_left3A_323 : i32 to vector<16xi32>
      %shift_left3A_325 = arith.shli %get3A_322, %shift_left3A_324 : vector<16xi32>
      %add3A_326 = arith.constant 0 : i32
      %add3A_327 = vector.broadcast %add3A_326 : i32 to vector<16xi32>
      %add3A_328 = arith.addi %iota3A, %add3A_327 : vector<16xi32>
      %add3A_329 = arith.addi %shift_left3A_325, %add3A_328 : vector<16xi32>
      tpu.vector_store_idx %arg8[%add3A_329], %get3A_320 {add = true} : memref<256xf32, #tpu.memory_space<vmem>>[vector<16xi32>], vector<16xf32>,
      tpu.vector_store_idx %arg9[%add3A_329], %broadcast_in_dim3A_147 {add = true} : memref<256xf32, #tpu.memory_space<vmem>>[vector<16xi32>], vector<16xf32>,
      %add3A_330 = arith.constant 112 : i32
      %add3A_331 = arith.addi %add3A_240, %add3A_330 : i32
      %get3A_332 = arith.index_cast %add3A_331 : i32 to index
      %get3A_333 = tpu.vector_load %arg6[%get3A_332] {strides = array<i32>} : memref<50000xf32, #tpu.memory_space<vmem>>, vector<16xf32>,
      %get3A_334 = arith.index_cast %add3A_331 : i32 to index
      %get3A_335 = tpu.vector_load %arg7[%get3A_334] {strides = array<i32>} : memref<50000xi32, #tpu.memory_space<vmem>>, vector<16xi32>,
      %shift_left3A_336 = arith.constant 4 : i32
      %shift_left3A_337 = vector.broadcast %shift_left3A_336 : i32 to vector<16xi32>
      %shift_left3A_338 = arith.shli %get3A_335, %shift_left3A_337 : vector<16xi32>
      %add3A_339 = arith.constant 0 : i32
      %add3A_340 = vector.broadcast %add3A_339 : i32 to vector<16xi32>
      %add3A_341 = arith.addi %iota3A, %add3A_340 : vector<16xi32>
      %add3A_342 = arith.addi %shift_left3A_338, %add3A_341 : vector<16xi32>
      tpu.vector_store_idx %arg8[%add3A_342], %get3A_333 {add = true} : memref<256xf32, #tpu.memory_space<vmem>>[vector<16xi32>], vector<16xf32>,
      tpu.vector_store_idx %arg9[%add3A_342], %broadcast_in_dim3A_147 {add = true} : memref<256xf32, #tpu.memory_space<vmem>>[vector<16xi32>], vector<16xf32>,
      %add3A_343 = arith.constant 128 : i32
      %add3A_344 = arith.addi %add3A_240, %add3A_343 : i32
      %get3A_345 = arith.index_cast %add3A_344 : i32 to index
      %get3A_346 = tpu.vector_load %arg6[%get3A_345] {strides = array<i32>} : memref<50000xf32, #tpu.memory_space<vmem>>, vector<16xf32>,
      %get3A_347 = arith.index_cast %add3A_344 : i32 to index
      %get3A_348 = tpu.vector_load %arg7[%get3A_347] {strides = array<i32>} : memref<50000xi32, #tpu.memory_space<vmem>>, vector<16xi32>,
      %shift_left3A_349 = arith.constant 4 : i32
      %shift_left3A_350 = vector.broadcast %shift_left3A_349 : i32 to vector<16xi32>
      %shift_left3A_351 = arith.shli %get3A_348, %shift_left3A_350 : vector<16xi32>
      %add3A_352 = arith.constant 0 : i32
      %add3A_353 = vector.broadcast %add3A_352 : i32 to vector<16xi32>
      %add3A_354 = arith.addi %iota3A, %add3A_353 : vector<16xi32>
      %add3A_355 = arith.addi %shift_left3A_351, %add3A_354 : vector<16xi32>
      tpu.vector_store_idx %arg8[%add3A_355], %get3A_346 {add = true} : memref<256xf32, #tpu.memory_space<vmem>>[vector<16xi32>], vector<16xf32>,
      tpu.vector_store_idx %arg9[%add3A_355], %broadcast_in_dim3A_147 {add = true} : memref<256xf32, #tpu.memory_space<vmem>>[vector<16xi32>], vector<16xf32>,
      %add3A_356 = arith.constant 144 : i32
      %add3A_357 = arith.addi %add3A_240, %add3A_356 : i32
      %get3A_358 = arith.index_cast %add3A_357 : i32 to index
      %get3A_359 = tpu.vector_load %arg6[%get3A_358] {strides = array<i32>} : memref<50000xf32, #tpu.memory_space<vmem>>, vector<16xf32>,
      %get3A_360 = arith.index_cast %add3A_357 : i32 to index
      %get3A_361 = tpu.vector_load %arg7[%get3A_360] {strides = array<i32>} : memref<50000xi32, #tpu.memory_space<vmem>>, vector<16xi32>,
      %shift_left3A_362 = arith.constant 4 : i32
      %shift_left3A_363 = vector.broadcast %shift_left3A_362 : i32 to vector<16xi32>
      %shift_left3A_364 = arith.shli %get3A_361, %shift_left3A_363 : vector<16xi32>
      %add3A_365 = arith.constant 0 : i32
      %add3A_366 = vector.broadcast %add3A_365 : i32 to vector<16xi32>
      %add3A_367 = arith.addi %iota3A, %add3A_366 : vector<16xi32>
      %add3A_368 = arith.addi %shift_left3A_364, %add3A_367 : vector<16xi32>
      tpu.vector_store_idx %arg8[%add3A_368], %get3A_359 {add = true} : memref<256xf32, #tpu.memory_space<vmem>>[vector<16xi32>], vector<16xf32>,
      tpu.vector_store_idx %arg9[%add3A_368], %broadcast_in_dim3A_147 {add = true} : memref<256xf32, #tpu.memory_space<vmem>>[vector<16xi32>], vector<16xf32>,
      %add3A_369 = arith.constant 160 : i32
      %add3A_370 = arith.addi %add3A_240, %add3A_369 : i32
      %get3A_371 = arith.index_cast %add3A_370 : i32 to index
      %get3A_372 = tpu.vector_load %arg6[%get3A_371] {strides = array<i32>} : memref<50000xf32, #tpu.memory_space<vmem>>, vector<16xf32>,
      %get3A_373 = arith.index_cast %add3A_370 : i32 to index
      %get3A_374 = tpu.vector_load %arg7[%get3A_373] {strides = array<i32>} : memref<50000xi32, #tpu.memory_space<vmem>>, vector<16xi32>,
      %shift_left3A_375 = arith.constant 4 : i32
      %shift_left3A_376 = vector.broadcast %shift_left3A_375 : i32 to vector<16xi32>
      %shift_left3A_377 = arith.shli %get3A_374, %shift_left3A_376 : vector<16xi32>
      %add3A_378 = arith.constant 0 : i32
      %add3A_379 = vector.broadcast %add3A_378 : i32 to vector<16xi32>
      %add3A_380 = arith.addi %iota3A, %add3A_379 : vector<16xi32>
      %add3A_381 = arith.addi %shift_left3A_377, %add3A_380 : vector<16xi32>
      tpu.vector_store_idx %arg8[%add3A_381], %get3A_372 {add = true} : memref<256xf32, #tpu.memory_space<vmem>>[vector<16xi32>], vector<16xf32>,
      tpu.vector_store_idx %arg9[%add3A_381], %broadcast_in_dim3A_147 {add = true} : memref<256xf32, #tpu.memory_space<vmem>>[vector<16xi32>], vector<16xf32>,
      %add3A_382 = arith.constant 176 : i32
      %add3A_383 = arith.addi %add3A_240, %add3A_382 : i32
      %get3A_384 = arith.index_cast %add3A_383 : i32 to index
      %get3A_385 = tpu.vector_load %arg6[%get3A_384] {strides = array<i32>} : memref<50000xf32, #tpu.memory_space<vmem>>, vector<16xf32>,
      %get3A_386 = arith.index_cast %add3A_383 : i32 to index
      %get3A_387 = tpu.vector_load %arg7[%get3A_386] {strides = array<i32>} : memref<50000xi32, #tpu.memory_space<vmem>>, vector<16xi32>,
      %shift_left3A_388 = arith.constant 4 : i32
      %shift_left3A_389 = vector.broadcast %shift_left3A_388 : i32 to vector<16xi32>
      %shift_left3A_390 = arith.shli %get3A_387, %shift_left3A_389 : vector<16xi32>
      %add3A_391 = arith.constant 0 : i32
      %add3A_392 = vector.broadcast %add3A_391 : i32 to vector<16xi32>
      %add3A_393 = arith.addi %iota3A, %add3A_392 : vector<16xi32>
      %add3A_394 = arith.addi %shift_left3A_390, %add3A_393 : vector<16xi32>
      tpu.vector_store_idx %arg8[%add3A_394], %get3A_385 {add = true} : memref<256xf32, #tpu.memory_space<vmem>>[vector<16xi32>], vector<16xf32>,
      tpu.vector_store_idx %arg9[%add3A_394], %broadcast_in_dim3A_147 {add = true} : memref<256xf32, #tpu.memory_space<vmem>>[vector<16xi32>], vector<16xf32>,
      %add3A_395 = arith.constant 192 : i32
      %add3A_396 = arith.addi %add3A_240, %add3A_395 : i32
      %get3A_397 = arith.index_cast %add3A_396 : i32 to index
      %get3A_398 = tpu.vector_load %arg6[%get3A_397] {strides = array<i32>} : memref<50000xf32, #tpu.memory_space<vmem>>, vector<16xf32>,
      %get3A_399 = arith.index_cast %add3A_396 : i32 to index
      %get3A_400 = tpu.vector_load %arg7[%get3A_399] {strides = array<i32>} : memref<50000xi32, #tpu.memory_space<vmem>>, vector<16xi32>,
      %shift_left3A_401 = arith.constant 4 : i32
      %shift_left3A_402 = vector.broadcast %shift_left3A_401 : i32 to vector<16xi32>
      %shift_left3A_403 = arith.shli %get3A_400, %shift_left3A_402 : vector<16xi32>
      %add3A_404 = arith.constant 0 : i32
      %add3A_405 = vector.broadcast %add3A_404 : i32 to vector<16xi32>
      %add3A_406 = arith.addi %iota3A, %add3A_405 : vector<16xi32>
      %add3A_407 = arith.addi %shift_left3A_403, %add3A_406 : vector<16xi32>
      tpu.vector_store_idx %arg8[%add3A_407], %get3A_398 {add = true} : memref<256xf32, #tpu.memory_space<vmem>>[vector<16xi32>], vector<16xf32>,
      tpu.vector_store_idx %arg9[%add3A_407], %broadcast_in_dim3A_147 {add = true} : memref<256xf32, #tpu.memory_space<vmem>>[vector<16xi32>], vector<16xf32>,
      %add3A_408 = arith.constant 208 : i32
      %add3A_409 = arith.addi %add3A_240, %add3A_408 : i32
      %get3A_410 = arith.index_cast %add3A_409 : i32 to index
      %get3A_411 = tpu.vector_load %arg6[%get3A_410] {strides = array<i32>} : memref<50000xf32, #tpu.memory_space<vmem>>, vector<16xf32>,
      %get3A_412 = arith.index_cast %add3A_409 : i32 to index
      %get3A_413 = tpu.vector_load %arg7[%get3A_412] {strides = array<i32>} : memref<50000xi32, #tpu.memory_space<vmem>>, vector<16xi32>,
      %shift_left3A_414 = arith.constant 4 : i32
      %shift_left3A_415 = vector.broadcast %shift_left3A_414 : i32 to vector<16xi32>
      %shift_left3A_416 = arith.shli %get3A_413, %shift_left3A_415 : vector<16xi32>
      %add3A_417 = arith.constant 0 : i32
      %add3A_418 = vector.broadcast %add3A_417 : i32 to vector<16xi32>
      %add3A_419 = arith.addi %iota3A, %add3A_418 : vector<16xi32>
      %add3A_420 = arith.addi %shift_left3A_416, %add3A_419 : vector<16xi32>
      tpu.vector_store_idx %arg8[%add3A_420], %get3A_411 {add = true} : memref<256xf32, #tpu.memory_space<vmem>>[vector<16xi32>], vector<16xf32>,
      tpu.vector_store_idx %arg9[%add3A_420], %broadcast_in_dim3A_147 {add = true} : memref<256xf32, #tpu.memory_space<vmem>>[vector<16xi32>], vector<16xf32>,
      %add3A_421 = arith.constant 224 : i32
      %add3A_422 = arith.addi %add3A_240, %add3A_421 : i32
      %get3A_423 = arith.index_cast %add3A_422 : i32 to index
      %get3A_424 = tpu.vector_load %arg6[%get3A_423] {strides = array<i32>} : memref<50000xf32, #tpu.memory_space<vmem>>, vector<16xf32>,
      %get3A_425 = arith.index_cast %add3A_422 : i32 to index
      %get3A_426 = tpu.vector_load %arg7[%get3A_425] {strides = array<i32>} : memref<50000xi32, #tpu.memory_space<vmem>>, vector<16xi32>,
      %shift_left3A_427 = arith.constant 4 : i32
      %shift_left3A_428 = vector.broadcast %shift_left3A_427 : i32 to vector<16xi32>
      %shift_left3A_429 = arith.shli %get3A_426, %shift_left3A_428 : vector<16xi32>
      %add3A_430 = arith.constant 0 : i32
      %add3A_431 = vector.broadcast %add3A_430 : i32 to vector<16xi32>
      %add3A_432 = arith.addi %iota3A, %add3A_431 : vector<16xi32>
      %add3A_433 = arith.addi %shift_left3A_429, %add3A_432 : vector<16xi32>
      tpu.vector_store_idx %arg8[%add3A_433], %get3A_424 {add = true} : memref<256xf32, #tpu.memory_space<vmem>>[vector<16xi32>], vector<16xf32>,
      tpu.vector_store_idx %arg9[%add3A_433], %broadcast_in_dim3A_147 {add = true} : memref<256xf32, #tpu.memory_space<vmem>>[vector<16xi32>], vector<16xf32>,
      %add3A_434 = arith.constant 240 : i32
      %add3A_435 = arith.addi %add3A_240, %add3A_434 : i32
      %get3A_436 = arith.index_cast %add3A_435 : i32 to index
      %get3A_437 = tpu.vector_load %arg6[%get3A_436] {strides = array<i32>} : memref<50000xf32, #tpu.memory_space<vmem>>, vector<16xf32>,
      %get3A_438 = arith.index_cast %add3A_435 : i32 to index
      %get3A_439 = tpu.vector_load %arg7[%get3A_438] {strides = array<i32>} : memref<50000xi32, #tpu.memory_space<vmem>>, vector<16xi32>,
      %shift_left3A_440 = arith.constant 4 : i32
      %shift_left3A_441 = vector.broadcast %shift_left3A_440 : i32 to vector<16xi32>
      %shift_left3A_442 = arith.shli %get3A_439, %shift_left3A_441 : vector<16xi32>
      %add3A_443 = arith.constant 0 : i32
      %add3A_444 = vector.broadcast %add3A_443 : i32 to vector<16xi32>
      %add3A_445 = arith.addi %iota3A, %add3A_444 : vector<16xi32>
      %add3A_446 = arith.addi %shift_left3A_442, %add3A_445 : vector<16xi32>
      tpu.vector_store_idx %arg8[%add3A_446], %get3A_437 {add = true} : memref<256xf32, #tpu.memory_space<vmem>>[vector<16xi32>], vector<16xf32>,
      tpu.vector_store_idx %arg9[%add3A_446], %broadcast_in_dim3A_147 {add = true} : memref<256xf32, #tpu.memory_space<vmem>>[vector<16xi32>], vector<16xf32>,
      %add3A_447 = arith.constant 256 : i32
      %add3A_448 = arith.addi %add3A_240, %add3A_447 : i32
      %get3A_449 = arith.index_cast %add3A_448 : i32 to index
      %get3A_450 = tpu.vector_load %arg6[%get3A_449] {strides = array<i32>} : memref<50000xf32, #tpu.memory_space<vmem>>, vector<16xf32>,
      %get3A_451 = arith.index_cast %add3A_448 : i32 to index
      %get3A_452 = tpu.vector_load %arg7[%get3A_451] {strides = array<i32>} : memref<50000xi32, #tpu.memory_space<vmem>>, vector<16xi32>,
      %shift_left3A_453 = arith.constant 4 : i32
      %shift_left3A_454 = vector.broadcast %shift_left3A_453 : i32 to vector<16xi32>
      %shift_left3A_455 = arith.shli %get3A_452, %shift_left3A_454 : vector<16xi32>
      %add3A_456 = arith.constant 0 : i32
      %add3A_457 = vector.broadcast %add3A_456 : i32 to vector<16xi32>
      %add3A_458 = arith.addi %iota3A, %add3A_457 : vector<16xi32>
      %add3A_459 = arith.addi %shift_left3A_455, %add3A_458 : vector<16xi32>
      tpu.vector_store_idx %arg8[%add3A_459], %get3A_450 {add = true} : memref<256xf32, #tpu.memory_space<vmem>>[vector<16xi32>], vector<16xf32>,
      tpu.vector_store_idx %arg9[%add3A_459], %broadcast_in_dim3A_147 {add = true} : memref<256xf32, #tpu.memory_space<vmem>>[vector<16xi32>], vector<16xf32>,
      %add3A_460 = arith.constant 272 : i32
      %add3A_461 = arith.addi %add3A_240, %add3A_460 : i32
      %get3A_462 = arith.index_cast %add3A_461 : i32 to index
      %get3A_463 = tpu.vector_load %arg6[%get3A_462] {strides = array<i32>} : memref<50000xf32, #tpu.memory_space<vmem>>, vector<16xf32>,
      %get3A_464 = arith.index_cast %add3A_461 : i32 to index
      %get3A_465 = tpu.vector_load %arg7[%get3A_464] {strides = array<i32>} : memref<50000xi32, #tpu.memory_space<vmem>>, vector<16xi32>,
      %shift_left3A_466 = arith.constant 4 : i32
      %shift_left3A_467 = vector.broadcast %shift_left3A_466 : i32 to vector<16xi32>
      %shift_left3A_468 = arith.shli %get3A_465, %shift_left3A_467 : vector<16xi32>
      %add3A_469 = arith.constant 0 : i32
      %add3A_470 = vector.broadcast %add3A_469 : i32 to vector<16xi32>
      %add3A_471 = arith.addi %iota3A, %add3A_470 : vector<16xi32>
      %add3A_472 = arith.addi %shift_left3A_468, %add3A_471 : vector<16xi32>
      tpu.vector_store_idx %arg8[%add3A_472], %get3A_463 {add = true} : memref<256xf32, #tpu.memory_space<vmem>>[vector<16xi32>], vector<16xf32>,
      tpu.vector_store_idx %arg9[%add3A_472], %broadcast_in_dim3A_147 {add = true} : memref<256xf32, #tpu.memory_space<vmem>>[vector<16xi32>], vector<16xf32>,
      %add3A_473 = arith.constant 288 : i32
      %add3A_474 = arith.addi %add3A_240, %add3A_473 : i32
      %get3A_475 = arith.index_cast %add3A_474 : i32 to index
      %get3A_476 = tpu.vector_load %arg6[%get3A_475] {strides = array<i32>} : memref<50000xf32, #tpu.memory_space<vmem>>, vector<16xf32>,
      %get3A_477 = arith.index_cast %add3A_474 : i32 to index
      %get3A_478 = tpu.vector_load %arg7[%get3A_477] {strides = array<i32>} : memref<50000xi32, #tpu.memory_space<vmem>>, vector<16xi32>,
      %shift_left3A_479 = arith.constant 4 : i32
      %shift_left3A_480 = vector.broadcast %shift_left3A_479 : i32 to vector<16xi32>
      %shift_left3A_481 = arith.shli %get3A_478, %shift_left3A_480 : vector<16xi32>
      %add3A_482 = arith.constant 0 : i32
      %add3A_483 = vector.broadcast %add3A_482 : i32 to vector<16xi32>
      %add3A_484 = arith.addi %iota3A, %add3A_483 : vector<16xi32>
      %add3A_485 = arith.addi %shift_left3A_481, %add3A_484 : vector<16xi32>
      tpu.vector_store_idx %arg8[%add3A_485], %get3A_476 {add = true} : memref<256xf32, #tpu.memory_space<vmem>>[vector<16xi32>], vector<16xf32>,
      tpu.vector_store_idx %arg9[%add3A_485], %broadcast_in_dim3A_147 {add = true} : memref<256xf32, #tpu.memory_space<vmem>>[vector<16xi32>], vector<16xf32>,
      %add3A_486 = arith.constant 304 : i32
      %add3A_487 = arith.addi %add3A_240, %add3A_486 : i32
      %get3A_488 = arith.index_cast %add3A_487 : i32 to index
      %get3A_489 = tpu.vector_load %arg6[%get3A_488] {strides = array<i32>} : memref<50000xf32, #tpu.memory_space<vmem>>, vector<16xf32>,
      %get3A_490 = arith.index_cast %add3A_487 : i32 to index
      %get3A_491 = tpu.vector_load %arg7[%get3A_490] {strides = array<i32>} : memref<50000xi32, #tpu.memory_space<vmem>>, vector<16xi32>,
      %shift_left3A_492 = arith.constant 4 : i32
      %shift_left3A_493 = vector.broadcast %shift_left3A_492 : i32 to vector<16xi32>
      %shift_left3A_494 = arith.shli %get3A_491, %shift_left3A_493 : vector<16xi32>
      %add3A_495 = arith.constant 0 : i32
      %add3A_496 = vector.broadcast %add3A_495 : i32 to vector<16xi32>
      %add3A_497 = arith.addi %iota3A, %add3A_496 : vector<16xi32>
      %add3A_498 = arith.addi %shift_left3A_494, %add3A_497 : vector<16xi32>
      tpu.vector_store_idx %arg8[%add3A_498], %get3A_489 {add = true} : memref<256xf32, #tpu.memory_space<vmem>>[vector<16xi32>], vector<16xf32>,
      tpu.vector_store_idx %arg9[%add3A_498], %broadcast_in_dim3A_147 {add = true} : memref<256xf32, #tpu.memory_space<vmem>>[vector<16xi32>], vector<16xf32>,
      %add3A_499 = arith.constant 320 : i32
      %add3A_500 = arith.addi %add3A_240, %add3A_499 : i32
      %get3A_501 = arith.index_cast %add3A_500 : i32 to index
      %get3A_502 = tpu.vector_load %arg6[%get3A_501] {strides = array<i32>} : memref<50000xf32, #tpu.memory_space<vmem>>, vector<16xf32>,
      %get3A_503 = arith.index_cast %add3A_500 : i32 to index
      %get3A_504 = tpu.vector_load %arg7[%get3A_503] {strides = array<i32>} : memref<50000xi32, #tpu.memory_space<vmem>>, vector<16xi32>,
      %shift_left3A_505 = arith.constant 4 : i32
      %shift_left3A_506 = vector.broadcast %shift_left3A_505 : i32 to vector<16xi32>
      %shift_left3A_507 = arith.shli %get3A_504, %shift_left3A_506 : vector<16xi32>
      %add3A_508 = arith.constant 0 : i32
      %add3A_509 = vector.broadcast %add3A_508 : i32 to vector<16xi32>
      %add3A_510 = arith.addi %iota3A, %add3A_509 : vector<16xi32>
      %add3A_511 = arith.addi %shift_left3A_507, %add3A_510 : vector<16xi32>
      tpu.vector_store_idx %arg8[%add3A_511], %get3A_502 {add = true} : memref<256xf32, #tpu.memory_space<vmem>>[vector<16xi32>], vector<16xf32>,
      tpu.vector_store_idx %arg9[%add3A_511], %broadcast_in_dim3A_147 {add = true} : memref<256xf32, #tpu.memory_space<vmem>>[vector<16xi32>], vector<16xf32>,
      %add3A_512 = arith.constant 336 : i32
      %add3A_513 = arith.addi %add3A_240, %add3A_512 : i32
      %get3A_514 = arith.index_cast %add3A_513 : i32 to index
      %get3A_515 = tpu.vector_load %arg6[%get3A_514] {strides = array<i32>} : memref<50000xf32, #tpu.memory_space<vmem>>, vector<16xf32>,
      %get3A_516 = arith.index_cast %add3A_513 : i32 to index
      %get3A_517 = tpu.vector_load %arg7[%get3A_516] {strides = array<i32>} : memref<50000xi32, #tpu.memory_space<vmem>>, vector<16xi32>,
      %shift_left3A_518 = arith.constant 4 : i32
      %shift_left3A_519 = vector.broadcast %shift_left3A_518 : i32 to vector<16xi32>
      %shift_left3A_520 = arith.shli %get3A_517, %shift_left3A_519 : vector<16xi32>
      %add3A_521 = arith.constant 0 : i32
      %add3A_522 = vector.broadcast %add3A_521 : i32 to vector<16xi32>
      %add3A_523 = arith.addi %iota3A, %add3A_522 : vector<16xi32>
      %add3A_524 = arith.addi %shift_left3A_520, %add3A_523 : vector<16xi32>
      tpu.vector_store_idx %arg8[%add3A_524], %get3A_515 {add = true} : memref<256xf32, #tpu.memory_space<vmem>>[vector<16xi32>], vector<16xf32>,
      tpu.vector_store_idx %arg9[%add3A_524], %broadcast_in_dim3A_147 {add = true} : memref<256xf32, #tpu.memory_space<vmem>>[vector<16xi32>], vector<16xf32>,
      %add3A_525 = arith.constant 352 : i32
      %add3A_526 = arith.addi %add3A_240, %add3A_525 : i32
      %get3A_527 = arith.index_cast %add3A_526 : i32 to index
      %get3A_528 = tpu.vector_load %arg6[%get3A_527] {strides = array<i32>} : memref<50000xf32, #tpu.memory_space<vmem>>, vector<16xf32>,
      %get3A_529 = arith.index_cast %add3A_526 : i32 to index
      %get3A_530 = tpu.vector_load %arg7[%get3A_529] {strides = array<i32>} : memref<50000xi32, #tpu.memory_space<vmem>>, vector<16xi32>,
      %shift_left3A_531 = arith.constant 4 : i32
      %shift_left3A_532 = vector.broadcast %shift_left3A_531 : i32 to vector<16xi32>
      %shift_left3A_533 = arith.shli %get3A_530, %shift_left3A_532 : vector<16xi32>
      %add3A_534 = arith.constant 0 : i32
      %add3A_535 = vector.broadcast %add3A_534 : i32 to vector<16xi32>
      %add3A_536 = arith.addi %iota3A, %add3A_535 : vector<16xi32>
      %add3A_537 = arith.addi %shift_left3A_533, %add3A_536 : vector<16xi32>
      tpu.vector_store_idx %arg8[%add3A_537], %get3A_528 {add = true} : memref<256xf32, #tpu.memory_space<vmem>>[vector<16xi32>], vector<16xf32>,
      tpu.vector_store_idx %arg9[%add3A_537], %broadcast_in_dim3A_147 {add = true} : memref<256xf32, #tpu.memory_space<vmem>>[vector<16xi32>], vector<16xf32>,
      %add3A_538 = arith.constant 368 : i32
      %add3A_539 = arith.addi %add3A_240, %add3A_538 : i32
      %get3A_540 = arith.index_cast %add3A_539 : i32 to index
      %get3A_541 = tpu.vector_load %arg6[%get3A_540] {strides = array<i32>} : memref<50000xf32, #tpu.memory_space<vmem>>, vector<16xf32>,
      %get3A_542 = arith.index_cast %add3A_539 : i32 to index
      %get3A_543 = tpu.vector_load %arg7[%get3A_542] {strides = array<i32>} : memref<50000xi32, #tpu.memory_space<vmem>>, vector<16xi32>,
      %shift_left3A_544 = arith.constant 4 : i32
      %shift_left3A_545 = vector.broadcast %shift_left3A_544 : i32 to vector<16xi32>
      %shift_left3A_546 = arith.shli %get3A_543, %shift_left3A_545 : vector<16xi32>
      %add3A_547 = arith.constant 0 : i32
      %add3A_548 = vector.broadcast %add3A_547 : i32 to vector<16xi32>
      %add3A_549 = arith.addi %iota3A, %add3A_548 : vector<16xi32>
      %add3A_550 = arith.addi %shift_left3A_546, %add3A_549 : vector<16xi32>
      tpu.vector_store_idx %arg8[%add3A_550], %get3A_541 {add = true} : memref<256xf32, #tpu.memory_space<vmem>>[vector<16xi32>], vector<16xf32>,
      tpu.vector_store_idx %arg9[%add3A_550], %broadcast_in_dim3A_147 {add = true} : memref<256xf32, #tpu.memory_space<vmem>>[vector<16xi32>], vector<16xf32>,
      %add3A_551 = arith.constant 384 : i32
      %add3A_552 = arith.addi %add3A_240, %add3A_551 : i32
      %get3A_553 = arith.index_cast %add3A_552 : i32 to index
      %get3A_554 = tpu.vector_load %arg6[%get3A_553] {strides = array<i32>} : memref<50000xf32, #tpu.memory_space<vmem>>, vector<16xf32>,
      %get3A_555 = arith.index_cast %add3A_552 : i32 to index
      %get3A_556 = tpu.vector_load %arg7[%get3A_555] {strides = array<i32>} : memref<50000xi32, #tpu.memory_space<vmem>>, vector<16xi32>,
      %shift_left3A_557 = arith.constant 4 : i32
      %shift_left3A_558 = vector.broadcast %shift_left3A_557 : i32 to vector<16xi32>
      %shift_left3A_559 = arith.shli %get3A_556, %shift_left3A_558 : vector<16xi32>
      %add3A_560 = arith.constant 0 : i32
      %add3A_561 = vector.broadcast %add3A_560 : i32 to vector<16xi32>
      %add3A_562 = arith.addi %iota3A, %add3A_561 : vector<16xi32>
      %add3A_563 = arith.addi %shift_left3A_559, %add3A_562 : vector<16xi32>
      tpu.vector_store_idx %arg8[%add3A_563], %get3A_554 {add = true} : memref<256xf32, #tpu.memory_space<vmem>>[vector<16xi32>], vector<16xf32>,
      tpu.vector_store_idx %arg9[%add3A_563], %broadcast_in_dim3A_147 {add = true} : memref<256xf32, #tpu.memory_space<vmem>>[vector<16xi32>], vector<16xf32>,
    }
    %scan3A_199 = arith.constant 25 : i32
    %dma_wait3A_200 = arith.constant 30000 : i32
    %dma_wait3A_201 = tpu.memref_slice %arg6[%dma_wait3A_200] : memref<50000xf32, #tpu.memory_space<vmem>> -> memref<10000xf32, #tpu.memory_space<vmem>>
    %dma_wait3A_202 = tpu.memref_slice %arg2[%add3A_51] : memref<1600000xf32, #tpu.memory_space<hbm>> -> memref<10000xf32, #tpu.memory_space<hbm>>
    %dma_wait3A_203 = arith.constant 30000 : i32
    %dma_wait3A_204 = tpu.memref_slice %arg6[%dma_wait3A_203] : memref<50000xf32, #tpu.memory_space<vmem>> -> memref<10000xf32, #tpu.memory_space<vmem>>
    %dma_wait3A_205 = tpu.memref_slice %arg2[%add3A_51] : memref<1600000xf32, #tpu.memory_space<hbm>> -> memref<10000xf32, #tpu.memory_space<hbm>>
    tpu.wait_dma2 semaphore(%arg13 : memref<!tpu.dma_semaphore, #tpu.memory_space<semaphore_mem>>) src(%dma_wait3A_205 : memref<10000xf32, #tpu.memory_space<hbm>>) dst(%dma_wait3A_204 : memref<10000xf32, #tpu.memory_space<vmem>>)
    %dma_wait3A_206 = arith.constant 30000 : i32
    %dma_wait3A_207 = tpu.memref_slice %arg7[%dma_wait3A_206] : memref<50000xi32, #tpu.memory_space<vmem>> -> memref<10000xi32, #tpu.memory_space<vmem>>
    %dma_wait3A_208 = tpu.memref_slice %arg3[%add3A_59] : memref<1600000xi32, #tpu.memory_space<hbm>> -> memref<10000xi32, #tpu.memory_space<hbm>>
    %dma_wait3A_209 = arith.constant 30000 : i32
    %dma_wait3A_210 = tpu.memref_slice %arg7[%dma_wait3A_209] : memref<50000xi32, #tpu.memory_space<vmem>> -> memref<10000xi32, #tpu.memory_space<vmem>>
    %dma_wait3A_211 = tpu.memref_slice %arg3[%add3A_59] : memref<1600000xi32, #tpu.memory_space<hbm>> -> memref<10000xi32, #tpu.memory_space<hbm>>
    tpu.wait_dma2 semaphore(%arg13 : memref<!tpu.dma_semaphore, #tpu.memory_space<semaphore_mem>>) src(%dma_wait3A_211 : memref<10000xi32, #tpu.memory_space<hbm>>) dst(%dma_wait3A_210 : memref<10000xi32, #tpu.memory_space<vmem>>)
    %scan3A_212 = arith.constant 0 : i32
    %scan3A_213 = arith.constant 0 : i32
    %scan3A_214 = arith.constant 25 : i32
    %scan3A_215 = arith.addi %scan3A_213, %scan3A_214 : i32
    %scan3A_216 = arith.constant 1 : i32
    scf.for %scan3A_236 = %scan3A_213 to %scan3A_215 step %scan3A_216  : i32 {
      %mul3A_237 = arith.constant 400 : i32
      %mul3A_238 = arith.muli %scan3A_236, %mul3A_237 : i32
      %add3A_239 = arith.constant 30000 : i32
      %add3A_240 = arith.addi %add3A_239, %mul3A_238 : i32
      %add3A_241 = arith.constant 0 : i32
      %add3A_242 = arith.addi %add3A_240, %add3A_241 : i32
      %get3A = arith.index_cast %add3A_242 : i32 to index
      %get3A_243 = tpu.vector_load %arg6[%get3A] {strides = array<i32>} : memref<50000xf32, #tpu.memory_space<vmem>>, vector<16xf32>,
      %get3A_244 = arith.index_cast %add3A_242 : i32 to index
      %get3A_245 = tpu.vector_load %arg7[%get3A_244] {strides = array<i32>} : memref<50000xi32, #tpu.memory_space<vmem>>, vector<16xi32>,
      %shift_left3A = arith.constant 4 : i32
      %shift_left3A_246 = vector.broadcast %shift_left3A : i32 to vector<16xi32>
      %shift_left3A_247 = arith.shli %get3A_245, %shift_left3A_246 : vector<16xi32>
      %add3A_248 = arith.constant 0 : i32
      %add3A_249 = vector.broadcast %add3A_248 : i32 to vector<16xi32>
      %add3A_250 = arith.addi %iota3A, %add3A_249 : vector<16xi32>
      %add3A_251 = arith.addi %shift_left3A_247, %add3A_250 : vector<16xi32>
      tpu.vector_store_idx %arg8[%add3A_251], %get3A_243 {add = true} : memref<256xf32, #tpu.memory_space<vmem>>[vector<16xi32>], vector<16xf32>,
      tpu.vector_store_idx %arg9[%add3A_251], %broadcast_in_dim3A_147 {add = true} : memref<256xf32, #tpu.memory_space<vmem>>[vector<16xi32>], vector<16xf32>,
      %add3A_252 = arith.constant 16 : i32
      %add3A_253 = arith.addi %add3A_240, %add3A_252 : i32
      %get3A_254 = arith.index_cast %add3A_253 : i32 to index
      %get3A_255 = tpu.vector_load %arg6[%get3A_254] {strides = array<i32>} : memref<50000xf32, #tpu.memory_space<vmem>>, vector<16xf32>,
      %get3A_256 = arith.index_cast %add3A_253 : i32 to index
      %get3A_257 = tpu.vector_load %arg7[%get3A_256] {strides = array<i32>} : memref<50000xi32, #tpu.memory_space<vmem>>, vector<16xi32>,
      %shift_left3A_258 = arith.constant 4 : i32
      %shift_left3A_259 = vector.broadcast %shift_left3A_258 : i32 to vector<16xi32>
      %shift_left3A_260 = arith.shli %get3A_257, %shift_left3A_259 : vector<16xi32>
      %add3A_261 = arith.constant 0 : i32
      %add3A_262 = vector.broadcast %add3A_261 : i32 to vector<16xi32>
      %add3A_263 = arith.addi %iota3A, %add3A_262 : vector<16xi32>
      %add3A_264 = arith.addi %shift_left3A_260, %add3A_263 : vector<16xi32>
      tpu.vector_store_idx %arg8[%add3A_264], %get3A_255 {add = true} : memref<256xf32, #tpu.memory_space<vmem>>[vector<16xi32>], vector<16xf32>,
      tpu.vector_store_idx %arg9[%add3A_264], %broadcast_in_dim3A_147 {add = true} : memref<256xf32, #tpu.memory_space<vmem>>[vector<16xi32>], vector<16xf32>,
      %add3A_265 = arith.constant 32 : i32
      %add3A_266 = arith.addi %add3A_240, %add3A_265 : i32
      %get3A_267 = arith.index_cast %add3A_266 : i32 to index
      %get3A_268 = tpu.vector_load %arg6[%get3A_267] {strides = array<i32>} : memref<50000xf32, #tpu.memory_space<vmem>>, vector<16xf32>,
      %get3A_269 = arith.index_cast %add3A_266 : i32 to index
      %get3A_270 = tpu.vector_load %arg7[%get3A_269] {strides = array<i32>} : memref<50000xi32, #tpu.memory_space<vmem>>, vector<16xi32>,
      %shift_left3A_271 = arith.constant 4 : i32
      %shift_left3A_272 = vector.broadcast %shift_left3A_271 : i32 to vector<16xi32>
      %shift_left3A_273 = arith.shli %get3A_270, %shift_left3A_272 : vector<16xi32>
      %add3A_274 = arith.constant 0 : i32
      %add3A_275 = vector.broadcast %add3A_274 : i32 to vector<16xi32>
      %add3A_276 = arith.addi %iota3A, %add3A_275 : vector<16xi32>
      %add3A_277 = arith.addi %shift_left3A_273, %add3A_276 : vector<16xi32>
      tpu.vector_store_idx %arg8[%add3A_277], %get3A_268 {add = true} : memref<256xf32, #tpu.memory_space<vmem>>[vector<16xi32>], vector<16xf32>,
      tpu.vector_store_idx %arg9[%add3A_277], %broadcast_in_dim3A_147 {add = true} : memref<256xf32, #tpu.memory_space<vmem>>[vector<16xi32>], vector<16xf32>,
      %add3A_278 = arith.constant 48 : i32
      %add3A_279 = arith.addi %add3A_240, %add3A_278 : i32
      %get3A_280 = arith.index_cast %add3A_279 : i32 to index
      %get3A_281 = tpu.vector_load %arg6[%get3A_280] {strides = array<i32>} : memref<50000xf32, #tpu.memory_space<vmem>>, vector<16xf32>,
      %get3A_282 = arith.index_cast %add3A_279 : i32 to index
      %get3A_283 = tpu.vector_load %arg7[%get3A_282] {strides = array<i32>} : memref<50000xi32, #tpu.memory_space<vmem>>, vector<16xi32>,
      %shift_left3A_284 = arith.constant 4 : i32
      %shift_left3A_285 = vector.broadcast %shift_left3A_284 : i32 to vector<16xi32>
      %shift_left3A_286 = arith.shli %get3A_283, %shift_left3A_285 : vector<16xi32>
      %add3A_287 = arith.constant 0 : i32
      %add3A_288 = vector.broadcast %add3A_287 : i32 to vector<16xi32>
      %add3A_289 = arith.addi %iota3A, %add3A_288 : vector<16xi32>
      %add3A_290 = arith.addi %shift_left3A_286, %add3A_289 : vector<16xi32>
      tpu.vector_store_idx %arg8[%add3A_290], %get3A_281 {add = true} : memref<256xf32, #tpu.memory_space<vmem>>[vector<16xi32>], vector<16xf32>,
      tpu.vector_store_idx %arg9[%add3A_290], %broadcast_in_dim3A_147 {add = true} : memref<256xf32, #tpu.memory_space<vmem>>[vector<16xi32>], vector<16xf32>,
      %add3A_291 = arith.constant 64 : i32
      %add3A_292 = arith.addi %add3A_240, %add3A_291 : i32
      %get3A_293 = arith.index_cast %add3A_292 : i32 to index
      %get3A_294 = tpu.vector_load %arg6[%get3A_293] {strides = array<i32>} : memref<50000xf32, #tpu.memory_space<vmem>>, vector<16xf32>,
      %get3A_295 = arith.index_cast %add3A_292 : i32 to index
      %get3A_296 = tpu.vector_load %arg7[%get3A_295] {strides = array<i32>} : memref<50000xi32, #tpu.memory_space<vmem>>, vector<16xi32>,
      %shift_left3A_297 = arith.constant 4 : i32
      %shift_left3A_298 = vector.broadcast %shift_left3A_297 : i32 to vector<16xi32>
      %shift_left3A_299 = arith.shli %get3A_296, %shift_left3A_298 : vector<16xi32>
      %add3A_300 = arith.constant 0 : i32
      %add3A_301 = vector.broadcast %add3A_300 : i32 to vector<16xi32>
      %add3A_302 = arith.addi %iota3A, %add3A_301 : vector<16xi32>
      %add3A_303 = arith.addi %shift_left3A_299, %add3A_302 : vector<16xi32>
      tpu.vector_store_idx %arg8[%add3A_303], %get3A_294 {add = true} : memref<256xf32, #tpu.memory_space<vmem>>[vector<16xi32>], vector<16xf32>,
      tpu.vector_store_idx %arg9[%add3A_303], %broadcast_in_dim3A_147 {add = true} : memref<256xf32, #tpu.memory_space<vmem>>[vector<16xi32>], vector<16xf32>,
      %add3A_304 = arith.constant 80 : i32
      %add3A_305 = arith.addi %add3A_240, %add3A_304 : i32
      %get3A_306 = arith.index_cast %add3A_305 : i32 to index
      %get3A_307 = tpu.vector_load %arg6[%get3A_306] {strides = array<i32>} : memref<50000xf32, #tpu.memory_space<vmem>>, vector<16xf32>,
      %get3A_308 = arith.index_cast %add3A_305 : i32 to index
      %get3A_309 = tpu.vector_load %arg7[%get3A_308] {strides = array<i32>} : memref<50000xi32, #tpu.memory_space<vmem>>, vector<16xi32>,
      %shift_left3A_310 = arith.constant 4 : i32
      %shift_left3A_311 = vector.broadcast %shift_left3A_310 : i32 to vector<16xi32>
      %shift_left3A_312 = arith.shli %get3A_309, %shift_left3A_311 : vector<16xi32>
      %add3A_313 = arith.constant 0 : i32
      %add3A_314 = vector.broadcast %add3A_313 : i32 to vector<16xi32>
      %add3A_315 = arith.addi %iota3A, %add3A_314 : vector<16xi32>
      %add3A_316 = arith.addi %shift_left3A_312, %add3A_315 : vector<16xi32>
      tpu.vector_store_idx %arg8[%add3A_316], %get3A_307 {add = true} : memref<256xf32, #tpu.memory_space<vmem>>[vector<16xi32>], vector<16xf32>,
      tpu.vector_store_idx %arg9[%add3A_316], %broadcast_in_dim3A_147 {add = true} : memref<256xf32, #tpu.memory_space<vmem>>[vector<16xi32>], vector<16xf32>,
      %add3A_317 = arith.constant 96 : i32
      %add3A_318 = arith.addi %add3A_240, %add3A_317 : i32
      %get3A_319 = arith.index_cast %add3A_318 : i32 to index
      %get3A_320 = tpu.vector_load %arg6[%get3A_319] {strides = array<i32>} : memref<50000xf32, #tpu.memory_space<vmem>>, vector<16xf32>,
      %get3A_321 = arith.index_cast %add3A_318 : i32 to index
      %get3A_322 = tpu.vector_load %arg7[%get3A_321] {strides = array<i32>} : memref<50000xi32, #tpu.memory_space<vmem>>, vector<16xi32>,
      %shift_left3A_323 = arith.constant 4 : i32
      %shift_left3A_324 = vector.broadcast %shift_left3A_323 : i32 to vector<16xi32>
      %shift_left3A_325 = arith.shli %get3A_322, %shift_left3A_324 : vector<16xi32>
      %add3A_326 = arith.constant 0 : i32
      %add3A_327 = vector.broadcast %add3A_326 : i32 to vector<16xi32>
      %add3A_328 = arith.addi %iota3A, %add3A_327 : vector<16xi32>
      %add3A_329 = arith.addi %shift_left3A_325, %add3A_328 : vector<16xi32>
      tpu.vector_store_idx %arg8[%add3A_329], %get3A_320 {add = true} : memref<256xf32, #tpu.memory_space<vmem>>[vector<16xi32>], vector<16xf32>,
      tpu.vector_store_idx %arg9[%add3A_329], %broadcast_in_dim3A_147 {add = true} : memref<256xf32, #tpu.memory_space<vmem>>[vector<16xi32>], vector<16xf32>,
      %add3A_330 = arith.constant 112 : i32
      %add3A_331 = arith.addi %add3A_240, %add3A_330 : i32
      %get3A_332 = arith.index_cast %add3A_331 : i32 to index
      %get3A_333 = tpu.vector_load %arg6[%get3A_332] {strides = array<i32>} : memref<50000xf32, #tpu.memory_space<vmem>>, vector<16xf32>,
      %get3A_334 = arith.index_cast %add3A_331 : i32 to index
      %get3A_335 = tpu.vector_load %arg7[%get3A_334] {strides = array<i32>} : memref<50000xi32, #tpu.memory_space<vmem>>, vector<16xi32>,
      %shift_left3A_336 = arith.constant 4 : i32
      %shift_left3A_337 = vector.broadcast %shift_left3A_336 : i32 to vector<16xi32>
      %shift_left3A_338 = arith.shli %get3A_335, %shift_left3A_337 : vector<16xi32>
      %add3A_339 = arith.constant 0 : i32
      %add3A_340 = vector.broadcast %add3A_339 : i32 to vector<16xi32>
      %add3A_341 = arith.addi %iota3A, %add3A_340 : vector<16xi32>
      %add3A_342 = arith.addi %shift_left3A_338, %add3A_341 : vector<16xi32>
      tpu.vector_store_idx %arg8[%add3A_342], %get3A_333 {add = true} : memref<256xf32, #tpu.memory_space<vmem>>[vector<16xi32>], vector<16xf32>,
      tpu.vector_store_idx %arg9[%add3A_342], %broadcast_in_dim3A_147 {add = true} : memref<256xf32, #tpu.memory_space<vmem>>[vector<16xi32>], vector<16xf32>,
      %add3A_343 = arith.constant 128 : i32
      %add3A_344 = arith.addi %add3A_240, %add3A_343 : i32
      %get3A_345 = arith.index_cast %add3A_344 : i32 to index
      %get3A_346 = tpu.vector_load %arg6[%get3A_345] {strides = array<i32>} : memref<50000xf32, #tpu.memory_space<vmem>>, vector<16xf32>,
      %get3A_347 = arith.index_cast %add3A_344 : i32 to index
      %get3A_348 = tpu.vector_load %arg7[%get3A_347] {strides = array<i32>} : memref<50000xi32, #tpu.memory_space<vmem>>, vector<16xi32>,
      %shift_left3A_349 = arith.constant 4 : i32
      %shift_left3A_350 = vector.broadcast %shift_left3A_349 : i32 to vector<16xi32>
      %shift_left3A_351 = arith.shli %get3A_348, %shift_left3A_350 : vector<16xi32>
      %add3A_352 = arith.constant 0 : i32
      %add3A_353 = vector.broadcast %add3A_352 : i32 to vector<16xi32>
      %add3A_354 = arith.addi %iota3A, %add3A_353 : vector<16xi32>
      %add3A_355 = arith.addi %shift_left3A_351, %add3A_354 : vector<16xi32>
      tpu.vector_store_idx %arg8[%add3A_355], %get3A_346 {add = true} : memref<256xf32, #tpu.memory_space<vmem>>[vector<16xi32>], vector<16xf32>,
      tpu.vector_store_idx %arg9[%add3A_355], %broadcast_in_dim3A_147 {add = true} : memref<256xf32, #tpu.memory_space<vmem>>[vector<16xi32>], vector<16xf32>,
      %add3A_356 = arith.constant 144 : i32
      %add3A_357 = arith.addi %add3A_240, %add3A_356 : i32
      %get3A_358 = arith.index_cast %add3A_357 : i32 to index
      %get3A_359 = tpu.vector_load %arg6[%get3A_358] {strides = array<i32>} : memref<50000xf32, #tpu.memory_space<vmem>>, vector<16xf32>,
      %get3A_360 = arith.index_cast %add3A_357 : i32 to index
      %get3A_361 = tpu.vector_load %arg7[%get3A_360] {strides = array<i32>} : memref<50000xi32, #tpu.memory_space<vmem>>, vector<16xi32>,
      %shift_left3A_362 = arith.constant 4 : i32
      %shift_left3A_363 = vector.broadcast %shift_left3A_362 : i32 to vector<16xi32>
      %shift_left3A_364 = arith.shli %get3A_361, %shift_left3A_363 : vector<16xi32>
      %add3A_365 = arith.constant 0 : i32
      %add3A_366 = vector.broadcast %add3A_365 : i32 to vector<16xi32>
      %add3A_367 = arith.addi %iota3A, %add3A_366 : vector<16xi32>
      %add3A_368 = arith.addi %shift_left3A_364, %add3A_367 : vector<16xi32>
      tpu.vector_store_idx %arg8[%add3A_368], %get3A_359 {add = true} : memref<256xf32, #tpu.memory_space<vmem>>[vector<16xi32>], vector<16xf32>,
      tpu.vector_store_idx %arg9[%add3A_368], %broadcast_in_dim3A_147 {add = true} : memref<256xf32, #tpu.memory_space<vmem>>[vector<16xi32>], vector<16xf32>,
      %add3A_369 = arith.constant 160 : i32
      %add3A_370 = arith.addi %add3A_240, %add3A_369 : i32
      %get3A_371 = arith.index_cast %add3A_370 : i32 to index
      %get3A_372 = tpu.vector_load %arg6[%get3A_371] {strides = array<i32>} : memref<50000xf32, #tpu.memory_space<vmem>>, vector<16xf32>,
      %get3A_373 = arith.index_cast %add3A_370 : i32 to index
      %get3A_374 = tpu.vector_load %arg7[%get3A_373] {strides = array<i32>} : memref<50000xi32, #tpu.memory_space<vmem>>, vector<16xi32>,
      %shift_left3A_375 = arith.constant 4 : i32
      %shift_left3A_376 = vector.broadcast %shift_left3A_375 : i32 to vector<16xi32>
      %shift_left3A_377 = arith.shli %get3A_374, %shift_left3A_376 : vector<16xi32>
      %add3A_378 = arith.constant 0 : i32
      %add3A_379 = vector.broadcast %add3A_378 : i32 to vector<16xi32>
      %add3A_380 = arith.addi %iota3A, %add3A_379 : vector<16xi32>
      %add3A_381 = arith.addi %shift_left3A_377, %add3A_380 : vector<16xi32>
      tpu.vector_store_idx %arg8[%add3A_381], %get3A_372 {add = true} : memref<256xf32, #tpu.memory_space<vmem>>[vector<16xi32>], vector<16xf32>,
      tpu.vector_store_idx %arg9[%add3A_381], %broadcast_in_dim3A_147 {add = true} : memref<256xf32, #tpu.memory_space<vmem>>[vector<16xi32>], vector<16xf32>,
      %add3A_382 = arith.constant 176 : i32
      %add3A_383 = arith.addi %add3A_240, %add3A_382 : i32
      %get3A_384 = arith.index_cast %add3A_383 : i32 to index
      %get3A_385 = tpu.vector_load %arg6[%get3A_384] {strides = array<i32>} : memref<50000xf32, #tpu.memory_space<vmem>>, vector<16xf32>,
      %get3A_386 = arith.index_cast %add3A_383 : i32 to index
      %get3A_387 = tpu.vector_load %arg7[%get3A_386] {strides = array<i32>} : memref<50000xi32, #tpu.memory_space<vmem>>, vector<16xi32>,
      %shift_left3A_388 = arith.constant 4 : i32
      %shift_left3A_389 = vector.broadcast %shift_left3A_388 : i32 to vector<16xi32>
      %shift_left3A_390 = arith.shli %get3A_387, %shift_left3A_389 : vector<16xi32>
      %add3A_391 = arith.constant 0 : i32
      %add3A_392 = vector.broadcast %add3A_391 : i32 to vector<16xi32>
      %add3A_393 = arith.addi %iota3A, %add3A_392 : vector<16xi32>
      %add3A_394 = arith.addi %shift_left3A_390, %add3A_393 : vector<16xi32>
      tpu.vector_store_idx %arg8[%add3A_394], %get3A_385 {add = true} : memref<256xf32, #tpu.memory_space<vmem>>[vector<16xi32>], vector<16xf32>,
      tpu.vector_store_idx %arg9[%add3A_394], %broadcast_in_dim3A_147 {add = true} : memref<256xf32, #tpu.memory_space<vmem>>[vector<16xi32>], vector<16xf32>,
      %add3A_395 = arith.constant 192 : i32
      %add3A_396 = arith.addi %add3A_240, %add3A_395 : i32
      %get3A_397 = arith.index_cast %add3A_396 : i32 to index
      %get3A_398 = tpu.vector_load %arg6[%get3A_397] {strides = array<i32>} : memref<50000xf32, #tpu.memory_space<vmem>>, vector<16xf32>,
      %get3A_399 = arith.index_cast %add3A_396 : i32 to index
      %get3A_400 = tpu.vector_load %arg7[%get3A_399] {strides = array<i32>} : memref<50000xi32, #tpu.memory_space<vmem>>, vector<16xi32>,
      %shift_left3A_401 = arith.constant 4 : i32
      %shift_left3A_402 = vector.broadcast %shift_left3A_401 : i32 to vector<16xi32>
      %shift_left3A_403 = arith.shli %get3A_400, %shift_left3A_402 : vector<16xi32>
      %add3A_404 = arith.constant 0 : i32
      %add3A_405 = vector.broadcast %add3A_404 : i32 to vector<16xi32>
      %add3A_406 = arith.addi %iota3A, %add3A_405 : vector<16xi32>
      %add3A_407 = arith.addi %shift_left3A_403, %add3A_406 : vector<16xi32>
      tpu.vector_store_idx %arg8[%add3A_407], %get3A_398 {add = true} : memref<256xf32, #tpu.memory_space<vmem>>[vector<16xi32>], vector<16xf32>,
      tpu.vector_store_idx %arg9[%add3A_407], %broadcast_in_dim3A_147 {add = true} : memref<256xf32, #tpu.memory_space<vmem>>[vector<16xi32>], vector<16xf32>,
      %add3A_408 = arith.constant 208 : i32
      %add3A_409 = arith.addi %add3A_240, %add3A_408 : i32
      %get3A_410 = arith.index_cast %add3A_409 : i32 to index
      %get3A_411 = tpu.vector_load %arg6[%get3A_410] {strides = array<i32>} : memref<50000xf32, #tpu.memory_space<vmem>>, vector<16xf32>,
      %get3A_412 = arith.index_cast %add3A_409 : i32 to index
      %get3A_413 = tpu.vector_load %arg7[%get3A_412] {strides = array<i32>} : memref<50000xi32, #tpu.memory_space<vmem>>, vector<16xi32>,
      %shift_left3A_414 = arith.constant 4 : i32
      %shift_left3A_415 = vector.broadcast %shift_left3A_414 : i32 to vector<16xi32>
      %shift_left3A_416 = arith.shli %get3A_413, %shift_left3A_415 : vector<16xi32>
      %add3A_417 = arith.constant 0 : i32
      %add3A_418 = vector.broadcast %add3A_417 : i32 to vector<16xi32>
      %add3A_419 = arith.addi %iota3A, %add3A_418 : vector<16xi32>
      %add3A_420 = arith.addi %shift_left3A_416, %add3A_419 : vector<16xi32>
      tpu.vector_store_idx %arg8[%add3A_420], %get3A_411 {add = true} : memref<256xf32, #tpu.memory_space<vmem>>[vector<16xi32>], vector<16xf32>,
      tpu.vector_store_idx %arg9[%add3A_420], %broadcast_in_dim3A_147 {add = true} : memref<256xf32, #tpu.memory_space<vmem>>[vector<16xi32>], vector<16xf32>,
      %add3A_421 = arith.constant 224 : i32
      %add3A_422 = arith.addi %add3A_240, %add3A_421 : i32
      %get3A_423 = arith.index_cast %add3A_422 : i32 to index
      %get3A_424 = tpu.vector_load %arg6[%get3A_423] {strides = array<i32>} : memref<50000xf32, #tpu.memory_space<vmem>>, vector<16xf32>,
      %get3A_425 = arith.index_cast %add3A_422 : i32 to index
      %get3A_426 = tpu.vector_load %arg7[%get3A_425] {strides = array<i32>} : memref<50000xi32, #tpu.memory_space<vmem>>, vector<16xi32>,
      %shift_left3A_427 = arith.constant 4 : i32
      %shift_left3A_428 = vector.broadcast %shift_left3A_427 : i32 to vector<16xi32>
      %shift_left3A_429 = arith.shli %get3A_426, %shift_left3A_428 : vector<16xi32>
      %add3A_430 = arith.constant 0 : i32
      %add3A_431 = vector.broadcast %add3A_430 : i32 to vector<16xi32>
      %add3A_432 = arith.addi %iota3A, %add3A_431 : vector<16xi32>
      %add3A_433 = arith.addi %shift_left3A_429, %add3A_432 : vector<16xi32>
      tpu.vector_store_idx %arg8[%add3A_433], %get3A_424 {add = true} : memref<256xf32, #tpu.memory_space<vmem>>[vector<16xi32>], vector<16xf32>,
      tpu.vector_store_idx %arg9[%add3A_433], %broadcast_in_dim3A_147 {add = true} : memref<256xf32, #tpu.memory_space<vmem>>[vector<16xi32>], vector<16xf32>,
      %add3A_434 = arith.constant 240 : i32
      %add3A_435 = arith.addi %add3A_240, %add3A_434 : i32
      %get3A_436 = arith.index_cast %add3A_435 : i32 to index
      %get3A_437 = tpu.vector_load %arg6[%get3A_436] {strides = array<i32>} : memref<50000xf32, #tpu.memory_space<vmem>>, vector<16xf32>,
      %get3A_438 = arith.index_cast %add3A_435 : i32 to index
      %get3A_439 = tpu.vector_load %arg7[%get3A_438] {strides = array<i32>} : memref<50000xi32, #tpu.memory_space<vmem>>, vector<16xi32>,
      %shift_left3A_440 = arith.constant 4 : i32
      %shift_left3A_441 = vector.broadcast %shift_left3A_440 : i32 to vector<16xi32>
      %shift_left3A_442 = arith.shli %get3A_439, %shift_left3A_441 : vector<16xi32>
      %add3A_443 = arith.constant 0 : i32
      %add3A_444 = vector.broadcast %add3A_443 : i32 to vector<16xi32>
      %add3A_445 = arith.addi %iota3A, %add3A_444 : vector<16xi32>
      %add3A_446 = arith.addi %shift_left3A_442, %add3A_445 : vector<16xi32>
      tpu.vector_store_idx %arg8[%add3A_446], %get3A_437 {add = true} : memref<256xf32, #tpu.memory_space<vmem>>[vector<16xi32>], vector<16xf32>,
      tpu.vector_store_idx %arg9[%add3A_446], %broadcast_in_dim3A_147 {add = true} : memref<256xf32, #tpu.memory_space<vmem>>[vector<16xi32>], vector<16xf32>,
      %add3A_447 = arith.constant 256 : i32
      %add3A_448 = arith.addi %add3A_240, %add3A_447 : i32
      %get3A_449 = arith.index_cast %add3A_448 : i32 to index
      %get3A_450 = tpu.vector_load %arg6[%get3A_449] {strides = array<i32>} : memref<50000xf32, #tpu.memory_space<vmem>>, vector<16xf32>,
      %get3A_451 = arith.index_cast %add3A_448 : i32 to index
      %get3A_452 = tpu.vector_load %arg7[%get3A_451] {strides = array<i32>} : memref<50000xi32, #tpu.memory_space<vmem>>, vector<16xi32>,
      %shift_left3A_453 = arith.constant 4 : i32
      %shift_left3A_454 = vector.broadcast %shift_left3A_453 : i32 to vector<16xi32>
      %shift_left3A_455 = arith.shli %get3A_452, %shift_left3A_454 : vector<16xi32>
      %add3A_456 = arith.constant 0 : i32
      %add3A_457 = vector.broadcast %add3A_456 : i32 to vector<16xi32>
      %add3A_458 = arith.addi %iota3A, %add3A_457 : vector<16xi32>
      %add3A_459 = arith.addi %shift_left3A_455, %add3A_458 : vector<16xi32>
      tpu.vector_store_idx %arg8[%add3A_459], %get3A_450 {add = true} : memref<256xf32, #tpu.memory_space<vmem>>[vector<16xi32>], vector<16xf32>,
      tpu.vector_store_idx %arg9[%add3A_459], %broadcast_in_dim3A_147 {add = true} : memref<256xf32, #tpu.memory_space<vmem>>[vector<16xi32>], vector<16xf32>,
      %add3A_460 = arith.constant 272 : i32
      %add3A_461 = arith.addi %add3A_240, %add3A_460 : i32
      %get3A_462 = arith.index_cast %add3A_461 : i32 to index
      %get3A_463 = tpu.vector_load %arg6[%get3A_462] {strides = array<i32>} : memref<50000xf32, #tpu.memory_space<vmem>>, vector<16xf32>,
      %get3A_464 = arith.index_cast %add3A_461 : i32 to index
      %get3A_465 = tpu.vector_load %arg7[%get3A_464] {strides = array<i32>} : memref<50000xi32, #tpu.memory_space<vmem>>, vector<16xi32>,
      %shift_left3A_466 = arith.constant 4 : i32
      %shift_left3A_467 = vector.broadcast %shift_left3A_466 : i32 to vector<16xi32>
      %shift_left3A_468 = arith.shli %get3A_465, %shift_left3A_467 : vector<16xi32>
      %add3A_469 = arith.constant 0 : i32
      %add3A_470 = vector.broadcast %add3A_469 : i32 to vector<16xi32>
      %add3A_471 = arith.addi %iota3A, %add3A_470 : vector<16xi32>
      %add3A_472 = arith.addi %shift_left3A_468, %add3A_471 : vector<16xi32>
      tpu.vector_store_idx %arg8[%add3A_472], %get3A_463 {add = true} : memref<256xf32, #tpu.memory_space<vmem>>[vector<16xi32>], vector<16xf32>,
      tpu.vector_store_idx %arg9[%add3A_472], %broadcast_in_dim3A_147 {add = true} : memref<256xf32, #tpu.memory_space<vmem>>[vector<16xi32>], vector<16xf32>,
      %add3A_473 = arith.constant 288 : i32
      %add3A_474 = arith.addi %add3A_240, %add3A_473 : i32
      %get3A_475 = arith.index_cast %add3A_474 : i32 to index
      %get3A_476 = tpu.vector_load %arg6[%get3A_475] {strides = array<i32>} : memref<50000xf32, #tpu.memory_space<vmem>>, vector<16xf32>,
      %get3A_477 = arith.index_cast %add3A_474 : i32 to index
      %get3A_478 = tpu.vector_load %arg7[%get3A_477] {strides = array<i32>} : memref<50000xi32, #tpu.memory_space<vmem>>, vector<16xi32>,
      %shift_left3A_479 = arith.constant 4 : i32
      %shift_left3A_480 = vector.broadcast %shift_left3A_479 : i32 to vector<16xi32>
      %shift_left3A_481 = arith.shli %get3A_478, %shift_left3A_480 : vector<16xi32>
      %add3A_482 = arith.constant 0 : i32
      %add3A_483 = vector.broadcast %add3A_482 : i32 to vector<16xi32>
      %add3A_484 = arith.addi %iota3A, %add3A_483 : vector<16xi32>
      %add3A_485 = arith.addi %shift_left3A_481, %add3A_484 : vector<16xi32>
      tpu.vector_store_idx %arg8[%add3A_485], %get3A_476 {add = true} : memref<256xf32, #tpu.memory_space<vmem>>[vector<16xi32>], vector<16xf32>,
      tpu.vector_store_idx %arg9[%add3A_485], %broadcast_in_dim3A_147 {add = true} : memref<256xf32, #tpu.memory_space<vmem>>[vector<16xi32>], vector<16xf32>,
      %add3A_486 = arith.constant 304 : i32
      %add3A_487 = arith.addi %add3A_240, %add3A_486 : i32
      %get3A_488 = arith.index_cast %add3A_487 : i32 to index
      %get3A_489 = tpu.vector_load %arg6[%get3A_488] {strides = array<i32>} : memref<50000xf32, #tpu.memory_space<vmem>>, vector<16xf32>,
      %get3A_490 = arith.index_cast %add3A_487 : i32 to index
      %get3A_491 = tpu.vector_load %arg7[%get3A_490] {strides = array<i32>} : memref<50000xi32, #tpu.memory_space<vmem>>, vector<16xi32>,
      %shift_left3A_492 = arith.constant 4 : i32
      %shift_left3A_493 = vector.broadcast %shift_left3A_492 : i32 to vector<16xi32>
      %shift_left3A_494 = arith.shli %get3A_491, %shift_left3A_493 : vector<16xi32>
      %add3A_495 = arith.constant 0 : i32
      %add3A_496 = vector.broadcast %add3A_495 : i32 to vector<16xi32>
      %add3A_497 = arith.addi %iota3A, %add3A_496 : vector<16xi32>
      %add3A_498 = arith.addi %shift_left3A_494, %add3A_497 : vector<16xi32>
      tpu.vector_store_idx %arg8[%add3A_498], %get3A_489 {add = true} : memref<256xf32, #tpu.memory_space<vmem>>[vector<16xi32>], vector<16xf32>,
      tpu.vector_store_idx %arg9[%add3A_498], %broadcast_in_dim3A_147 {add = true} : memref<256xf32, #tpu.memory_space<vmem>>[vector<16xi32>], vector<16xf32>,
      %add3A_499 = arith.constant 320 : i32
      %add3A_500 = arith.addi %add3A_240, %add3A_499 : i32
      %get3A_501 = arith.index_cast %add3A_500 : i32 to index
      %get3A_502 = tpu.vector_load %arg6[%get3A_501] {strides = array<i32>} : memref<50000xf32, #tpu.memory_space<vmem>>, vector<16xf32>,
      %get3A_503 = arith.index_cast %add3A_500 : i32 to index
      %get3A_504 = tpu.vector_load %arg7[%get3A_503] {strides = array<i32>} : memref<50000xi32, #tpu.memory_space<vmem>>, vector<16xi32>,
      %shift_left3A_505 = arith.constant 4 : i32
      %shift_left3A_506 = vector.broadcast %shift_left3A_505 : i32 to vector<16xi32>
      %shift_left3A_507 = arith.shli %get3A_504, %shift_left3A_506 : vector<16xi32>
      %add3A_508 = arith.constant 0 : i32
      %add3A_509 = vector.broadcast %add3A_508 : i32 to vector<16xi32>
      %add3A_510 = arith.addi %iota3A, %add3A_509 : vector<16xi32>
      %add3A_511 = arith.addi %shift_left3A_507, %add3A_510 : vector<16xi32>
      tpu.vector_store_idx %arg8[%add3A_511], %get3A_502 {add = true} : memref<256xf32, #tpu.memory_space<vmem>>[vector<16xi32>], vector<16xf32>,
      tpu.vector_store_idx %arg9[%add3A_511], %broadcast_in_dim3A_147 {add = true} : memref<256xf32, #tpu.memory_space<vmem>>[vector<16xi32>], vector<16xf32>,
      %add3A_512 = arith.constant 336 : i32
      %add3A_513 = arith.addi %add3A_240, %add3A_512 : i32
      %get3A_514 = arith.index_cast %add3A_513 : i32 to index
      %get3A_515 = tpu.vector_load %arg6[%get3A_514] {strides = array<i32>} : memref<50000xf32, #tpu.memory_space<vmem>>, vector<16xf32>,
      %get3A_516 = arith.index_cast %add3A_513 : i32 to index
      %get3A_517 = tpu.vector_load %arg7[%get3A_516] {strides = array<i32>} : memref<50000xi32, #tpu.memory_space<vmem>>, vector<16xi32>,
      %shift_left3A_518 = arith.constant 4 : i32
      %shift_left3A_519 = vector.broadcast %shift_left3A_518 : i32 to vector<16xi32>
      %shift_left3A_520 = arith.shli %get3A_517, %shift_left3A_519 : vector<16xi32>
      %add3A_521 = arith.constant 0 : i32
      %add3A_522 = vector.broadcast %add3A_521 : i32 to vector<16xi32>
      %add3A_523 = arith.addi %iota3A, %add3A_522 : vector<16xi32>
      %add3A_524 = arith.addi %shift_left3A_520, %add3A_523 : vector<16xi32>
      tpu.vector_store_idx %arg8[%add3A_524], %get3A_515 {add = true} : memref<256xf32, #tpu.memory_space<vmem>>[vector<16xi32>], vector<16xf32>,
      tpu.vector_store_idx %arg9[%add3A_524], %broadcast_in_dim3A_147 {add = true} : memref<256xf32, #tpu.memory_space<vmem>>[vector<16xi32>], vector<16xf32>,
      %add3A_525 = arith.constant 352 : i32
      %add3A_526 = arith.addi %add3A_240, %add3A_525 : i32
      %get3A_527 = arith.index_cast %add3A_526 : i32 to index
      %get3A_528 = tpu.vector_load %arg6[%get3A_527] {strides = array<i32>} : memref<50000xf32, #tpu.memory_space<vmem>>, vector<16xf32>,
      %get3A_529 = arith.index_cast %add3A_526 : i32 to index
      %get3A_530 = tpu.vector_load %arg7[%get3A_529] {strides = array<i32>} : memref<50000xi32, #tpu.memory_space<vmem>>, vector<16xi32>,
      %shift_left3A_531 = arith.constant 4 : i32
      %shift_left3A_532 = vector.broadcast %shift_left3A_531 : i32 to vector<16xi32>
      %shift_left3A_533 = arith.shli %get3A_530, %shift_left3A_532 : vector<16xi32>
      %add3A_534 = arith.constant 0 : i32
      %add3A_535 = vector.broadcast %add3A_534 : i32 to vector<16xi32>
      %add3A_536 = arith.addi %iota3A, %add3A_535 : vector<16xi32>
      %add3A_537 = arith.addi %shift_left3A_533, %add3A_536 : vector<16xi32>
      tpu.vector_store_idx %arg8[%add3A_537], %get3A_528 {add = true} : memref<256xf32, #tpu.memory_space<vmem>>[vector<16xi32>], vector<16xf32>,
      tpu.vector_store_idx %arg9[%add3A_537], %broadcast_in_dim3A_147 {add = true} : memref<256xf32, #tpu.memory_space<vmem>>[vector<16xi32>], vector<16xf32>,
      %add3A_538 = arith.constant 368 : i32
      %add3A_539 = arith.addi %add3A_240, %add3A_538 : i32
      %get3A_540 = arith.index_cast %add3A_539 : i32 to index
      %get3A_541 = tpu.vector_load %arg6[%get3A_540] {strides = array<i32>} : memref<50000xf32, #tpu.memory_space<vmem>>, vector<16xf32>,
      %get3A_542 = arith.index_cast %add3A_539 : i32 to index
      %get3A_543 = tpu.vector_load %arg7[%get3A_542] {strides = array<i32>} : memref<50000xi32, #tpu.memory_space<vmem>>, vector<16xi32>,
      %shift_left3A_544 = arith.constant 4 : i32
      %shift_left3A_545 = vector.broadcast %shift_left3A_544 : i32 to vector<16xi32>
      %shift_left3A_546 = arith.shli %get3A_543, %shift_left3A_545 : vector<16xi32>
      %add3A_547 = arith.constant 0 : i32
      %add3A_548 = vector.broadcast %add3A_547 : i32 to vector<16xi32>
      %add3A_549 = arith.addi %iota3A, %add3A_548 : vector<16xi32>
      %add3A_550 = arith.addi %shift_left3A_546, %add3A_549 : vector<16xi32>
      tpu.vector_store_idx %arg8[%add3A_550], %get3A_541 {add = true} : memref<256xf32, #tpu.memory_space<vmem>>[vector<16xi32>], vector<16xf32>,
      tpu.vector_store_idx %arg9[%add3A_550], %broadcast_in_dim3A_147 {add = true} : memref<256xf32, #tpu.memory_space<vmem>>[vector<16xi32>], vector<16xf32>,
      %add3A_551 = arith.constant 384 : i32
      %add3A_552 = arith.addi %add3A_240, %add3A_551 : i32
      %get3A_553 = arith.index_cast %add3A_552 : i32 to index
      %get3A_554 = tpu.vector_load %arg6[%get3A_553] {strides = array<i32>} : memref<50000xf32, #tpu.memory_space<vmem>>, vector<16xf32>,
      %get3A_555 = arith.index_cast %add3A_552 : i32 to index
      %get3A_556 = tpu.vector_load %arg7[%get3A_555] {strides = array<i32>} : memref<50000xi32, #tpu.memory_space<vmem>>, vector<16xi32>,
      %shift_left3A_557 = arith.constant 4 : i32
      %shift_left3A_558 = vector.broadcast %shift_left3A_557 : i32 to vector<16xi32>
      %shift_left3A_559 = arith.shli %get3A_556, %shift_left3A_558 : vector<16xi32>
      %add3A_560 = arith.constant 0 : i32
      %add3A_561 = vector.broadcast %add3A_560 : i32 to vector<16xi32>
      %add3A_562 = arith.addi %iota3A, %add3A_561 : vector<16xi32>
      %add3A_563 = arith.addi %shift_left3A_559, %add3A_562 : vector<16xi32>
      tpu.vector_store_idx %arg8[%add3A_563], %get3A_554 {add = true} : memref<256xf32, #tpu.memory_space<vmem>>[vector<16xi32>], vector<16xf32>,
      tpu.vector_store_idx %arg9[%add3A_563], %broadcast_in_dim3A_147 {add = true} : memref<256xf32, #tpu.memory_space<vmem>>[vector<16xi32>], vector<16xf32>,
    }
    %scan3A_217 = arith.constant 25 : i32
    %dma_wait3A_218 = arith.constant 40000 : i32
    %dma_wait3A_219 = tpu.memref_slice %arg6[%dma_wait3A_218] : memref<50000xf32, #tpu.memory_space<vmem>> -> memref<10000xf32, #tpu.memory_space<vmem>>
    %dma_wait3A_220 = tpu.memref_slice %arg2[%add3A_67] : memref<1600000xf32, #tpu.memory_space<hbm>> -> memref<10000xf32, #tpu.memory_space<hbm>>
    %dma_wait3A_221 = arith.constant 40000 : i32
    %dma_wait3A_222 = tpu.memref_slice %arg6[%dma_wait3A_221] : memref<50000xf32, #tpu.memory_space<vmem>> -> memref<10000xf32, #tpu.memory_space<vmem>>
    %dma_wait3A_223 = tpu.memref_slice %arg2[%add3A_67] : memref<1600000xf32, #tpu.memory_space<hbm>> -> memref<10000xf32, #tpu.memory_space<hbm>>
    tpu.wait_dma2 semaphore(%arg14 : memref<!tpu.dma_semaphore, #tpu.memory_space<semaphore_mem>>) src(%dma_wait3A_223 : memref<10000xf32, #tpu.memory_space<hbm>>) dst(%dma_wait3A_222 : memref<10000xf32, #tpu.memory_space<vmem>>)
    %dma_wait3A_224 = arith.constant 40000 : i32
    %dma_wait3A_225 = tpu.memref_slice %arg7[%dma_wait3A_224] : memref<50000xi32, #tpu.memory_space<vmem>> -> memref<10000xi32, #tpu.memory_space<vmem>>
    %dma_wait3A_226 = tpu.memref_slice %arg3[%add3A_75] : memref<1600000xi32, #tpu.memory_space<hbm>> -> memref<10000xi32, #tpu.memory_space<hbm>>
    %dma_wait3A_227 = arith.constant 40000 : i32
    %dma_wait3A_228 = tpu.memref_slice %arg7[%dma_wait3A_227] : memref<50000xi32, #tpu.memory_space<vmem>> -> memref<10000xi32, #tpu.memory_space<vmem>>
    %dma_wait3A_229 = tpu.memref_slice %arg3[%add3A_75] : memref<1600000xi32, #tpu.memory_space<hbm>> -> memref<10000xi32, #tpu.memory_space<hbm>>
    tpu.wait_dma2 semaphore(%arg14 : memref<!tpu.dma_semaphore, #tpu.memory_space<semaphore_mem>>) src(%dma_wait3A_229 : memref<10000xi32, #tpu.memory_space<hbm>>) dst(%dma_wait3A_228 : memref<10000xi32, #tpu.memory_space<vmem>>)
    %scan3A_230 = arith.constant 0 : i32
    %scan3A_231 = arith.constant 0 : i32
    %scan3A_232 = arith.constant 25 : i32
    %scan3A_233 = arith.addi %scan3A_231, %scan3A_232 : i32
    %scan3A_234 = arith.constant 1 : i32
    scf.for %scan3A_236 = %scan3A_231 to %scan3A_233 step %scan3A_234  : i32 {
      %mul3A_237 = arith.constant 400 : i32
      %mul3A_238 = arith.muli %scan3A_236, %mul3A_237 : i32
      %add3A_239 = arith.constant 40000 : i32
      %add3A_240 = arith.addi %add3A_239, %mul3A_238 : i32
      %add3A_241 = arith.constant 0 : i32
      %add3A_242 = arith.addi %add3A_240, %add3A_241 : i32
      %get3A = arith.index_cast %add3A_242 : i32 to index
      %get3A_243 = tpu.vector_load %arg6[%get3A] {strides = array<i32>} : memref<50000xf32, #tpu.memory_space<vmem>>, vector<16xf32>,
      %get3A_244 = arith.index_cast %add3A_242 : i32 to index
      %get3A_245 = tpu.vector_load %arg7[%get3A_244] {strides = array<i32>} : memref<50000xi32, #tpu.memory_space<vmem>>, vector<16xi32>,
      %shift_left3A = arith.constant 4 : i32
      %shift_left3A_246 = vector.broadcast %shift_left3A : i32 to vector<16xi32>
      %shift_left3A_247 = arith.shli %get3A_245, %shift_left3A_246 : vector<16xi32>
      %add3A_248 = arith.constant 0 : i32
      %add3A_249 = vector.broadcast %add3A_248 : i32 to vector<16xi32>
      %add3A_250 = arith.addi %iota3A, %add3A_249 : vector<16xi32>
      %add3A_251 = arith.addi %shift_left3A_247, %add3A_250 : vector<16xi32>
      tpu.vector_store_idx %arg8[%add3A_251], %get3A_243 {add = true} : memref<256xf32, #tpu.memory_space<vmem>>[vector<16xi32>], vector<16xf32>,
      tpu.vector_store_idx %arg9[%add3A_251], %broadcast_in_dim3A_147 {add = true} : memref<256xf32, #tpu.memory_space<vmem>>[vector<16xi32>], vector<16xf32>,
      %add3A_252 = arith.constant 16 : i32
      %add3A_253 = arith.addi %add3A_240, %add3A_252 : i32
      %get3A_254 = arith.index_cast %add3A_253 : i32 to index
      %get3A_255 = tpu.vector_load %arg6[%get3A_254] {strides = array<i32>} : memref<50000xf32, #tpu.memory_space<vmem>>, vector<16xf32>,
      %get3A_256 = arith.index_cast %add3A_253 : i32 to index
      %get3A_257 = tpu.vector_load %arg7[%get3A_256] {strides = array<i32>} : memref<50000xi32, #tpu.memory_space<vmem>>, vector<16xi32>,
      %shift_left3A_258 = arith.constant 4 : i32
      %shift_left3A_259 = vector.broadcast %shift_left3A_258 : i32 to vector<16xi32>
      %shift_left3A_260 = arith.shli %get3A_257, %shift_left3A_259 : vector<16xi32>
      %add3A_261 = arith.constant 0 : i32
      %add3A_262 = vector.broadcast %add3A_261 : i32 to vector<16xi32>
      %add3A_263 = arith.addi %iota3A, %add3A_262 : vector<16xi32>
      %add3A_264 = arith.addi %shift_left3A_260, %add3A_263 : vector<16xi32>
      tpu.vector_store_idx %arg8[%add3A_264], %get3A_255 {add = true} : memref<256xf32, #tpu.memory_space<vmem>>[vector<16xi32>], vector<16xf32>,
      tpu.vector_store_idx %arg9[%add3A_264], %broadcast_in_dim3A_147 {add = true} : memref<256xf32, #tpu.memory_space<vmem>>[vector<16xi32>], vector<16xf32>,
      %add3A_265 = arith.constant 32 : i32
      %add3A_266 = arith.addi %add3A_240, %add3A_265 : i32
      %get3A_267 = arith.index_cast %add3A_266 : i32 to index
      %get3A_268 = tpu.vector_load %arg6[%get3A_267] {strides = array<i32>} : memref<50000xf32, #tpu.memory_space<vmem>>, vector<16xf32>,
      %get3A_269 = arith.index_cast %add3A_266 : i32 to index
      %get3A_270 = tpu.vector_load %arg7[%get3A_269] {strides = array<i32>} : memref<50000xi32, #tpu.memory_space<vmem>>, vector<16xi32>,
      %shift_left3A_271 = arith.constant 4 : i32
      %shift_left3A_272 = vector.broadcast %shift_left3A_271 : i32 to vector<16xi32>
      %shift_left3A_273 = arith.shli %get3A_270, %shift_left3A_272 : vector<16xi32>
      %add3A_274 = arith.constant 0 : i32
      %add3A_275 = vector.broadcast %add3A_274 : i32 to vector<16xi32>
      %add3A_276 = arith.addi %iota3A, %add3A_275 : vector<16xi32>
      %add3A_277 = arith.addi %shift_left3A_273, %add3A_276 : vector<16xi32>
      tpu.vector_store_idx %arg8[%add3A_277], %get3A_268 {add = true} : memref<256xf32, #tpu.memory_space<vmem>>[vector<16xi32>], vector<16xf32>,
      tpu.vector_store_idx %arg9[%add3A_277], %broadcast_in_dim3A_147 {add = true} : memref<256xf32, #tpu.memory_space<vmem>>[vector<16xi32>], vector<16xf32>,
      %add3A_278 = arith.constant 48 : i32
      %add3A_279 = arith.addi %add3A_240, %add3A_278 : i32
      %get3A_280 = arith.index_cast %add3A_279 : i32 to index
      %get3A_281 = tpu.vector_load %arg6[%get3A_280] {strides = array<i32>} : memref<50000xf32, #tpu.memory_space<vmem>>, vector<16xf32>,
      %get3A_282 = arith.index_cast %add3A_279 : i32 to index
      %get3A_283 = tpu.vector_load %arg7[%get3A_282] {strides = array<i32>} : memref<50000xi32, #tpu.memory_space<vmem>>, vector<16xi32>,
      %shift_left3A_284 = arith.constant 4 : i32
      %shift_left3A_285 = vector.broadcast %shift_left3A_284 : i32 to vector<16xi32>
      %shift_left3A_286 = arith.shli %get3A_283, %shift_left3A_285 : vector<16xi32>
      %add3A_287 = arith.constant 0 : i32
      %add3A_288 = vector.broadcast %add3A_287 : i32 to vector<16xi32>
      %add3A_289 = arith.addi %iota3A, %add3A_288 : vector<16xi32>
      %add3A_290 = arith.addi %shift_left3A_286, %add3A_289 : vector<16xi32>
      tpu.vector_store_idx %arg8[%add3A_290], %get3A_281 {add = true} : memref<256xf32, #tpu.memory_space<vmem>>[vector<16xi32>], vector<16xf32>,
      tpu.vector_store_idx %arg9[%add3A_290], %broadcast_in_dim3A_147 {add = true} : memref<256xf32, #tpu.memory_space<vmem>>[vector<16xi32>], vector<16xf32>,
      %add3A_291 = arith.constant 64 : i32
      %add3A_292 = arith.addi %add3A_240, %add3A_291 : i32
      %get3A_293 = arith.index_cast %add3A_292 : i32 to index
      %get3A_294 = tpu.vector_load %arg6[%get3A_293] {strides = array<i32>} : memref<50000xf32, #tpu.memory_space<vmem>>, vector<16xf32>,
      %get3A_295 = arith.index_cast %add3A_292 : i32 to index
      %get3A_296 = tpu.vector_load %arg7[%get3A_295] {strides = array<i32>} : memref<50000xi32, #tpu.memory_space<vmem>>, vector<16xi32>,
      %shift_left3A_297 = arith.constant 4 : i32
      %shift_left3A_298 = vector.broadcast %shift_left3A_297 : i32 to vector<16xi32>
      %shift_left3A_299 = arith.shli %get3A_296, %shift_left3A_298 : vector<16xi32>
      %add3A_300 = arith.constant 0 : i32
      %add3A_301 = vector.broadcast %add3A_300 : i32 to vector<16xi32>
      %add3A_302 = arith.addi %iota3A, %add3A_301 : vector<16xi32>
      %add3A_303 = arith.addi %shift_left3A_299, %add3A_302 : vector<16xi32>
      tpu.vector_store_idx %arg8[%add3A_303], %get3A_294 {add = true} : memref<256xf32, #tpu.memory_space<vmem>>[vector<16xi32>], vector<16xf32>,
      tpu.vector_store_idx %arg9[%add3A_303], %broadcast_in_dim3A_147 {add = true} : memref<256xf32, #tpu.memory_space<vmem>>[vector<16xi32>], vector<16xf32>,
      %add3A_304 = arith.constant 80 : i32
      %add3A_305 = arith.addi %add3A_240, %add3A_304 : i32
      %get3A_306 = arith.index_cast %add3A_305 : i32 to index
      %get3A_307 = tpu.vector_load %arg6[%get3A_306] {strides = array<i32>} : memref<50000xf32, #tpu.memory_space<vmem>>, vector<16xf32>,
      %get3A_308 = arith.index_cast %add3A_305 : i32 to index
      %get3A_309 = tpu.vector_load %arg7[%get3A_308] {strides = array<i32>} : memref<50000xi32, #tpu.memory_space<vmem>>, vector<16xi32>,
      %shift_left3A_310 = arith.constant 4 : i32
      %shift_left3A_311 = vector.broadcast %shift_left3A_310 : i32 to vector<16xi32>
      %shift_left3A_312 = arith.shli %get3A_309, %shift_left3A_311 : vector<16xi32>
      %add3A_313 = arith.constant 0 : i32
      %add3A_314 = vector.broadcast %add3A_313 : i32 to vector<16xi32>
      %add3A_315 = arith.addi %iota3A, %add3A_314 : vector<16xi32>
      %add3A_316 = arith.addi %shift_left3A_312, %add3A_315 : vector<16xi32>
      tpu.vector_store_idx %arg8[%add3A_316], %get3A_307 {add = true} : memref<256xf32, #tpu.memory_space<vmem>>[vector<16xi32>], vector<16xf32>,
      tpu.vector_store_idx %arg9[%add3A_316], %broadcast_in_dim3A_147 {add = true} : memref<256xf32, #tpu.memory_space<vmem>>[vector<16xi32>], vector<16xf32>,
      %add3A_317 = arith.constant 96 : i32
      %add3A_318 = arith.addi %add3A_240, %add3A_317 : i32
      %get3A_319 = arith.index_cast %add3A_318 : i32 to index
      %get3A_320 = tpu.vector_load %arg6[%get3A_319] {strides = array<i32>} : memref<50000xf32, #tpu.memory_space<vmem>>, vector<16xf32>,
      %get3A_321 = arith.index_cast %add3A_318 : i32 to index
      %get3A_322 = tpu.vector_load %arg7[%get3A_321] {strides = array<i32>} : memref<50000xi32, #tpu.memory_space<vmem>>, vector<16xi32>,
      %shift_left3A_323 = arith.constant 4 : i32
      %shift_left3A_324 = vector.broadcast %shift_left3A_323 : i32 to vector<16xi32>
      %shift_left3A_325 = arith.shli %get3A_322, %shift_left3A_324 : vector<16xi32>
      %add3A_326 = arith.constant 0 : i32
      %add3A_327 = vector.broadcast %add3A_326 : i32 to vector<16xi32>
      %add3A_328 = arith.addi %iota3A, %add3A_327 : vector<16xi32>
      %add3A_329 = arith.addi %shift_left3A_325, %add3A_328 : vector<16xi32>
      tpu.vector_store_idx %arg8[%add3A_329], %get3A_320 {add = true} : memref<256xf32, #tpu.memory_space<vmem>>[vector<16xi32>], vector<16xf32>,
      tpu.vector_store_idx %arg9[%add3A_329], %broadcast_in_dim3A_147 {add = true} : memref<256xf32, #tpu.memory_space<vmem>>[vector<16xi32>], vector<16xf32>,
      %add3A_330 = arith.constant 112 : i32
      %add3A_331 = arith.addi %add3A_240, %add3A_330 : i32
      %get3A_332 = arith.index_cast %add3A_331 : i32 to index
      %get3A_333 = tpu.vector_load %arg6[%get3A_332] {strides = array<i32>} : memref<50000xf32, #tpu.memory_space<vmem>>, vector<16xf32>,
      %get3A_334 = arith.index_cast %add3A_331 : i32 to index
      %get3A_335 = tpu.vector_load %arg7[%get3A_334] {strides = array<i32>} : memref<50000xi32, #tpu.memory_space<vmem>>, vector<16xi32>,
      %shift_left3A_336 = arith.constant 4 : i32
      %shift_left3A_337 = vector.broadcast %shift_left3A_336 : i32 to vector<16xi32>
      %shift_left3A_338 = arith.shli %get3A_335, %shift_left3A_337 : vector<16xi32>
      %add3A_339 = arith.constant 0 : i32
      %add3A_340 = vector.broadcast %add3A_339 : i32 to vector<16xi32>
      %add3A_341 = arith.addi %iota3A, %add3A_340 : vector<16xi32>
      %add3A_342 = arith.addi %shift_left3A_338, %add3A_341 : vector<16xi32>
      tpu.vector_store_idx %arg8[%add3A_342], %get3A_333 {add = true} : memref<256xf32, #tpu.memory_space<vmem>>[vector<16xi32>], vector<16xf32>,
      tpu.vector_store_idx %arg9[%add3A_342], %broadcast_in_dim3A_147 {add = true} : memref<256xf32, #tpu.memory_space<vmem>>[vector<16xi32>], vector<16xf32>,
      %add3A_343 = arith.constant 128 : i32
      %add3A_344 = arith.addi %add3A_240, %add3A_343 : i32
      %get3A_345 = arith.index_cast %add3A_344 : i32 to index
      %get3A_346 = tpu.vector_load %arg6[%get3A_345] {strides = array<i32>} : memref<50000xf32, #tpu.memory_space<vmem>>, vector<16xf32>,
      %get3A_347 = arith.index_cast %add3A_344 : i32 to index
      %get3A_348 = tpu.vector_load %arg7[%get3A_347] {strides = array<i32>} : memref<50000xi32, #tpu.memory_space<vmem>>, vector<16xi32>,
      %shift_left3A_349 = arith.constant 4 : i32
      %shift_left3A_350 = vector.broadcast %shift_left3A_349 : i32 to vector<16xi32>
      %shift_left3A_351 = arith.shli %get3A_348, %shift_left3A_350 : vector<16xi32>
      %add3A_352 = arith.constant 0 : i32
      %add3A_353 = vector.broadcast %add3A_352 : i32 to vector<16xi32>
      %add3A_354 = arith.addi %iota3A, %add3A_353 : vector<16xi32>
      %add3A_355 = arith.addi %shift_left3A_351, %add3A_354 : vector<16xi32>
      tpu.vector_store_idx %arg8[%add3A_355], %get3A_346 {add = true} : memref<256xf32, #tpu.memory_space<vmem>>[vector<16xi32>], vector<16xf32>,
      tpu.vector_store_idx %arg9[%add3A_355], %broadcast_in_dim3A_147 {add = true} : memref<256xf32, #tpu.memory_space<vmem>>[vector<16xi32>], vector<16xf32>,
      %add3A_356 = arith.constant 144 : i32
      %add3A_357 = arith.addi %add3A_240, %add3A_356 : i32
      %get3A_358 = arith.index_cast %add3A_357 : i32 to index
      %get3A_359 = tpu.vector_load %arg6[%get3A_358] {strides = array<i32>} : memref<50000xf32, #tpu.memory_space<vmem>>, vector<16xf32>,
      %get3A_360 = arith.index_cast %add3A_357 : i32 to index
      %get3A_361 = tpu.vector_load %arg7[%get3A_360] {strides = array<i32>} : memref<50000xi32, #tpu.memory_space<vmem>>, vector<16xi32>,
      %shift_left3A_362 = arith.constant 4 : i32
      %shift_left3A_363 = vector.broadcast %shift_left3A_362 : i32 to vector<16xi32>
      %shift_left3A_364 = arith.shli %get3A_361, %shift_left3A_363 : vector<16xi32>
      %add3A_365 = arith.constant 0 : i32
      %add3A_366 = vector.broadcast %add3A_365 : i32 to vector<16xi32>
      %add3A_367 = arith.addi %iota3A, %add3A_366 : vector<16xi32>
      %add3A_368 = arith.addi %shift_left3A_364, %add3A_367 : vector<16xi32>
      tpu.vector_store_idx %arg8[%add3A_368], %get3A_359 {add = true} : memref<256xf32, #tpu.memory_space<vmem>>[vector<16xi32>], vector<16xf32>,
      tpu.vector_store_idx %arg9[%add3A_368], %broadcast_in_dim3A_147 {add = true} : memref<256xf32, #tpu.memory_space<vmem>>[vector<16xi32>], vector<16xf32>,
      %add3A_369 = arith.constant 160 : i32
      %add3A_370 = arith.addi %add3A_240, %add3A_369 : i32
      %get3A_371 = arith.index_cast %add3A_370 : i32 to index
      %get3A_372 = tpu.vector_load %arg6[%get3A_371] {strides = array<i32>} : memref<50000xf32, #tpu.memory_space<vmem>>, vector<16xf32>,
      %get3A_373 = arith.index_cast %add3A_370 : i32 to index
      %get3A_374 = tpu.vector_load %arg7[%get3A_373] {strides = array<i32>} : memref<50000xi32, #tpu.memory_space<vmem>>, vector<16xi32>,
      %shift_left3A_375 = arith.constant 4 : i32
      %shift_left3A_376 = vector.broadcast %shift_left3A_375 : i32 to vector<16xi32>
      %shift_left3A_377 = arith.shli %get3A_374, %shift_left3A_376 : vector<16xi32>
      %add3A_378 = arith.constant 0 : i32
      %add3A_379 = vector.broadcast %add3A_378 : i32 to vector<16xi32>
      %add3A_380 = arith.addi %iota3A, %add3A_379 : vector<16xi32>
      %add3A_381 = arith.addi %shift_left3A_377, %add3A_380 : vector<16xi32>
      tpu.vector_store_idx %arg8[%add3A_381], %get3A_372 {add = true} : memref<256xf32, #tpu.memory_space<vmem>>[vector<16xi32>], vector<16xf32>,
      tpu.vector_store_idx %arg9[%add3A_381], %broadcast_in_dim3A_147 {add = true} : memref<256xf32, #tpu.memory_space<vmem>>[vector<16xi32>], vector<16xf32>,
      %add3A_382 = arith.constant 176 : i32
      %add3A_383 = arith.addi %add3A_240, %add3A_382 : i32
      %get3A_384 = arith.index_cast %add3A_383 : i32 to index
      %get3A_385 = tpu.vector_load %arg6[%get3A_384] {strides = array<i32>} : memref<50000xf32, #tpu.memory_space<vmem>>, vector<16xf32>,
      %get3A_386 = arith.index_cast %add3A_383 : i32 to index
      %get3A_387 = tpu.vector_load %arg7[%get3A_386] {strides = array<i32>} : memref<50000xi32, #tpu.memory_space<vmem>>, vector<16xi32>,
      %shift_left3A_388 = arith.constant 4 : i32
      %shift_left3A_389 = vector.broadcast %shift_left3A_388 : i32 to vector<16xi32>
      %shift_left3A_390 = arith.shli %get3A_387, %shift_left3A_389 : vector<16xi32>
      %add3A_391 = arith.constant 0 : i32
      %add3A_392 = vector.broadcast %add3A_391 : i32 to vector<16xi32>
      %add3A_393 = arith.addi %iota3A, %add3A_392 : vector<16xi32>
      %add3A_394 = arith.addi %shift_left3A_390, %add3A_393 : vector<16xi32>
      tpu.vector_store_idx %arg8[%add3A_394], %get3A_385 {add = true} : memref<256xf32, #tpu.memory_space<vmem>>[vector<16xi32>], vector<16xf32>,
      tpu.vector_store_idx %arg9[%add3A_394], %broadcast_in_dim3A_147 {add = true} : memref<256xf32, #tpu.memory_space<vmem>>[vector<16xi32>], vector<16xf32>,
      %add3A_395 = arith.constant 192 : i32
      %add3A_396 = arith.addi %add3A_240, %add3A_395 : i32
      %get3A_397 = arith.index_cast %add3A_396 : i32 to index
      %get3A_398 = tpu.vector_load %arg6[%get3A_397] {strides = array<i32>} : memref<50000xf32, #tpu.memory_space<vmem>>, vector<16xf32>,
      %get3A_399 = arith.index_cast %add3A_396 : i32 to index
      %get3A_400 = tpu.vector_load %arg7[%get3A_399] {strides = array<i32>} : memref<50000xi32, #tpu.memory_space<vmem>>, vector<16xi32>,
      %shift_left3A_401 = arith.constant 4 : i32
      %shift_left3A_402 = vector.broadcast %shift_left3A_401 : i32 to vector<16xi32>
      %shift_left3A_403 = arith.shli %get3A_400, %shift_left3A_402 : vector<16xi32>
      %add3A_404 = arith.constant 0 : i32
      %add3A_405 = vector.broadcast %add3A_404 : i32 to vector<16xi32>
      %add3A_406 = arith.addi %iota3A, %add3A_405 : vector<16xi32>
      %add3A_407 = arith.addi %shift_left3A_403, %add3A_406 : vector<16xi32>
      tpu.vector_store_idx %arg8[%add3A_407], %get3A_398 {add = true} : memref<256xf32, #tpu.memory_space<vmem>>[vector<16xi32>], vector<16xf32>,
      tpu.vector_store_idx %arg9[%add3A_407], %broadcast_in_dim3A_147 {add = true} : memref<256xf32, #tpu.memory_space<vmem>>[vector<16xi32>], vector<16xf32>,
      %add3A_408 = arith.constant 208 : i32
      %add3A_409 = arith.addi %add3A_240, %add3A_408 : i32
      %get3A_410 = arith.index_cast %add3A_409 : i32 to index
      %get3A_411 = tpu.vector_load %arg6[%get3A_410] {strides = array<i32>} : memref<50000xf32, #tpu.memory_space<vmem>>, vector<16xf32>,
      %get3A_412 = arith.index_cast %add3A_409 : i32 to index
      %get3A_413 = tpu.vector_load %arg7[%get3A_412] {strides = array<i32>} : memref<50000xi32, #tpu.memory_space<vmem>>, vector<16xi32>,
      %shift_left3A_414 = arith.constant 4 : i32
      %shift_left3A_415 = vector.broadcast %shift_left3A_414 : i32 to vector<16xi32>
      %shift_left3A_416 = arith.shli %get3A_413, %shift_left3A_415 : vector<16xi32>
      %add3A_417 = arith.constant 0 : i32
      %add3A_418 = vector.broadcast %add3A_417 : i32 to vector<16xi32>
      %add3A_419 = arith.addi %iota3A, %add3A_418 : vector<16xi32>
      %add3A_420 = arith.addi %shift_left3A_416, %add3A_419 : vector<16xi32>
      tpu.vector_store_idx %arg8[%add3A_420], %get3A_411 {add = true} : memref<256xf32, #tpu.memory_space<vmem>>[vector<16xi32>], vector<16xf32>,
      tpu.vector_store_idx %arg9[%add3A_420], %broadcast_in_dim3A_147 {add = true} : memref<256xf32, #tpu.memory_space<vmem>>[vector<16xi32>], vector<16xf32>,
      %add3A_421 = arith.constant 224 : i32
      %add3A_422 = arith.addi %add3A_240, %add3A_421 : i32
      %get3A_423 = arith.index_cast %add3A_422 : i32 to index
      %get3A_424 = tpu.vector_load %arg6[%get3A_423] {strides = array<i32>} : memref<50000xf32, #tpu.memory_space<vmem>>, vector<16xf32>,
      %get3A_425 = arith.index_cast %add3A_422 : i32 to index
      %get3A_426 = tpu.vector_load %arg7[%get3A_425] {strides = array<i32>} : memref<50000xi32, #tpu.memory_space<vmem>>, vector<16xi32>,
      %shift_left3A_427 = arith.constant 4 : i32
      %shift_left3A_428 = vector.broadcast %shift_left3A_427 : i32 to vector<16xi32>
      %shift_left3A_429 = arith.shli %get3A_426, %shift_left3A_428 : vector<16xi32>
      %add3A_430 = arith.constant 0 : i32
      %add3A_431 = vector.broadcast %add3A_430 : i32 to vector<16xi32>
      %add3A_432 = arith.addi %iota3A, %add3A_431 : vector<16xi32>
      %add3A_433 = arith.addi %shift_left3A_429, %add3A_432 : vector<16xi32>
      tpu.vector_store_idx %arg8[%add3A_433], %get3A_424 {add = true} : memref<256xf32, #tpu.memory_space<vmem>>[vector<16xi32>], vector<16xf32>,
      tpu.vector_store_idx %arg9[%add3A_433], %broadcast_in_dim3A_147 {add = true} : memref<256xf32, #tpu.memory_space<vmem>>[vector<16xi32>], vector<16xf32>,
      %add3A_434 = arith.constant 240 : i32
      %add3A_435 = arith.addi %add3A_240, %add3A_434 : i32
      %get3A_436 = arith.index_cast %add3A_435 : i32 to index
      %get3A_437 = tpu.vector_load %arg6[%get3A_436] {strides = array<i32>} : memref<50000xf32, #tpu.memory_space<vmem>>, vector<16xf32>,
      %get3A_438 = arith.index_cast %add3A_435 : i32 to index
      %get3A_439 = tpu.vector_load %arg7[%get3A_438] {strides = array<i32>} : memref<50000xi32, #tpu.memory_space<vmem>>, vector<16xi32>,
      %shift_left3A_440 = arith.constant 4 : i32
      %shift_left3A_441 = vector.broadcast %shift_left3A_440 : i32 to vector<16xi32>
      %shift_left3A_442 = arith.shli %get3A_439, %shift_left3A_441 : vector<16xi32>
      %add3A_443 = arith.constant 0 : i32
      %add3A_444 = vector.broadcast %add3A_443 : i32 to vector<16xi32>
      %add3A_445 = arith.addi %iota3A, %add3A_444 : vector<16xi32>
      %add3A_446 = arith.addi %shift_left3A_442, %add3A_445 : vector<16xi32>
      tpu.vector_store_idx %arg8[%add3A_446], %get3A_437 {add = true} : memref<256xf32, #tpu.memory_space<vmem>>[vector<16xi32>], vector<16xf32>,
      tpu.vector_store_idx %arg9[%add3A_446], %broadcast_in_dim3A_147 {add = true} : memref<256xf32, #tpu.memory_space<vmem>>[vector<16xi32>], vector<16xf32>,
      %add3A_447 = arith.constant 256 : i32
      %add3A_448 = arith.addi %add3A_240, %add3A_447 : i32
      %get3A_449 = arith.index_cast %add3A_448 : i32 to index
      %get3A_450 = tpu.vector_load %arg6[%get3A_449] {strides = array<i32>} : memref<50000xf32, #tpu.memory_space<vmem>>, vector<16xf32>,
      %get3A_451 = arith.index_cast %add3A_448 : i32 to index
      %get3A_452 = tpu.vector_load %arg7[%get3A_451] {strides = array<i32>} : memref<50000xi32, #tpu.memory_space<vmem>>, vector<16xi32>,
      %shift_left3A_453 = arith.constant 4 : i32
      %shift_left3A_454 = vector.broadcast %shift_left3A_453 : i32 to vector<16xi32>
      %shift_left3A_455 = arith.shli %get3A_452, %shift_left3A_454 : vector<16xi32>
      %add3A_456 = arith.constant 0 : i32
      %add3A_457 = vector.broadcast %add3A_456 : i32 to vector<16xi32>
      %add3A_458 = arith.addi %iota3A, %add3A_457 : vector<16xi32>
      %add3A_459 = arith.addi %shift_left3A_455, %add3A_458 : vector<16xi32>
      tpu.vector_store_idx %arg8[%add3A_459], %get3A_450 {add = true} : memref<256xf32, #tpu.memory_space<vmem>>[vector<16xi32>], vector<16xf32>,
      tpu.vector_store_idx %arg9[%add3A_459], %broadcast_in_dim3A_147 {add = true} : memref<256xf32, #tpu.memory_space<vmem>>[vector<16xi32>], vector<16xf32>,
      %add3A_460 = arith.constant 272 : i32
      %add3A_461 = arith.addi %add3A_240, %add3A_460 : i32
      %get3A_462 = arith.index_cast %add3A_461 : i32 to index
      %get3A_463 = tpu.vector_load %arg6[%get3A_462] {strides = array<i32>} : memref<50000xf32, #tpu.memory_space<vmem>>, vector<16xf32>,
      %get3A_464 = arith.index_cast %add3A_461 : i32 to index
      %get3A_465 = tpu.vector_load %arg7[%get3A_464] {strides = array<i32>} : memref<50000xi32, #tpu.memory_space<vmem>>, vector<16xi32>,
      %shift_left3A_466 = arith.constant 4 : i32
      %shift_left3A_467 = vector.broadcast %shift_left3A_466 : i32 to vector<16xi32>
      %shift_left3A_468 = arith.shli %get3A_465, %shift_left3A_467 : vector<16xi32>
      %add3A_469 = arith.constant 0 : i32
      %add3A_470 = vector.broadcast %add3A_469 : i32 to vector<16xi32>
      %add3A_471 = arith.addi %iota3A, %add3A_470 : vector<16xi32>
      %add3A_472 = arith.addi %shift_left3A_468, %add3A_471 : vector<16xi32>
      tpu.vector_store_idx %arg8[%add3A_472], %get3A_463 {add = true} : memref<256xf32, #tpu.memory_space<vmem>>[vector<16xi32>], vector<16xf32>,
      tpu.vector_store_idx %arg9[%add3A_472], %broadcast_in_dim3A_147 {add = true} : memref<256xf32, #tpu.memory_space<vmem>>[vector<16xi32>], vector<16xf32>,
      %add3A_473 = arith.constant 288 : i32
      %add3A_474 = arith.addi %add3A_240, %add3A_473 : i32
      %get3A_475 = arith.index_cast %add3A_474 : i32 to index
      %get3A_476 = tpu.vector_load %arg6[%get3A_475] {strides = array<i32>} : memref<50000xf32, #tpu.memory_space<vmem>>, vector<16xf32>,
      %get3A_477 = arith.index_cast %add3A_474 : i32 to index
      %get3A_478 = tpu.vector_load %arg7[%get3A_477] {strides = array<i32>} : memref<50000xi32, #tpu.memory_space<vmem>>, vector<16xi32>,
      %shift_left3A_479 = arith.constant 4 : i32
      %shift_left3A_480 = vector.broadcast %shift_left3A_479 : i32 to vector<16xi32>
      %shift_left3A_481 = arith.shli %get3A_478, %shift_left3A_480 : vector<16xi32>
      %add3A_482 = arith.constant 0 : i32
      %add3A_483 = vector.broadcast %add3A_482 : i32 to vector<16xi32>
      %add3A_484 = arith.addi %iota3A, %add3A_483 : vector<16xi32>
      %add3A_485 = arith.addi %shift_left3A_481, %add3A_484 : vector<16xi32>
      tpu.vector_store_idx %arg8[%add3A_485], %get3A_476 {add = true} : memref<256xf32, #tpu.memory_space<vmem>>[vector<16xi32>], vector<16xf32>,
      tpu.vector_store_idx %arg9[%add3A_485], %broadcast_in_dim3A_147 {add = true} : memref<256xf32, #tpu.memory_space<vmem>>[vector<16xi32>], vector<16xf32>,
      %add3A_486 = arith.constant 304 : i32
      %add3A_487 = arith.addi %add3A_240, %add3A_486 : i32
      %get3A_488 = arith.index_cast %add3A_487 : i32 to index
      %get3A_489 = tpu.vector_load %arg6[%get3A_488] {strides = array<i32>} : memref<50000xf32, #tpu.memory_space<vmem>>, vector<16xf32>,
      %get3A_490 = arith.index_cast %add3A_487 : i32 to index
      %get3A_491 = tpu.vector_load %arg7[%get3A_490] {strides = array<i32>} : memref<50000xi32, #tpu.memory_space<vmem>>, vector<16xi32>,
      %shift_left3A_492 = arith.constant 4 : i32
      %shift_left3A_493 = vector.broadcast %shift_left3A_492 : i32 to vector<16xi32>
      %shift_left3A_494 = arith.shli %get3A_491, %shift_left3A_493 : vector<16xi32>
      %add3A_495 = arith.constant 0 : i32
      %add3A_496 = vector.broadcast %add3A_495 : i32 to vector<16xi32>
      %add3A_497 = arith.addi %iota3A, %add3A_496 : vector<16xi32>
      %add3A_498 = arith.addi %shift_left3A_494, %add3A_497 : vector<16xi32>
      tpu.vector_store_idx %arg8[%add3A_498], %get3A_489 {add = true} : memref<256xf32, #tpu.memory_space<vmem>>[vector<16xi32>], vector<16xf32>,
      tpu.vector_store_idx %arg9[%add3A_498], %broadcast_in_dim3A_147 {add = true} : memref<256xf32, #tpu.memory_space<vmem>>[vector<16xi32>], vector<16xf32>,
      %add3A_499 = arith.constant 320 : i32
      %add3A_500 = arith.addi %add3A_240, %add3A_499 : i32
      %get3A_501 = arith.index_cast %add3A_500 : i32 to index
      %get3A_502 = tpu.vector_load %arg6[%get3A_501] {strides = array<i32>} : memref<50000xf32, #tpu.memory_space<vmem>>, vector<16xf32>,
      %get3A_503 = arith.index_cast %add3A_500 : i32 to index
      %get3A_504 = tpu.vector_load %arg7[%get3A_503] {strides = array<i32>} : memref<50000xi32, #tpu.memory_space<vmem>>, vector<16xi32>,
      %shift_left3A_505 = arith.constant 4 : i32
      %shift_left3A_506 = vector.broadcast %shift_left3A_505 : i32 to vector<16xi32>
      %shift_left3A_507 = arith.shli %get3A_504, %shift_left3A_506 : vector<16xi32>
      %add3A_508 = arith.constant 0 : i32
      %add3A_509 = vector.broadcast %add3A_508 : i32 to vector<16xi32>
      %add3A_510 = arith.addi %iota3A, %add3A_509 : vector<16xi32>
      %add3A_511 = arith.addi %shift_left3A_507, %add3A_510 : vector<16xi32>
      tpu.vector_store_idx %arg8[%add3A_511], %get3A_502 {add = true} : memref<256xf32, #tpu.memory_space<vmem>>[vector<16xi32>], vector<16xf32>,
      tpu.vector_store_idx %arg9[%add3A_511], %broadcast_in_dim3A_147 {add = true} : memref<256xf32, #tpu.memory_space<vmem>>[vector<16xi32>], vector<16xf32>,
      %add3A_512 = arith.constant 336 : i32
      %add3A_513 = arith.addi %add3A_240, %add3A_512 : i32
      %get3A_514 = arith.index_cast %add3A_513 : i32 to index
      %get3A_515 = tpu.vector_load %arg6[%get3A_514] {strides = array<i32>} : memref<50000xf32, #tpu.memory_space<vmem>>, vector<16xf32>,
      %get3A_516 = arith.index_cast %add3A_513 : i32 to index
      %get3A_517 = tpu.vector_load %arg7[%get3A_516] {strides = array<i32>} : memref<50000xi32, #tpu.memory_space<vmem>>, vector<16xi32>,
      %shift_left3A_518 = arith.constant 4 : i32
      %shift_left3A_519 = vector.broadcast %shift_left3A_518 : i32 to vector<16xi32>
      %shift_left3A_520 = arith.shli %get3A_517, %shift_left3A_519 : vector<16xi32>
      %add3A_521 = arith.constant 0 : i32
      %add3A_522 = vector.broadcast %add3A_521 : i32 to vector<16xi32>
      %add3A_523 = arith.addi %iota3A, %add3A_522 : vector<16xi32>
      %add3A_524 = arith.addi %shift_left3A_520, %add3A_523 : vector<16xi32>
      tpu.vector_store_idx %arg8[%add3A_524], %get3A_515 {add = true} : memref<256xf32, #tpu.memory_space<vmem>>[vector<16xi32>], vector<16xf32>,
      tpu.vector_store_idx %arg9[%add3A_524], %broadcast_in_dim3A_147 {add = true} : memref<256xf32, #tpu.memory_space<vmem>>[vector<16xi32>], vector<16xf32>,
      %add3A_525 = arith.constant 352 : i32
      %add3A_526 = arith.addi %add3A_240, %add3A_525 : i32
      %get3A_527 = arith.index_cast %add3A_526 : i32 to index
      %get3A_528 = tpu.vector_load %arg6[%get3A_527] {strides = array<i32>} : memref<50000xf32, #tpu.memory_space<vmem>>, vector<16xf32>,
      %get3A_529 = arith.index_cast %add3A_526 : i32 to index
      %get3A_530 = tpu.vector_load %arg7[%get3A_529] {strides = array<i32>} : memref<50000xi32, #tpu.memory_space<vmem>>, vector<16xi32>,
      %shift_left3A_531 = arith.constant 4 : i32
      %shift_left3A_532 = vector.broadcast %shift_left3A_531 : i32 to vector<16xi32>
      %shift_left3A_533 = arith.shli %get3A_530, %shift_left3A_532 : vector<16xi32>
      %add3A_534 = arith.constant 0 : i32
      %add3A_535 = vector.broadcast %add3A_534 : i32 to vector<16xi32>
      %add3A_536 = arith.addi %iota3A, %add3A_535 : vector<16xi32>
      %add3A_537 = arith.addi %shift_left3A_533, %add3A_536 : vector<16xi32>
      tpu.vector_store_idx %arg8[%add3A_537], %get3A_528 {add = true} : memref<256xf32, #tpu.memory_space<vmem>>[vector<16xi32>], vector<16xf32>,
      tpu.vector_store_idx %arg9[%add3A_537], %broadcast_in_dim3A_147 {add = true} : memref<256xf32, #tpu.memory_space<vmem>>[vector<16xi32>], vector<16xf32>,
      %add3A_538 = arith.constant 368 : i32
      %add3A_539 = arith.addi %add3A_240, %add3A_538 : i32
      %get3A_540 = arith.index_cast %add3A_539 : i32 to index
      %get3A_541 = tpu.vector_load %arg6[%get3A_540] {strides = array<i32>} : memref<50000xf32, #tpu.memory_space<vmem>>, vector<16xf32>,
      %get3A_542 = arith.index_cast %add3A_539 : i32 to index
      %get3A_543 = tpu.vector_load %arg7[%get3A_542] {strides = array<i32>} : memref<50000xi32, #tpu.memory_space<vmem>>, vector<16xi32>,
      %shift_left3A_544 = arith.constant 4 : i32
      %shift_left3A_545 = vector.broadcast %shift_left3A_544 : i32 to vector<16xi32>
      %shift_left3A_546 = arith.shli %get3A_543, %shift_left3A_545 : vector<16xi32>
      %add3A_547 = arith.constant 0 : i32
      %add3A_548 = vector.broadcast %add3A_547 : i32 to vector<16xi32>
      %add3A_549 = arith.addi %iota3A, %add3A_548 : vector<16xi32>
      %add3A_550 = arith.addi %shift_left3A_546, %add3A_549 : vector<16xi32>
      tpu.vector_store_idx %arg8[%add3A_550], %get3A_541 {add = true} : memref<256xf32, #tpu.memory_space<vmem>>[vector<16xi32>], vector<16xf32>,
      tpu.vector_store_idx %arg9[%add3A_550], %broadcast_in_dim3A_147 {add = true} : memref<256xf32, #tpu.memory_space<vmem>>[vector<16xi32>], vector<16xf32>,
      %add3A_551 = arith.constant 384 : i32
      %add3A_552 = arith.addi %add3A_240, %add3A_551 : i32
      %get3A_553 = arith.index_cast %add3A_552 : i32 to index
      %get3A_554 = tpu.vector_load %arg6[%get3A_553] {strides = array<i32>} : memref<50000xf32, #tpu.memory_space<vmem>>, vector<16xf32>,
      %get3A_555 = arith.index_cast %add3A_552 : i32 to index
      %get3A_556 = tpu.vector_load %arg7[%get3A_555] {strides = array<i32>} : memref<50000xi32, #tpu.memory_space<vmem>>, vector<16xi32>,
      %shift_left3A_557 = arith.constant 4 : i32
      %shift_left3A_558 = vector.broadcast %shift_left3A_557 : i32 to vector<16xi32>
      %shift_left3A_559 = arith.shli %get3A_556, %shift_left3A_558 : vector<16xi32>
      %add3A_560 = arith.constant 0 : i32
      %add3A_561 = vector.broadcast %add3A_560 : i32 to vector<16xi32>
      %add3A_562 = arith.addi %iota3A, %add3A_561 : vector<16xi32>
      %add3A_563 = arith.addi %shift_left3A_559, %add3A_562 : vector<16xi32>
      tpu.vector_store_idx %arg8[%add3A_563], %get3A_554 {add = true} : memref<256xf32, #tpu.memory_space<vmem>>[vector<16xi32>], vector<16xf32>,
      tpu.vector_store_idx %arg9[%add3A_563], %broadcast_in_dim3A_147 {add = true} : memref<256xf32, #tpu.memory_space<vmem>>[vector<16xi32>], vector<16xf32>,
    }
    %scan3A_235 = arith.constant 25 : i32
    "tpu.region"() ({
      %run_scoped3A = tpu.sem_alloc : memref<!tpu.dma_semaphore, #tpu.memory_space<semaphore_mem>>
      %dma_start3A_236 = arith.constant 0 : i32
      %dma_start3A_237 = tpu.memref_slice %arg8[%dma_start3A_236] : memref<256xf32, #tpu.memory_space<vmem>> -> memref<256xf32, #tpu.memory_space<vmem>>
      %dma_start3A_238 = arith.constant 0 : i32
      %dma_start3A_239 = tpu.memref_slice %arg4[%add3A, %dma_start3A_238] : memref<32x256xf32, #tpu.memory_space<hbm>> -> memref<1x256xf32, #tpu.memory_space<hbm>>
      %dma_start3A_240 = tpu.memref_squeeze %dma_start3A_239 : memref<1x256xf32, #tpu.memory_space<hbm>> -> memref<256xf32, #tpu.memory_space<hbm>>
      %dma_start3A_241 = arith.constant 0 : i32
      %dma_start3A_242 = tpu.memref_slice %arg4[%add3A, %dma_start3A_241] : memref<32x256xf32, #tpu.memory_space<hbm>> -> memref<1x256xf32, #tpu.memory_space<hbm>>
      %dma_start3A_243 = tpu.memref_squeeze %dma_start3A_242 : memref<1x256xf32, #tpu.memory_space<hbm>> -> memref<256xf32, #tpu.memory_space<hbm>>
      %dma_start3A_244 = arith.constant 0 : i32
      %dma_start3A_245 = tpu.memref_slice %arg8[%dma_start3A_244] : memref<256xf32, #tpu.memory_space<vmem>> -> memref<256xf32, #tpu.memory_space<vmem>>
      tpu.enqueue_dma source(%dma_start3A_245 : memref<256xf32, #tpu.memory_space<vmem>>) target(%dma_start3A_243 : memref<256xf32, #tpu.memory_space<hbm>>) target_semaphore(%run_scoped3A : memref<!tpu.dma_semaphore, #tpu.memory_space<semaphore_mem>>)
      %dma_wait3A_246 = arith.constant 0 : i32
      %dma_wait3A_247 = tpu.memref_slice %arg8[%dma_wait3A_246] : memref<256xf32, #tpu.memory_space<vmem>> -> memref<256xf32, #tpu.memory_space<vmem>>
      %dma_wait3A_248 = arith.constant 0 : i32
      %dma_wait3A_249 = tpu.memref_slice %arg4[%add3A, %dma_wait3A_248] : memref<32x256xf32, #tpu.memory_space<hbm>> -> memref<1x256xf32, #tpu.memory_space<hbm>>
      %dma_wait3A_250 = tpu.memref_squeeze %dma_wait3A_249 : memref<1x256xf32, #tpu.memory_space<hbm>> -> memref<256xf32, #tpu.memory_space<hbm>>
      %dma_wait3A_251 = arith.constant 0 : i32
      %dma_wait3A_252 = tpu.memref_slice %arg4[%add3A, %dma_wait3A_251] : memref<32x256xf32, #tpu.memory_space<hbm>> -> memref<1x256xf32, #tpu.memory_space<hbm>>
      %dma_wait3A_253 = tpu.memref_squeeze %dma_wait3A_252 : memref<1x256xf32, #tpu.memory_space<hbm>> -> memref<256xf32, #tpu.memory_space<hbm>>
      %dma_wait3A_254 = arith.constant 0 : i32
      %dma_wait3A_255 = tpu.memref_slice %arg8[%dma_wait3A_254] : memref<256xf32, #tpu.memory_space<vmem>> -> memref<256xf32, #tpu.memory_space<vmem>>
      tpu.wait_dma2 semaphore(%run_scoped3A : memref<!tpu.dma_semaphore, #tpu.memory_space<semaphore_mem>>) src(%dma_wait3A_255 : memref<256xf32, #tpu.memory_space<vmem>>) dst(%dma_wait3A_253 : memref<256xf32, #tpu.memory_space<hbm>>)
      tpu.yield
    }) : () -> ()
    "tpu.region"() ({
      %run_scoped3A = tpu.sem_alloc : memref<!tpu.dma_semaphore, #tpu.memory_space<semaphore_mem>>
      %dma_start3A_236 = arith.constant 0 : i32
      %dma_start3A_237 = tpu.memref_slice %arg9[%dma_start3A_236] : memref<256xf32, #tpu.memory_space<vmem>> -> memref<256xf32, #tpu.memory_space<vmem>>
      %dma_start3A_238 = arith.constant 0 : i32
      %dma_start3A_239 = tpu.memref_slice %arg5[%add3A, %dma_start3A_238] : memref<32x256xf32, #tpu.memory_space<hbm>> -> memref<1x256xf32, #tpu.memory_space<hbm>>
      %dma_start3A_240 = tpu.memref_squeeze %dma_start3A_239 : memref<1x256xf32, #tpu.memory_space<hbm>> -> memref<256xf32, #tpu.memory_space<hbm>>
      %dma_start3A_241 = arith.constant 0 : i32
      %dma_start3A_242 = tpu.memref_slice %arg5[%add3A, %dma_start3A_241] : memref<32x256xf32, #tpu.memory_space<hbm>> -> memref<1x256xf32, #tpu.memory_space<hbm>>
      %dma_start3A_243 = tpu.memref_squeeze %dma_start3A_242 : memref<1x256xf32, #tpu.memory_space<hbm>> -> memref<256xf32, #tpu.memory_space<hbm>>
      %dma_start3A_244 = arith.constant 0 : i32
      %dma_start3A_245 = tpu.memref_slice %arg9[%dma_start3A_244] : memref<256xf32, #tpu.memory_space<vmem>> -> memref<256xf32, #tpu.memory_space<vmem>>
      tpu.enqueue_dma source(%dma_start3A_245 : memref<256xf32, #tpu.memory_space<vmem>>) target(%dma_start3A_243 : memref<256xf32, #tpu.memory_space<hbm>>) target_semaphore(%run_scoped3A : memref<!tpu.dma_semaphore, #tpu.memory_space<semaphore_mem>>)
      %dma_wait3A_246 = arith.constant 0 : i32
      %dma_wait3A_247 = tpu.memref_slice %arg9[%dma_wait3A_246] : memref<256xf32, #tpu.memory_space<vmem>> -> memref<256xf32, #tpu.memory_space<vmem>>
      %dma_wait3A_248 = arith.constant 0 : i32
      %dma_wait3A_249 = tpu.memref_slice %arg5[%add3A, %dma_wait3A_248] : memref<32x256xf32, #tpu.memory_space<hbm>> -> memref<1x256xf32, #tpu.memory_space<hbm>>
      %dma_wait3A_250 = tpu.memref_squeeze %dma_wait3A_249 : memref<1x256xf32, #tpu.memory_space<hbm>> -> memref<256xf32, #tpu.memory_space<hbm>>
      %dma_wait3A_251 = arith.constant 0 : i32
      %dma_wait3A_252 = tpu.memref_slice %arg5[%add3A, %dma_wait3A_251] : memref<32x256xf32, #tpu.memory_space<hbm>> -> memref<1x256xf32, #tpu.memory_space<hbm>>
      %dma_wait3A_253 = tpu.memref_squeeze %dma_wait3A_252 : memref<1x256xf32, #tpu.memory_space<hbm>> -> memref<256xf32, #tpu.memory_space<hbm>>
      %dma_wait3A_254 = arith.constant 0 : i32
      %dma_wait3A_255 = tpu.memref_slice %arg9[%dma_wait3A_254] : memref<256xf32, #tpu.memory_space<vmem>> -> memref<256xf32, #tpu.memory_space<vmem>>
      tpu.wait_dma2 semaphore(%run_scoped3A : memref<!tpu.dma_semaphore, #tpu.memory_space<semaphore_mem>>) src(%dma_wait3A_255 : memref<256xf32, #tpu.memory_space<vmem>>) dst(%dma_wait3A_253 : memref<256xf32, #tpu.memory_space<hbm>>)
      tpu.yield
    }) : () -> ()
    return
  }
}

module attributes {stable_mosaic.version = 14 : i64} {
  func.func @_epilogue_body(%arg0: memref<32x256xf32, #tpu.memory_space<vmem>>, %arg1: memref<32x256xf32, #tpu.memory_space<vmem>>, %arg2: memref<1x16xf32, #tpu.memory_space<vmem>>, %arg3: memref<1x1xf32, #tpu.memory_space<vmem>>) attributes {dimension_semantics = [], scalar_prefetch = 0 : i64, scratch_operands = 0 : i64, tpu.core_type = #tpu.core_type<tc>} {
    %get3A = arith.constant 0 : index
    %get3A_0 = arith.constant 0 : index
    %get3A_1 = vector.load %arg0[%get3A, %get3A_0] : memref<32x256xf32, #tpu.memory_space<vmem>>, vector<32x256xf32>
    %reduce_sum3A = arith.constant dense<0.000000e+00> : vector<256xf32>
    %reduce_sum3A_2 = vector.multi_reduction <add>, %get3A_1, %reduce_sum3A [0] : vector<32x256xf32> to vector<256xf32>
    %broadcast_in_dim3A = vector.shape_cast %reduce_sum3A_2 : vector<256xf32> to vector<1x256xf32>
    %get3A_3 = arith.constant 0 : index
    %get3A_4 = arith.constant 0 : index
    %get3A_5 = vector.load %arg1[%get3A_3, %get3A_4] : memref<32x256xf32, #tpu.memory_space<vmem>>, vector<32x256xf32>
    %reduce_sum3A_6 = arith.constant dense<0.000000e+00> : vector<256xf32>
    %reduce_sum3A_7 = vector.multi_reduction <add>, %get3A_5, %reduce_sum3A_6 [0] : vector<32x256xf32> to vector<256xf32>
    %broadcast_in_dim3A_8 = vector.shape_cast %reduce_sum3A_7 : vector<256xf32> to vector<1x256xf32>
    %iota3A = tpu.iota {dimensions = array<i32: 0>} : vector<256x16xi32>
    %shift_right_logical3A = arith.constant 4 : i32
    %shift_right_logical3A_9 = vector.broadcast %shift_right_logical3A : i32 to vector<256x16xi32>
    %shift_right_logical3A_10 = arith.shrui %iota3A, %shift_right_logical3A_9 : vector<256x16xi32>
    %iota3A_11 = tpu.iota {dimensions = array<i32: 1>} : vector<256x16xi32>
    %eq3A = arith.cmpi eq, %shift_right_logical3A_10, %iota3A_11 : vector<256x16xi32>
    %convert_element_type3A = arith.extui %eq3A : vector<256x16xi1> to vector<256x16xi32>
    %convert_element_type3A_12 = arith.sitofp %convert_element_type3A : vector<256x16xi32> to vector<256x16xf32>
    %dot_general3A = arith.constant dense<0.000000e+00> : vector<1x16xf32>
    %dot_general3A_13 = tpu.matmul %broadcast_in_dim3A, %convert_element_type3A_12, %dot_general3A {dimension_numbers = #tpu.dot_dimension_numbers<[1], [0], [0], [1], [0, 0, 1, 1], [], []>, transpose_lhs_hint = false} : vector<1x256xf32>, vector<256x16xf32>, vector<1x16xf32> -> vector<1x16xf32>
    %dot_general3A_14 = arith.constant dense<0.000000e+00> : vector<1x16xf32>
    %dot_general3A_15 = tpu.matmul %broadcast_in_dim3A_8, %convert_element_type3A_12, %dot_general3A_14 {dimension_numbers = #tpu.dot_dimension_numbers<[1], [0], [0], [1], [0, 0, 1, 1], [], []>, transpose_lhs_hint = false} : vector<1x256xf32>, vector<256x16xf32>, vector<1x16xf32> -> vector<1x16xf32>
    %eq3A_16 = arith.constant 0.000000e+00 : f32
    %eq3A_17 = vector.broadcast %eq3A_16 : f32 to vector<1x16xf32>
    %eq3A_18 = arith.cmpf oeq, %dot_general3A_15, %eq3A_17 : vector<1x16xf32>
    %convert_element_type3A_19 = arith.extui %eq3A_18 : vector<1x16xi1> to vector<1x16xi32>
    %convert_element_type3A_20 = arith.sitofp %convert_element_type3A_19 : vector<1x16xi32> to vector<1x16xf32>
    %add3A = arith.addf %dot_general3A_15, %convert_element_type3A_20 : vector<1x16xf32>
    %div3A = arith.divf %dot_general3A_13, %add3A : vector<1x16xf32>
    %get3A_21 = arith.constant 0 : index
    %get3A_22 = arith.constant 0 : index
    %get3A_23 = vector.load %arg2[%get3A_21, %get3A_22] : memref<1x16xf32, #tpu.memory_space<vmem>>, vector<1x16xf32>
    %mul3A = arith.constant 0.00999999977 : f32
    %mul3A_24 = vector.broadcast %mul3A : f32 to vector<1x16xf32>
    %mul3A_25 = arith.mulf %mul3A_24, %div3A : vector<1x16xf32>
    %exp3A = math.exp %mul3A_25 : vector<1x16xf32>
    %mul3A_26 = arith.mulf %get3A_23, %exp3A : vector<1x16xf32>
    %mul3A_27 = arith.mulf %div3A, %mul3A_26 : vector<1x16xf32>
    %reduce_sum3A_28 = arith.constant dense<0.000000e+00> : vector<1xf32>
    %reduce_sum3A_29 = vector.multi_reduction <add>, %mul3A_27, %reduce_sum3A_28 [1] : vector<1x16xf32> to vector<1xf32>
    %broadcast_in_dim3A_30 = vector.shape_cast %reduce_sum3A_29 : vector<1xf32> to vector<1x1xf32>
    %reduce_sum3A_31 = arith.constant dense<0.000000e+00> : vector<1xf32>
    %reduce_sum3A_32 = vector.multi_reduction <add>, %mul3A_26, %reduce_sum3A_31 [1] : vector<1x16xf32> to vector<1xf32>
    %broadcast_in_dim3A_33 = vector.shape_cast %reduce_sum3A_32 : vector<1xf32> to vector<1x1xf32>
    %div3A_34 = arith.divf %broadcast_in_dim3A_30, %broadcast_in_dim3A_33 : vector<1x1xf32>
    %swap3A = arith.constant 0 : index
    %swap3A_35 = arith.constant 0 : index
    %swap3A_36 = vector.load %arg3[%swap3A, %swap3A_35] : memref<1x1xf32, #tpu.memory_space<vmem>>, vector<1x1xf32>
    tpu.vector_store %arg3[%swap3A, %swap3A_35], %div3A_34 {strides = array<i32>} : memref<1x1xf32, #tpu.memory_space<vmem>>, vector<1x1xf32>,
    return
  }
}

</mosaic_0001>

<sc_bundles>
// kernel: kernel.4.cloned.1.call-start
scs
__scs_entry_jumppad:
0x0: {  	(pc) =	sbr.rel $0x88, $3  }
0x1: {  	(tag) =	ssettag $0x0;
	lr =	simm.s32 $0x1  }
0x2: {  	[smem:$0x3F9E] =	sst lr;
	_ =	strace $0xD0000000  }
0x3: {  	_ = 	snop  }
0x4: {  	_ = 	snop  }
0x5: {  	_ = 	snop  }
0x6: {  	_ = 	snop  }
0x7: {  	_ = 	snop  }
__scs_overlays_trampoline_lowered:
0x8: {  	[smem:$0x3FAD] =	sst s0  }
0x9: {  	[smem:$0x3FAE] =	sst s1  }
0xa: {  	[smem:$0x3FAF] =	sst s2  }
0xb: {  	[smem:$0x3FB0] =	sst s3  }
0xc: {  	[smem:$0x3FB1] =	sst s4  }
0xd: {  	[smem:$0x3FB2] =	sst s5  }
0xe: {  	[smem:$0x3FB3] =	sst s6  }
0xf: {  	[smem:$0x3FB4] =	sst s7  }
0x10: {  	[smem:$0x3FB5] =	sst s8  }
0x11: {  	[smem:$0x3FB6] =	sst s9;
	s0 =	simm.s32 @!p0 $0x0  }
0x12: {  	s1 =	sld [smem:$0x3F9C];
	s0 =	simm.s32 @p0 $0x1  }
0x13: {  	[smem:$0x3FB7] =	sst s0;
	s0 =	simm.s32 @!p1 $0x0  }
0x14: {  	s2 =	sld [smem:$0x3F9B];
	s0 =	simm.s32 @p1 $0x1  }
0x15: {  	[smem:$0x3FB8] =	sst s0;
	s0 =	simm.s32 @!p2 $0x0  }
0x16: {  	s3 =	sld [smem:$0x3FDB];
	s0 =	simm.s32 @p2 $0x1  }
0x17: {  	s4 =	simm.s32 $0x1BF5;
	[smem:$0x3FBA] =	sst s0  }
0x18: {  	s0 =	sld [smem:$0x3F9D];
	_ =	swait.ge [sflag:s4], $0x0  }
0x19: {  	s7 =	sld [smem:$0x3F9E]  }
0x1a: {  	s8 =	sadd.s32 $0xFFFFE003, lr  }
0x1b: {  	s9 =	sadd.s32 $0xFFFFFEF7, lr;
	s5 =	simm.s32 $0xFFFFFFFF;
	p2 =	slt.u32 s8, $0xFFFFF086  }
0x1c: {  	p1 =	slt.u32 s9, $0xF7A;
	s5 =	simm.s32 @!p2 $0x0  }
0x1d: {  	s5 =	simm.s32 @p1 $0x1;
	p0 =	seq.s32 s7, s2  }
0x1e: {  	s7 =	smul.u32 @!p0 $0xF7A, s2;
	p2 =	seq.s32 @!p0 s5, $0x0  }
0x1f: {  	s9 =	smul.u32 $0xF7A, s1;
	s8 =	simm.s32 @!p0 $0x1BF5;
	p2 =	por !p2, p0  }
0x20: {  	[sflag:s8] =	ssyncset.s32 @!p0 $0xFFFFF086;
	s6 =	sadd.s32 @!p0 s3, s7;
	s7 =	simm.s32 @!p0 $0x108  }
0x21: {  	s3 =	sadd.s32 s3, s9;
	s6 =	sadd.s32 @!p0 $0x88, s6;
	s7 =	simm.s32 @p2 $0x1082  }
0x22: {  	[simem:s7], [sflag:s8] =	dma.local @!p0 [hbm:s6], $0xF7A  }
0x23: {  	s9 =	sor.u32 $0xD0000000, s2;
	s6 =	simm.s32 $0x108;
	_ =	swait.ge @!p0 [sflag:s8], $0x0  }
0x24: {  	s3 =	sadd.s32 $0x88, s3;
	s6 =	simm.s32 @!p1 $0x1082;
	[sflag:s4] =	ssyncset.s32 $0xFFFFF086  }
0x25: {  	[simem:s6], [sflag:s4] =	dma.local [hbm:s3], $0xF7A  }
0x26: {  	[smem:$0x3F9E] =	sst s1;
	(tag) =	ssettag s2;
	_ =	strace s9  }
0x27: {  	s1 =	sld [smem:$0x3FAE]  }
0x28: {  	s2 =	sld [smem:$0x3FAF]  }
0x29: {  	s4 =	sld [smem:$0x3FB1]  }
0x2a: {  	p0 =	seq.s32 s5, $0x0;
	s5 =	sld [smem:$0x3FB2]  }
0x2b: {  	s6 =	sld [smem:$0x3FB3]  }
0x2c: {  	s7 =	sld [smem:$0x3FB4]  }
0x2d: {  	s3 =	simm.s32 $0x108;
	s8 =	sld [smem:$0x3FB5]  }
0x2e: {  	s3 =	simm.s32 @!p0 $0x1082;
	s9 =	sld [smem:$0x3FB6]  }
0x2f: {  	lr =	sadd.s32 s0, s3;
	s0 =	sld [smem:$0x3FAD]  }
0x30: {  	s3 =	sld [smem:$0x3FB0]  }
0x31: {  	[smem:$0x3FB9] =	sst s10  }
0x32: {  	s10 =	sld [smem:$0x3FB7];
	_ =	sdelay $0x3  }
0x33: {  	p0 =	seq.s32 s10, $0x1;
	s10 =	sld [smem:$0x3FB9];
	_ =	sdelay $0x3  }
0x34: {  	[smem:$0x3FB9] =	sst s10  }
0x35: {  	s10 =	sld [smem:$0x3FB8];
	_ =	sdelay $0x3  }
0x36: {  	p1 =	seq.s32 s10, $0x1;
	s10 =	sld [smem:$0x3FB9];
	_ =	sdelay $0x3  }
0x37: {  	[smem:$0x3FB9] =	sst s10  }
0x38: {  	s10 =	sld [smem:$0x3FBA]  }
0x39: {  	_ = 	snop;
	(pc) =	sbr.ind lr, $3  }
0x3a: {  	_ = 	snop  }
0x3b: {  	_ = 	snop  }
0x3c: {  	p2 =	seq.s32 s10, $0x1;
	s10 =	sld [smem:$0x3FB9]  }
0x3d: {  	_ =	shalt  }
0x3e: {  	_ =	shalt  }
0x3f: {  	_ =	shalt  }
0x40: {  	_ =	shalt  }
0x41: {  	_ =	shalt  }
0x42: {  	_ =	shalt  }
0x43: {  	_ =	shalt  }
0x44: {  	_ =	shalt  }
0x45: {  	_ =	shalt  }
0x46: {  	_ =	shalt  }
0x47: {  	_ =	shalt  }
0x48: {  	_ =	shalt  }
0x49: {  	_ =	shalt  }
0x4a: {  	_ =	shalt  }
0x4b: {  	_ =	shalt  }
0x4c: {  	_ =	shalt  }
0x4d: {  	_ =	shalt  }
0x4e: {  	_ =	shalt  }
0x4f: {  	_ =	shalt  }
0x50: {  	_ =	shalt  }
0x51: {  	_ =	shalt  }
0x52: {  	_ =	shalt  }
0x53: {  	_ =	shalt  }
0x54: {  	_ =	shalt  }
0x55: {  	_ =	shalt  }
0x56: {  	_ =	shalt  }
0x57: {  	_ =	shalt  }
0x58: {  	_ =	shalt  }
0x59: {  	_ =	shalt  }
0x5a: {  	_ =	shalt  }
0x5b: {  	_ =	shalt  }
0x5c: {  	_ =	shalt  }
0x5d: {  	_ =	shalt  }
0x5e: {  	_ =	shalt  }
0x5f: {  	_ =	shalt  }
0x60: {  	_ =	shalt  }
0x61: {  	_ =	shalt  }
0x62: {  	_ =	shalt  }
0x63: {  	_ =	shalt  }
0x64: {  	_ =	shalt  }
0x65: {  	_ =	shalt  }
0x66: {  	_ =	shalt  }
0x67: {  	_ =	shalt  }
0x68: {  	_ =	shalt  }
0x69: {  	_ =	shalt  }
0x6a: {  	_ =	shalt  }
0x6b: {  	_ =	shalt  }
0x6c: {  	_ =	shalt  }
0x6d: {  	_ =	shalt  }
0x6e: {  	_ =	shalt  }
0x6f: {  	_ =	shalt  }
0x70: {  	_ =	shalt  }
0x71: {  	_ =	shalt  }
0x72: {  	_ =	shalt  }
0x73: {  	_ =	shalt  }
0x74: {  	_ =	shalt  }
0x75: {  	_ =	shalt  }
0x76: {  	_ =	shalt  }
0x77: {  	_ =	shalt  }
0x78: {  	_ =	shalt  }
0x79: {  	_ =	shalt  }
0x7a: {  	_ =	shalt  }
0x7b: {  	_ =	shalt  }
0x7c: {  	_ =	shalt  }
0x7d: {  	_ =	shalt  }
0x7e: {  	_ =	shalt  }
0x7f: {  	_ =	shalt  }
0x80: {  	_ =	shalt  }
0x81: {  	_ =	shalt  }
0x82: {  	_ =	shalt  }
0x83: {  	_ =	shalt  }
0x84: {  	_ =	shalt  }
0x85: {  	_ =	shalt  }
0x86: {  	_ =	shalt  }
0x87: {  	_ =	shalt  }
.Lfunc_end0:
.L_simem_size_0:
called_computation_lowered:
.L_overlay_start_0:
0x88: {  	s2 =	sld [smem:$0x3FD9]  }
0x89: {  	s3 =	sld [smem:$0x3FFE];
	_ =	sdelay $0x1  }
0x8a: {  	s1 =	srdreg.scid  }
0x8b: {  	s0 =	sand.u32 $0x1, s1  }
0x8c: {  	s17 =	sshll.u32 s0, $0xA;
	s2 =	sadd.s32 s3, s2  }
0x8d: {  	s2 =	sadd.s32 s2, s17  }
0x8e: {  	[smem:$0x3FC5] =	sst s2  }
0x8f: {  	_ = 	snop  }
0x90: {  	s2 =	sld [smem:$0x3FC9]  }
0x91: {  	s18 =	sld [smem:$0x3FC8];
	(tm) =	ssettm $0x1  }
0x92: {  	s4 =	sld [smem:$0x3FFB];
	_ =	sdelay $0x3  }
0x93: {  	_ =	strace s4  }
0x94: {  	s4 =	sld [smem:$0x3FFC];
	_ =	sdelay $0x3  }
0x95: {  	_ =	strace s4  }
0x96: {  	s4 =	sld [smem:$0x3FFD];
	_ =	sdelay $0x3  }
0x97: {  	_ =	strace s4  }
0x98: {  	_ =	strace $0x8FFFFFFF  }
0x99: {  	s19 =	sld [smem:$0x3FDB];
	_ =	sdelay $0x1  }
0x9a: {  	s5 =	simm.s32 $_scs_section_size  }
0x9b: {  	s6 =	simm.s32 $_size__tile_overlayer_lowered;
	s7 =	simm.s32 $_tile_overlayer_lowered  }
0x9c: {  	s22 =	simm.s32 $0x1BFF;
	s21 =	sshll.u32 s7, $0x1;
	s4 =	sadd.s32 s5, s19  }
0x9d: {  	s8 =	simm.s32 $0x0;
	s20 =	sshll.u32 s6, $0x1;
	s6 =	sadd.s32 s21, s4  }
0x9e: {  	[timem:s8], [sflag:s22] =	dma.local [hbm:s6], s20  }
0x9f: {  	_ =	swait.ge [sflag:s22], s20  }
0xa0: {  	s5 =	ssub.s32 $0x0, s20;
	[sflag:s22] =	ssyncset.done $0x0  }
0xa1: {  	[sflag:s22] =	ssyncadd.s32 s5;
	_ =	sdelay $0x1  }
0xa2: {  	s23 =	simm.s32 $0x1B8B  }
0xa3: {  	_ =	swait.ge [sflag:s23], $0x1  }
0xa4: {  	[sflag:s23] =	ssyncset.done $0x0  }
0xa5: {  	s25 =	simm.s32 $0x1B8E;
	s24 =	sld [smem:$0x3FFE];
	[sflag:s23] =	ssyncadd.s32 $0xFFFFFFFF  }
0xa6: {  	s26 =	simm.s32 $execute0_lowered;
	[smem:$0x3FD2] =	sst s25  }
0xa7: {  	s6 =	sshll.u32 s26, $0x1;
	_ =	strace $0x80000046;
	[dreg:$0x1] =	wrdreg $0xFFFFFFFF  }
0xa8: {  	s28 =	simm.s32 $_size_execute0_lowered;
	s4 =	sadd.s32 s4, s6;
	[dreg:$0x0] =	wrdreg $0x0  }
0xa9: {  	s6 =	sshll.u32 s28, $0x1;
	[dreg:$0x2] =	wrdreg s4  }
0xaa: {  	[dreg:$0x3] =	wrdreg s6  }
0xab: {  	[dreg:$0x4] =	wrdreg $0xC0  }
0xac: {  	_ =	task [dreg:s8], $0x5FFFF  }
0xad: {  	[dreg:$0x1] =	wrdreg $0xFFFFFFFF  }
0xae: {  	[dreg:$0x0] =	wrdreg $0x60  }
0xaf: {  	[dreg:$0x2] =	wrdreg s2  }
0xb0: {  	[dreg:$0x3] =	wrdreg s18  }
0xb1: {  	[dreg:$0x4] =	wrdreg s24  }
0xb2: {  	[dreg:$0x5] =	wrdreg $0x9  }
0xb3: {  	_ =	task.clear_ibuf [dreg:s8], $0x6FFFF;
	_ =	strace $0x90000046  }
0xb4: {  	s29 =	simm.s32 $0x9;
	_ =	strace $0x80000048  }
0xb5: {  	_ =	swait.ge [sflag:s29], $0x1  }
0xb6: {  	[sflag:s29] =	ssyncadd.s32 $0xFFFFFFFF  }
0xb7: {  	_ =	strace $0x90000048  }
0xb8: {  	_ =	sfence  }
0xb9: {  	s30 =	sld [smem:$0x0];
	_ =	sdelay $0x2  }
0xba: {  	s31 =	sshll.u32 s1, $0xD;
	s1 =	sshrl.u32 s1, $0x2  }
0xbb: {  	s3 =	sand.u32 $0x4000, s31;
	s1 =	sadd.s32 s1, s30  }
0xbc: {  	s0 =	sor.u32 s3, s0;
	s1 =	sshll.u32 s1, $0x11  }
0xbd: {  	s0 =	sor.u32 s1, s0  }
0xbe: {  	s0 =	sadd.s32 $0x8F2B, s0  }
0xbf: {  	[sflag:s0] =	ssyncadd.remote.s32 $0x1  }
0xc0: {  	_ =	sfence.sel $0xFFFF  }
0xc1: {  	[dreg:$0x0] =	wrdreg $0xFFFFFFFF;
	(pc) =	sbr.abs _section_cstart, $3  }
0xc2: {  	[dreg:$0x1] =	wrdreg $0xFFFFFFFF  }
0xc3: {  	_ =	task.clear_ibuf [dreg:s8], $0x2FFFF;
	_ =	strace $0x9FFFFFFF  }
0xc4: {  	(tm) =	ssettm $0x7FFFFFFF  }
0xc5: {  	_ =	shalt  }
tec
execute0_lowered:
.L_overlay_start_1:
0x0: {  	(tag) =	ssettag $0x1  }
0x1: {  	s0 =	rddreg [dreg:$0x0]  }
0x2: {  	s1 =	rddreg [dreg:$0x1]  }
0x3: {  	s3 =	rddreg [dreg:$0x2]  }
0x4: {  	s2 =	simm.s32 $0x0;
	s4 =	srdreg.scid;
	s6 =	stileid.u32  }
0x5: {  	s24 =	simm.s32 $0x15FC0;
	s28 =	simm.s32 $0x18800;
	s29 =	simm.s32 $0x2  }
0x6: {  	s30 =	simm.s32 $0x3;
	s31 =	simm.s32 $0x4;
	s16 =	simm.s32 $0x400  }
0x7: {  	s17 =	simm.s32 $0x6;
	s18 =	simm.s32 $0x0;
	[smem:$0x7FF] =	sst s2  }
0x8: {  	s4 =	sand.u32 $0x1, s4;
	s5 =	sshll.u32 s6, $0x1;
	s6 =	sshll.u32 s6, $0x6  }
0x9: {  	_ =	strace $0x80000047;
	s5 =	sor.u32 s4, s5;
	s4 =	ssub.s32 $0x2, s4  }
0xa: {  	s7 =	sshll.u32 s5, $0x4;
	s5 =	smul.u32 $0xC350, s5;
	s25 =	sshrl.u32 s4, $0x1  }
0xb: {  	s6 =	sand.u32 $0x300, s6;
	s7 =	sand.u32 $0x70, s7;
	s15 =	ssub.s32 s4, s25  }
0xc: {  	s25 =	simm.s32 $0x1;
	s6 =	sor.u32 s6, s7;
	s9 =	sshrl.u32 s5, $0x3  }
0xd: {  	s15 =	smax.u32 s15, $0x1;
	s14 =	sadd.s32 s6, s3;
	s3 =	sadd.s32 s0, s9  }
0xe: {  	s4 =	sadd.s32 s1, s9;
	s26 =	sadd.s32 $0x4E2, s9;
	s8 =	sadd.s32 $0x9C4, s9  }
0xf: {  	s10 =	sadd.s32 $0xEA6, s9;
	s12 =	sadd.s32 $0x1388, s9;
	s5 =	sadd.s32 s0, s26  }
0x10: {  	s6 =	sadd.s32 s1, s26;
	s7 =	sadd.s32 s0, s8;
	s8 =	sadd.s32 s1, s8  }
0x11: {  	s9 =	sadd.s32 s0, s10;
	s10 =	sadd.s32 s1, s10;
	s11 =	sadd.s32 s0, s12  }
0x12: {  	s12 =	sadd.s32 s1, s12;
	s13 =	sadd.s32 $0xE00, s14;
	s14 =	sadd.s32 $0x1200, s14  }
0x13: {  	v0 =	vimm.f32 $0.0e+00;
	v1 =	vlaneseq.u32;
	v2 =	vimm.f32 $1.000000000e+00;
	s26 =	simm.s32 $0x18700;
	s0 =	simm.s32 $0x5;
	s1 =	simm.s32 $0x80  }
.LBB2_1:
0x14: {  	[tilespmem:s2], [sflag:$0x1] =	stream.linear.gather [hbm4b:s3+s2], $0x2710, $0x38;
	[tilespmem:$0x18900] =	vst v63  }
0x15: {  	s19 =	simm.s32 $0xC380  }
0x16: {  	[tilespmem:s19], [sflag:$0x1] =	stream.linear.gather [hbm4b:s4+s2], $0x2710, $0x38;
	[tilespmem:$0x18900] =	vst v63  }
0x17: {  	s21 =	simm.s32 $0x2710  }
0x18: {  	[tilespmem:s21], [sflag:$0x2] =	stream.linear.gather [hbm4b:s5+s2], $0x2710, $0x38;
	[tilespmem:$0x18900] =	vst v63  }
0x19: {  	s22 =	simm.s32 $0xEA90  }
0x1a: {  	[tilespmem:s22], [sflag:$0x2] =	stream.linear.gather [hbm4b:s6+s2], $0x2710, $0x38;
	[tilespmem:$0x18900] =	vst v63  }
0x1b: {  	s23 =	simm.s32 $0x4E20  }
0x1c: {  	[tilespmem:s23], [sflag:$0x3] =	stream.linear.gather [hbm4b:s7+s2], $0x2710, $0x38;
	[tilespmem:$0x18900] =	vst v63  }
0x1d: {  	s20 =	simm.s32 $0x111A0  }
0x1e: {  	[tilespmem:s20], [sflag:$0x3] =	stream.linear.gather [hbm4b:s8+s2], $0x2710, $0x38;
	[tilespmem:$0x18900] =	vst v63  }
0x1f: {  	s21 =	simm.s32 $0x7530  }
0x20: {  	[tilespmem:s21], [sflag:$0x4] =	stream.linear.gather [hbm4b:s9+s2], $0x2710, $0x38;
	[tilespmem:$0x18900] =	vst v63  }
0x21: {  	s22 =	simm.s32 $0x138B0  }
0x22: {  	[tilespmem:s22], [sflag:$0x4] =	stream.linear.gather [hbm4b:s10+s2], $0x2710, $0x38;
	[tilespmem:$0x18900] =	vst v63  }
0x23: {  	s23 =	simm.s32 $0x9C40  }
0x24: {  	[tilespmem:s23], [sflag:$0x5] =	stream.linear.gather [hbm4b:s11+s2], $0x2710, $0x38;
	[tilespmem:$0x18900] =	vst v63  }
0x25: {  	_ = 	snop  }
0x26: {  	[tilespmem:s24], [sflag:$0x5] =	stream.linear.gather [hbm4b:s12+s2], $0x2710, $0x38;
	[tilespmem:$0x18900] =	vst v63  }
0x27: {  	[tilespmem:$0x18700] =	vst v0  }
0x28: {  	[tilespmem:$0x18800] =	vst v0  }
0x29: {  	[tilespmem:$0x18710] =	vst v0  }
0x2a: {  	[tilespmem:$0x18810] =	vst v0  }
0x2b: {  	[tilespmem:$0x18720] =	vst v0  }
0x2c: {  	[tilespmem:$0x18820] =	vst v0  }
0x2d: {  	[tilespmem:$0x18730] =	vst v0  }
0x2e: {  	[tilespmem:$0x18830] =	vst v0  }
0x2f: {  	[tilespmem:$0x18740] =	vst v0  }
0x30: {  	[tilespmem:$0x18840] =	vst v0  }
0x31: {  	[tilespmem:$0x18750] =	vst v0  }
0x32: {  	[tilespmem:$0x18850] =	vst v0  }
0x33: {  	[tilespmem:$0x18760] =	vst v0  }
0x34: {  	[tilespmem:$0x18860] =	vst v0  }
0x35: {  	[tilespmem:$0x18770] =	vst v0  }
0x36: {  	[tilespmem:$0x18870] =	vst v0  }
0x37: {  	[tilespmem:$0x18780] =	vst v0  }
0x38: {  	[tilespmem:$0x18880] =	vst v0  }
0x39: {  	[tilespmem:$0x18790] =	vst v0  }
0x3a: {  	[tilespmem:$0x18890] =	vst v0  }
0x3b: {  	[tilespmem:$0x187A0] =	vst v0  }
0x3c: {  	[tilespmem:$0x188A0] =	vst v0  }
0x3d: {  	[tilespmem:$0x187B0] =	vst v0  }
0x3e: {  	[tilespmem:$0x188B0] =	vst v0  }
0x3f: {  	[tilespmem:$0x187C0] =	vst v0  }
0x40: {  	[tilespmem:$0x188C0] =	vst v0  }
0x41: {  	[tilespmem:$0x187D0] =	vst v0  }
0x42: {  	[tilespmem:$0x188D0] =	vst v0  }
0x43: {  	[tilespmem:$0x187E0] =	vst v0  }
0x44: {  	[tilespmem:$0x188E0] =	vst v0  }
0x45: {  	[tilespmem:$0x187F0] =	vst v0  }
0x46: {  	[tilespmem:$0x188F0] =	vst v0  }
0x47: {  	_ =	swait.ge [sflag:s25], $0x2710  }
0x48: {  	[sflag:s25] =	ssyncset.done $0x0  }
0x49: {  	[sflag:s25] =	ssyncadd.s32 $0xFFFFD8F0  }
0x4a: {  	_ =	swait.ge [sflag:s25], $0x2710  }
0x4b: {  	s19 =	simm.s32 $0xC0;
	[sflag:s25] =	ssyncset.done $0x0  }
0x4c: {  	s20 =	simm.s32 $0xC440;
	s21 =	simm.s32 $0x0;
	[sflag:s25] =	ssyncadd.s32 $0xFFFFD8F0  }
.LBB2_2:
0x4d: {  	v3 =	vld [tilespmem:s20+$0xFFFFFF40];
	_ =	sdelay $0x4  }
0x4e: {  	v3 =	vshll.u32 v3, $0x4  }
0x4f: {  	v4 =	vld [tilespmem:s19+$0xFFFFFF40];
	v3 =	vor.u32 v1, v3;
	_ =	sdelay $0x4  }
0x50: {  	[tilespmem:v3+s26+$0x0] =	vst.idx.add.f32.msk $0xffff, v4  }
0x51: {  	[tilespmem:v3+s28+$0x0] =	vst.idx.add.f32.msk $0xffff, v2  }
0x52: {  	v3 =	vld [tilespmem:s20+$0xFFFFFF50];
	_ =	sdelay $0x4  }
0x53: {  	v3 =	vshll.u32 v3, $0x4  }
0x54: {  	v4 =	vld [tilespmem:s19+$0xFFFFFF50];
	v3 =	vor.u32 v1, v3;
	_ =	sdelay $0x4  }
0x55: {  	[tilespmem:v3+s26+$0x0] =	vst.idx.add.f32.msk $0xffff, v4  }
0x56: {  	[tilespmem:v3+s28+$0x0] =	vst.idx.add.f32.msk $0xffff, v2  }
0x57: {  	v3 =	vld [tilespmem:s20+$0xFFFFFF60];
	_ =	sdelay $0x4  }
0x58: {  	v3 =	vshll.u32 v3, $0x4  }
0x59: {  	v4 =	vld [tilespmem:s19+$0xFFFFFF60];
	v3 =	vor.u32 v1, v3;
	_ =	sdelay $0x4  }
0x5a: {  	[tilespmem:v3+s26+$0x0] =	vst.idx.add.f32.msk $0xffff, v4  }
0x5b: {  	[tilespmem:v3+s28+$0x0] =	vst.idx.add.f32.msk $0xffff, v2  }
0x5c: {  	v3 =	vld [tilespmem:s20+$0xFFFFFF70];
	_ =	sdelay $0x4  }
0x5d: {  	v3 =	vshll.u32 v3, $0x4  }
0x5e: {  	v4 =	vld [tilespmem:s19+$0xFFFFFF70];
	v3 =	vor.u32 v1, v3;
	_ =	sdelay $0x4  }
0x5f: {  	[tilespmem:v3+s26+$0x0] =	vst.idx.add.f32.msk $0xffff, v4  }
0x60: {  	[tilespmem:v3+s28+$0x0] =	vst.idx.add.f32.msk $0xffff, v2  }
0x61: {  	v3 =	vld [tilespmem:s20+$0xFFFFFF80];
	_ =	sdelay $0x4  }
0x62: {  	v3 =	vshll.u32 v3, $0x4  }
0x63: {  	v4 =	vld [tilespmem:s19+$0xFFFFFF80];
	v3 =	vor.u32 v1, v3;
	_ =	sdelay $0x4  }
0x64: {  	[tilespmem:v3+s26+$0x0] =	vst.idx.add.f32.msk $0xffff, v4  }
0x65: {  	[tilespmem:v3+s28+$0x0] =	vst.idx.add.f32.msk $0xffff, v2  }
0x66: {  	v3 =	vld [tilespmem:s20+$0xFFFFFF90];
	_ =	sdelay $0x4  }
0x67: {  	v3 =	vshll.u32 v3, $0x4  }
0x68: {  	v4 =	vld [tilespmem:s19+$0xFFFFFF90];
	v3 =	vor.u32 v1, v3;
	_ =	sdelay $0x4  }
0x69: {  	[tilespmem:v3+s26+$0x0] =	vst.idx.add.f32.msk $0xffff, v4  }
0x6a: {  	[tilespmem:v3+s28+$0x0] =	vst.idx.add.f32.msk $0xffff, v2  }
0x6b: {  	v3 =	vld [tilespmem:s20+$0xFFFFFFA0];
	_ =	sdelay $0x4  }
0x6c: {  	v3 =	vshll.u32 v3, $0x4  }
0x6d: {  	v4 =	vld [tilespmem:s19+$0xFFFFFFA0];
	v3 =	vor.u32 v1, v3;
	_ =	sdelay $0x4  }
0x6e: {  	[tilespmem:v3+s26+$0x0] =	vst.idx.add.f32.msk $0xffff, v4  }
0x6f: {  	[tilespmem:v3+s28+$0x0] =	vst.idx.add.f32.msk $0xffff, v2  }
0x70: {  	v3 =	vld [tilespmem:s20+$0xFFFFFFB0];
	_ =	sdelay $0x4  }
0x71: {  	v3 =	vshll.u32 v3, $0x4  }
0x72: {  	v4 =	vld [tilespmem:s19+$0xFFFFFFB0];
	v3 =	vor.u32 v1, v3;
	_ =	sdelay $0x4  }
0x73: {  	[tilespmem:v3+s26+$0x0] =	vst.idx.add.f32.msk $0xffff, v4  }
0x74: {  	s22 =	sand.u32 $0x3FF0, s21;
	[tilespmem:v3+s28+$0x0] =	vst.idx.add.f32.msk $0xffff, v2  }
0x75: {  	v3 =	vld [tilespmem:s22+$0xC400];
	_ =	sdelay $0x4  }
0x76: {  	v3 =	vshll.u32 v3, $0x4  }
0x77: {  	v4 =	vld [tilespmem:s22+$0x80];
	v3 =	vor.u32 v1, v3;
	_ =	sdelay $0x4  }
0x78: {  	[tilespmem:v3+s26+$0x0] =	vst.idx.add.f32.msk $0xffff, v4  }
0x79: {  	[tilespmem:v3+s28+$0x0] =	vst.idx.add.f32.msk $0xffff, v2  }
0x7a: {  	v3 =	vld [tilespmem:s20+$0xFFFFFFD0];
	_ =	sdelay $0x4  }
0x7b: {  	v3 =	vshll.u32 v3, $0x4  }
0x7c: {  	v4 =	vld [tilespmem:s19+$0xFFFFFFD0];
	v3 =	vor.u32 v1, v3;
	_ =	sdelay $0x4  }
0x7d: {  	[tilespmem:v3+s26+$0x0] =	vst.idx.add.f32.msk $0xffff, v4  }
0x7e: {  	[tilespmem:v3+s28+$0x0] =	vst.idx.add.f32.msk $0xffff, v2  }
0x7f: {  	v3 =	vld [tilespmem:s20+$0xFFFFFFE0];
	_ =	sdelay $0x4  }
0x80: {  	v3 =	vshll.u32 v3, $0x4  }
0x81: {  	v4 =	vld [tilespmem:s19+$0xFFFFFFE0];
	v3 =	vor.u32 v1, v3;
	_ =	sdelay $0x4  }
0x82: {  	[tilespmem:v3+s26+$0x0] =	vst.idx.add.f32.msk $0xffff, v4  }
0x83: {  	[tilespmem:v3+s28+$0x0] =	vst.idx.add.f32.msk $0xffff, v2  }
0x84: {  	v3 =	vld [tilespmem:s20+$0xFFFFFFF0];
	_ =	sdelay $0x4  }
0x85: {  	v3 =	vshll.u32 v3, $0x4  }
0x86: {  	v4 =	vld [tilespmem:s19+$0xFFFFFFF0];
	v3 =	vor.u32 v1, v3;
	_ =	sdelay $0x4  }
0x87: {  	[tilespmem:v3+s26+$0x0] =	vst.idx.add.f32.msk $0xffff, v4  }
0x88: {  	[tilespmem:v3+s28+$0x0] =	vst.idx.add.f32.msk $0xffff, v2  }
0x89: {  	v3 =	vld [tilespmem:s20+$0x0];
	_ =	sdelay $0x4  }
0x8a: {  	v3 =	vshll.u32 v3, $0x4  }
0x8b: {  	v4 =	vld [tilespmem:s19+$0x0];
	v3 =	vor.u32 v1, v3;
	_ =	sdelay $0x4  }
0x8c: {  	[tilespmem:v3+s26+$0x0] =	vst.idx.add.f32.msk $0xffff, v4  }
0x8d: {  	[tilespmem:v3+s28+$0x0] =	vst.idx.add.f32.msk $0xffff, v2  }
0x8e: {  	v3 =	vld [tilespmem:s20+$0x10];
	_ =	sdelay $0x4  }
0x8f: {  	v3 =	vshll.u32 v3, $0x4  }
0x90: {  	v4 =	vld [tilespmem:s19+$0x10];
	v3 =	vor.u32 v1, v3;
	_ =	sdelay $0x4  }
0x91: {  	[tilespmem:v3+s26+$0x0] =	vst.idx.add.f32.msk $0xffff, v4  }
0x92: {  	[tilespmem:v3+s28+$0x0] =	vst.idx.add.f32.msk $0xffff, v2  }
0x93: {  	v3 =	vld [tilespmem:s20+$0x20];
	_ =	sdelay $0x4  }
0x94: {  	v3 =	vshll.u32 v3, $0x4  }
0x95: {  	v4 =	vld [tilespmem:s19+$0x20];
	v3 =	vor.u32 v1, v3;
	_ =	sdelay $0x4  }
0x96: {  	[tilespmem:v3+s26+$0x0] =	vst.idx.add.f32.msk $0xffff, v4  }
0x97: {  	[tilespmem:v3+s28+$0x0] =	vst.idx.add.f32.msk $0xffff, v2  }
0x98: {  	v3 =	vld [tilespmem:s20+$0x30];
	_ =	sdelay $0x4  }
0x99: {  	v3 =	vshll.u32 v3, $0x4  }
0x9a: {  	v4 =	vld [tilespmem:s19+$0x30];
	v3 =	vor.u32 v1, v3;
	_ =	sdelay $0x4  }
0x9b: {  	[tilespmem:v3+s26+$0x0] =	vst.idx.add.f32.msk $0xffff, v4  }
0x9c: {  	[tilespmem:v3+s28+$0x0] =	vst.idx.add.f32.msk $0xffff, v2  }
0x9d: {  	v3 =	vld [tilespmem:s22+$0xC480];
	_ =	sdelay $0x4  }
0x9e: {  	v3 =	vshll.u32 v3, $0x4  }
0x9f: {  	v4 =	vld [tilespmem:s22+$0x100];
	v3 =	vor.u32 v1, v3;
	_ =	sdelay $0x4  }
0xa0: {  	[tilespmem:v3+s26+$0x0] =	vst.idx.add.f32.msk $0xffff, v4  }
0xa1: {  	[tilespmem:v3+s28+$0x0] =	vst.idx.add.f32.msk $0xffff, v2  }
0xa2: {  	v3 =	vld [tilespmem:s20+$0x50];
	_ =	sdelay $0x4  }
0xa3: {  	v3 =	vshll.u32 v3, $0x4  }
0xa4: {  	v4 =	vld [tilespmem:s19+$0x50];
	v3 =	vor.u32 v1, v3;
	_ =	sdelay $0x4  }
0xa5: {  	[tilespmem:v3+s26+$0x0] =	vst.idx.add.f32.msk $0xffff, v4  }
0xa6: {  	[tilespmem:v3+s28+$0x0] =	vst.idx.add.f32.msk $0xffff, v2  }
0xa7: {  	v3 =	vld [tilespmem:s20+$0x60];
	_ =	sdelay $0x4  }
0xa8: {  	v3 =	vshll.u32 v3, $0x4  }
0xa9: {  	v4 =	vld [tilespmem:s19+$0x60];
	v3 =	vor.u32 v1, v3;
	_ =	sdelay $0x4  }
0xaa: {  	[tilespmem:v3+s26+$0x0] =	vst.idx.add.f32.msk $0xffff, v4  }
0xab: {  	[tilespmem:v3+s28+$0x0] =	vst.idx.add.f32.msk $0xffff, v2  }
0xac: {  	v3 =	vld [tilespmem:s20+$0x70];
	_ =	sdelay $0x4  }
0xad: {  	v3 =	vshll.u32 v3, $0x4  }
0xae: {  	v4 =	vld [tilespmem:s19+$0x70];
	v3 =	vor.u32 v1, v3;
	_ =	sdelay $0x4  }
0xaf: {  	[tilespmem:v3+s26+$0x0] =	vst.idx.add.f32.msk $0xffff, v4  }
0xb0: {  	[tilespmem:v3+s28+$0x0] =	vst.idx.add.f32.msk $0xffff, v2  }
0xb1: {  	v3 =	vld [tilespmem:s20+$0x80];
	_ =	sdelay $0x4  }
0xb2: {  	v3 =	vshll.u32 v3, $0x4  }
0xb3: {  	v4 =	vld [tilespmem:s19+$0x80];
	v3 =	vor.u32 v1, v3;
	_ =	sdelay $0x4  }
0xb4: {  	[tilespmem:v3+s26+$0x0] =	vst.idx.add.f32.msk $0xffff, v4  }
0xb5: {  	[tilespmem:v3+s28+$0x0] =	vst.idx.add.f32.msk $0xffff, v2  }
0xb6: {  	v3 =	vld [tilespmem:s20+$0x90];
	_ =	sdelay $0x4  }
0xb7: {  	v3 =	vshll.u32 v3, $0x4  }
0xb8: {  	v4 =	vld [tilespmem:s19+$0x90];
	v3 =	vor.u32 v1, v3;
	_ =	sdelay $0x4  }
0xb9: {  	[tilespmem:v3+s26+$0x0] =	vst.idx.add.f32.msk $0xffff, v4  }
0xba: {  	[tilespmem:v3+s28+$0x0] =	vst.idx.add.f32.msk $0xffff, v2  }
0xbb: {  	v3 =	vld [tilespmem:s20+$0xA0];
	_ =	sdelay $0x4  }
0xbc: {  	v3 =	vshll.u32 v3, $0x4  }
0xbd: {  	v4 =	vld [tilespmem:s19+$0xA0];
	v3 =	vor.u32 v1, v3;
	_ =	sdelay $0x4  }
0xbe: {  	[tilespmem:v3+s26+$0x0] =	vst.idx.add.f32.msk $0xffff, v4  }
0xbf: {  	[tilespmem:v3+s28+$0x0] =	vst.idx.add.f32.msk $0xffff, v2  }
0xc0: {  	v3 =	vld [tilespmem:s20+$0xB0];
	_ =	sdelay $0x4  }
0xc1: {  	v3 =	vshll.u32 v3, $0x4  }
0xc2: {  	v4 =	vld [tilespmem:s19+$0xB0];
	v3 =	vor.u32 v1, v3;
	_ =	sdelay $0x4  }
0xc3: {  	[tilespmem:v3+s26+$0x0] =	vst.idx.add.f32.msk $0xffff, v4  }
0xc4: {  	[tilespmem:v3+s28+$0x0] =	vst.idx.add.f32.msk $0xffff, v2  }
0xc5: {  	v3 =	vld [tilespmem:s22+$0xC500];
	_ =	sdelay $0x4  }
0xc6: {  	v3 =	vshll.u32 v3, $0x4  }
0xc7: {  	v4 =	vld [tilespmem:s22+$0x180];
	v3 =	vor.u32 v1, v3  }
0xc8: {  	p0 =	sne.s32 s21, $0x2580  }
.Ltmp0:
0xc9: {  	_ = 	snop;
	(pc) =	sbr.rel @p0 .LBB2_2-.Ltmp0, $3  }
0xca: {  	_ =	sdelay $0x1  }
0xcb: {  	[tilespmem:v3+s26+$0x0] =	vst.idx.add.f32.msk $0xffff, v4  }
0xcc: {  	s21 =	sadd.s32 $0x190, s21;
	s19 =	sadd.s32 $0x190, s19;
	s20 =	sadd.s32 $0x190, s20;
	[tilespmem:v3+s28+$0x0] =	vst.idx.add.f32.msk $0xffff, v2  }
0xcd: {  	_ =	swait.ge [sflag:s29], $0x2710  }
0xce: {  	[sflag:s29] =	ssyncset.done $0x0  }
0xcf: {  	[sflag:s29] =	ssyncadd.s32 $0xFFFFD8F0  }
0xd0: {  	_ =	swait.ge [sflag:s29], $0x2710  }
0xd1: {  	s19 =	simm.s32 $0x0;
	[sflag:s29] =	ssyncset.done $0x0  }
0xd2: {  	s20 =	simm.s32 $0x2890;
	s21 =	simm.s32 $0xEC10;
	[sflag:s29] =	ssyncadd.s32 $0xFFFFD8F0  }
.LBB2_4:
0xd3: {  	v3 =	vld [tilespmem:s21+$0xFFFFFE80];
	_ =	sdelay $0x4  }
0xd4: {  	v3 =	vshll.u32 v3, $0x4  }
0xd5: {  	v4 =	vld [tilespmem:s20+$0xFFFFFE80];
	v3 =	vor.u32 v1, v3;
	_ =	sdelay $0x4  }
0xd6: {  	[tilespmem:v3+s26+$0x0] =	vst.idx.add.f32.msk $0xffff, v4  }
0xd7: {  	[tilespmem:v3+s28+$0x0] =	vst.idx.add.f32.msk $0xffff, v2  }
0xd8: {  	v3 =	vld [tilespmem:s21+$0xFFFFFE90];
	_ =	sdelay $0x4  }
0xd9: {  	v3 =	vshll.u32 v3, $0x4  }
0xda: {  	v4 =	vld [tilespmem:s20+$0xFFFFFE90];
	v3 =	vor.u32 v1, v3;
	_ =	sdelay $0x4  }
0xdb: {  	[tilespmem:v3+s26+$0x0] =	vst.idx.add.f32.msk $0xffff, v4  }
0xdc: {  	[tilespmem:v3+s28+$0x0] =	vst.idx.add.f32.msk $0xffff, v2  }
0xdd: {  	v3 =	vld [tilespmem:s21+$0xFFFFFEA0];
	_ =	sdelay $0x4  }
0xde: {  	v3 =	vshll.u32 v3, $0x4  }
0xdf: {  	v4 =	vld [tilespmem:s20+$0xFFFFFEA0];
	v3 =	vor.u32 v1, v3;
	_ =	sdelay $0x4  }
0xe0: {  	[tilespmem:v3+s26+$0x0] =	vst.idx.add.f32.msk $0xffff, v4  }
0xe1: {  	[tilespmem:v3+s28+$0x0] =	vst.idx.add.f32.msk $0xffff, v2  }
0xe2: {  	v3 =	vld [tilespmem:s21+$0xFFFFFEB0];
	_ =	sdelay $0x4  }
0xe3: {  	v3 =	vshll.u32 v3, $0x4  }
0xe4: {  	v4 =	vld [tilespmem:s20+$0xFFFFFEB0];
	v3 =	vor.u32 v1, v3;
	_ =	sdelay $0x4  }
0xe5: {  	[tilespmem:v3+s26+$0x0] =	vst.idx.add.f32.msk $0xffff, v4  }
0xe6: {  	[tilespmem:v3+s28+$0x0] =	vst.idx.add.f32.msk $0xffff, v2  }
0xe7: {  	v3 =	vld [tilespmem:s21+$0xFFFFFEC0];
	_ =	sdelay $0x4  }
0xe8: {  	v3 =	vshll.u32 v3, $0x4  }
0xe9: {  	v4 =	vld [tilespmem:s20+$0xFFFFFEC0];
	v3 =	vor.u32 v1, v3;
	_ =	sdelay $0x4  }
0xea: {  	[tilespmem:v3+s26+$0x0] =	vst.idx.add.f32.msk $0xffff, v4  }
0xeb: {  	[tilespmem:v3+s28+$0x0] =	vst.idx.add.f32.msk $0xffff, v2  }
0xec: {  	v3 =	vld [tilespmem:s21+$0xFFFFFED0];
	_ =	sdelay $0x4  }
0xed: {  	v3 =	vshll.u32 v3, $0x4  }
0xee: {  	v4 =	vld [tilespmem:s20+$0xFFFFFED0];
	v3 =	vor.u32 v1, v3;
	_ =	sdelay $0x4  }
0xef: {  	[tilespmem:v3+s26+$0x0] =	vst.idx.add.f32.msk $0xffff, v4  }
0xf0: {  	[tilespmem:v3+s28+$0x0] =	vst.idx.add.f32.msk $0xffff, v2  }
0xf1: {  	v3 =	vld [tilespmem:s21+$0xFFFFFEE0];
	_ =	sdelay $0x4  }
0xf2: {  	v3 =	vshll.u32 v3, $0x4  }
0xf3: {  	v4 =	vld [tilespmem:s20+$0xFFFFFEE0];
	v3 =	vor.u32 v1, v3;
	_ =	sdelay $0x4  }
0xf4: {  	[tilespmem:v3+s26+$0x0] =	vst.idx.add.f32.msk $0xffff, v4  }
0xf5: {  	s22 =	sand.u32 $0x3FF0, s19;
	[tilespmem:v3+s28+$0x0] =	vst.idx.add.f32.msk $0xffff, v2  }
0xf6: {  	v3 =	vld [tilespmem:s22+$0xEB00];
	_ =	sdelay $0x4  }
0xf7: {  	v3 =	vshll.u32 v3, $0x4  }
0xf8: {  	v4 =	vld [tilespmem:s22+$0x2780];
	v3 =	vor.u32 v1, v3;
	_ =	sdelay $0x4  }
0xf9: {  	[tilespmem:v3+s26+$0x0] =	vst.idx.add.f32.msk $0xffff, v4  }
0xfa: {  	[tilespmem:v3+s28+$0x0] =	vst.idx.add.f32.msk $0xffff, v2  }
0xfb: {  	v3 =	vld [tilespmem:s21+$0xFFFFFF00];
	_ =	sdelay $0x4  }
0xfc: {  	v3 =	vshll.u32 v3, $0x4  }
0xfd: {  	v4 =	vld [tilespmem:s20+$0xFFFFFF00];
	v3 =	vor.u32 v1, v3;
	_ =	sdelay $0x4  }
0xfe: {  	[tilespmem:v3+s26+$0x0] =	vst.idx.add.f32.msk $0xffff, v4  }
0xff: {  	[tilespmem:v3+s28+$0x0] =	vst.idx.add.f32.msk $0xffff, v2  }
0x100: {  	v3 =	vld [tilespmem:s21+$0xFFFFFF10];
	_ =	sdelay $0x4  }
0x101: {  	v3 =	vshll.u32 v3, $0x4  }
0x102: {  	v4 =	vld [tilespmem:s20+$0xFFFFFF10];
	v3 =	vor.u32 v1, v3;
	_ =	sdelay $0x4  }
0x103: {  	[tilespmem:v3+s26+$0x0] =	vst.idx.add.f32.msk $0xffff, v4  }
0x104: {  	[tilespmem:v3+s28+$0x0] =	vst.idx.add.f32.msk $0xffff, v2  }
0x105: {  	v3 =	vld [tilespmem:s21+$0xFFFFFF20];
	_ =	sdelay $0x4  }
0x106: {  	v3 =	vshll.u32 v3, $0x4  }
0x107: {  	v4 =	vld [tilespmem:s20+$0xFFFFFF20];
	v3 =	vor.u32 v1, v3;
	_ =	sdelay $0x4  }
0x108: {  	[tilespmem:v3+s26+$0x0] =	vst.idx.add.f32.msk $0xffff, v4  }
0x109: {  	[tilespmem:v3+s28+$0x0] =	vst.idx.add.f32.msk $0xffff, v2  }
0x10a: {  	v3 =	vld [tilespmem:s21+$0xFFFFFF30];
	_ =	sdelay $0x4  }
0x10b: {  	v3 =	vshll.u32 v3, $0x4  }
0x10c: {  	v4 =	vld [tilespmem:s20+$0xFFFFFF30];
	v3 =	vor.u32 v1, v3;
	_ =	sdelay $0x4  }
0x10d: {  	[tilespmem:v3+s26+$0x0] =	vst.idx.add.f32.msk $0xffff, v4  }
0x10e: {  	[tilespmem:v3+s28+$0x0] =	vst.idx.add.f32.msk $0xffff, v2  }
0x10f: {  	v3 =	vld [tilespmem:s21+$0xFFFFFF40];
	_ =	sdelay $0x4  }
0x110: {  	v3 =	vshll.u32 v3, $0x4  }
0x111: {  	v4 =	vld [tilespmem:s20+$0xFFFFFF40];
	v3 =	vor.u32 v1, v3;
	_ =	sdelay $0x4  }
0x112: {  	[tilespmem:v3+s26+$0x0] =	vst.idx.add.f32.msk $0xffff, v4  }
0x113: {  	[tilespmem:v3+s28+$0x0] =	vst.idx.add.f32.msk $0xffff, v2  }
0x114: {  	v3 =	vld [tilespmem:s21+$0xFFFFFF50];
	_ =	sdelay $0x4  }
0x115: {  	v3 =	vshll.u32 v3, $0x4  }
0x116: {  	v4 =	vld [tilespmem:s20+$0xFFFFFF50];
	v3 =	vor.u32 v1, v3;
	_ =	sdelay $0x4  }
0x117: {  	[tilespmem:v3+s26+$0x0] =	vst.idx.add.f32.msk $0xffff, v4  }
0x118: {  	[tilespmem:v3+s28+$0x0] =	vst.idx.add.f32.msk $0xffff, v2  }
0x119: {  	v3 =	vld [tilespmem:s21+$0xFFFFFF60];
	_ =	sdelay $0x4  }
0x11a: {  	v3 =	vshll.u32 v3, $0x4  }
0x11b: {  	v4 =	vld [tilespmem:s20+$0xFFFFFF60];
	v3 =	vor.u32 v1, v3;
	_ =	sdelay $0x4  }
0x11c: {  	[tilespmem:v3+s26+$0x0] =	vst.idx.add.f32.msk $0xffff, v4  }
0x11d: {  	[tilespmem:v3+s28+$0x0] =	vst.idx.add.f32.msk $0xffff, v2  }
0x11e: {  	v3 =	vld [tilespmem:s22+$0xEB80];
	_ =	sdelay $0x4  }
0x11f: {  	v3 =	vshll.u32 v3, $0x4  }
0x120: {  	v4 =	vld [tilespmem:s22+$0x2800];
	v3 =	vor.u32 v1, v3;
	_ =	sdelay $0x4  }
0x121: {  	[tilespmem:v3+s26+$0x0] =	vst.idx.add.f32.msk $0xffff, v4  }
0x122: {  	[tilespmem:v3+s28+$0x0] =	vst.idx.add.f32.msk $0xffff, v2  }
0x123: {  	v3 =	vld [tilespmem:s21+$0xFFFFFF80];
	_ =	sdelay $0x4  }
0x124: {  	v3 =	vshll.u32 v3, $0x4  }
0x125: {  	v4 =	vld [tilespmem:s20+$0xFFFFFF80];
	v3 =	vor.u32 v1, v3;
	_ =	sdelay $0x4  }
0x126: {  	[tilespmem:v3+s26+$0x0] =	vst.idx.add.f32.msk $0xffff, v4  }
0x127: {  	[tilespmem:v3+s28+$0x0] =	vst.idx.add.f32.msk $0xffff, v2  }
0x128: {  	v3 =	vld [tilespmem:s21+$0xFFFFFF90];
	_ =	sdelay $0x4  }
0x129: {  	v3 =	vshll.u32 v3, $0x4  }
0x12a: {  	v4 =	vld [tilespmem:s20+$0xFFFFFF90];
	v3 =	vor.u32 v1, v3;
	_ =	sdelay $0x4  }
0x12b: {  	[tilespmem:v3+s26+$0x0] =	vst.idx.add.f32.msk $0xffff, v4  }
0x12c: {  	[tilespmem:v3+s28+$0x0] =	vst.idx.add.f32.msk $0xffff, v2  }
0x12d: {  	v3 =	vld [tilespmem:s21+$0xFFFFFFA0];
	_ =	sdelay $0x4  }
0x12e: {  	v3 =	vshll.u32 v3, $0x4  }
0x12f: {  	v4 =	vld [tilespmem:s20+$0xFFFFFFA0];
	v3 =	vor.u32 v1, v3;
	_ =	sdelay $0x4  }
0x130: {  	[tilespmem:v3+s26+$0x0] =	vst.idx.add.f32.msk $0xffff, v4  }
0x131: {  	[tilespmem:v3+s28+$0x0] =	vst.idx.add.f32.msk $0xffff, v2  }
0x132: {  	v3 =	vld [tilespmem:s21+$0xFFFFFFB0];
	_ =	sdelay $0x4  }
0x133: {  	v3 =	vshll.u32 v3, $0x4  }
0x134: {  	v4 =	vld [tilespmem:s20+$0xFFFFFFB0];
	v3 =	vor.u32 v1, v3;
	_ =	sdelay $0x4  }
0x135: {  	[tilespmem:v3+s26+$0x0] =	vst.idx.add.f32.msk $0xffff, v4  }
0x136: {  	[tilespmem:v3+s28+$0x0] =	vst.idx.add.f32.msk $0xffff, v2  }
0x137: {  	v3 =	vld [tilespmem:s21+$0xFFFFFFC0];
	_ =	sdelay $0x4  }
0x138: {  	v3 =	vshll.u32 v3, $0x4  }
0x139: {  	v4 =	vld [tilespmem:s20+$0xFFFFFFC0];
	v3 =	vor.u32 v1, v3;
	_ =	sdelay $0x4  }
0x13a: {  	[tilespmem:v3+s26+$0x0] =	vst.idx.add.f32.msk $0xffff, v4  }
0x13b: {  	[tilespmem:v3+s28+$0x0] =	vst.idx.add.f32.msk $0xffff, v2  }
0x13c: {  	v3 =	vld [tilespmem:s21+$0xFFFFFFD0];
	_ =	sdelay $0x4  }
0x13d: {  	v3 =	vshll.u32 v3, $0x4  }
0x13e: {  	v4 =	vld [tilespmem:s20+$0xFFFFFFD0];
	v3 =	vor.u32 v1, v3;
	_ =	sdelay $0x4  }
0x13f: {  	[tilespmem:v3+s26+$0x0] =	vst.idx.add.f32.msk $0xffff, v4  }
0x140: {  	[tilespmem:v3+s28+$0x0] =	vst.idx.add.f32.msk $0xffff, v2  }
0x141: {  	v3 =	vld [tilespmem:s21+$0xFFFFFFE0];
	_ =	sdelay $0x4  }
0x142: {  	v3 =	vshll.u32 v3, $0x4  }
0x143: {  	v4 =	vld [tilespmem:s20+$0xFFFFFFE0];
	v3 =	vor.u32 v1, v3;
	_ =	sdelay $0x4  }
0x144: {  	[tilespmem:v3+s26+$0x0] =	vst.idx.add.f32.msk $0xffff, v4  }
0x145: {  	[tilespmem:v3+s28+$0x0] =	vst.idx.add.f32.msk $0xffff, v2  }
0x146: {  	v3 =	vld [tilespmem:s22+$0xEC00];
	_ =	sdelay $0x4  }
0x147: {  	v3 =	vshll.u32 v3, $0x4  }
0x148: {  	v4 =	vld [tilespmem:s22+$0x2880];
	v3 =	vor.u32 v1, v3;
	_ =	sdelay $0x4  }
0x149: {  	[tilespmem:v3+s26+$0x0] =	vst.idx.add.f32.msk $0xffff, v4  }
0x14a: {  	[tilespmem:v3+s28+$0x0] =	vst.idx.add.f32.msk $0xffff, v2  }
0x14b: {  	v3 =	vld [tilespmem:s21+$0x0];
	_ =	sdelay $0x4  }
0x14c: {  	v3 =	vshll.u32 v3, $0x4  }
0x14d: {  	v4 =	vld [tilespmem:s20+$0x0];
	v3 =	vor.u32 v1, v3  }
0x14e: {  	p0 =	sne.s32 s19, $0x2580  }
.Ltmp1:
0x14f: {  	_ = 	snop;
	(pc) =	sbr.rel @p0 .LBB2_4-.Ltmp1, $3  }
0x150: {  	_ =	sdelay $0x1  }
0x151: {  	[tilespmem:v3+s26+$0x0] =	vst.idx.add.f32.msk $0xffff, v4  }
0x152: {  	s19 =	sadd.s32 $0x190, s19;
	s20 =	sadd.s32 $0x190, s20;
	s21 =	sadd.s32 $0x190, s21;
	[tilespmem:v3+s28+$0x0] =	vst.idx.add.f32.msk $0xffff, v2  }
0x153: {  	_ =	swait.ge [sflag:s30], $0x2710  }
0x154: {  	[sflag:s30] =	ssyncset.done $0x0  }
0x155: {  	[sflag:s30] =	ssyncadd.s32 $0xFFFFD8F0  }
0x156: {  	_ =	swait.ge [sflag:s30], $0x2710  }
0x157: {  	[sflag:s30] =	ssyncset.done $0x0  }
0x158: {  	s19 =	simm.s32 $0x0;
	s20 =	simm.s32 $0x0;
	[sflag:s30] =	ssyncadd.s32 $0xFFFFD8F0  }
.LBB2_6:
0x159: {  	s21 =	sshra.s32 s20, $0x2  }
0x15a: {  	v3 =	vld [tilespmem:s21+$0x111A0];
	_ =	sdelay $0x4  }
0x15b: {  	v3 =	vshll.u32 v3, $0x4  }
0x15c: {  	v4 =	vld [tilespmem:s21+$0x4E20];
	v3 =	vor.u32 v1, v3;
	_ =	sdelay $0x4  }
0x15d: {  	[tilespmem:v3+s26+$0x0] =	vst.idx.add.f32.msk $0xffff, v4  }
0x15e: {  	[tilespmem:v3+s28+$0x0] =	vst.idx.add.f32.msk $0xffff, v2  }
0x15f: {  	v3 =	vld [tilespmem:s21+$0x111B0];
	_ =	sdelay $0x4  }
0x160: {  	v3 =	vshll.u32 v3, $0x4  }
0x161: {  	v4 =	vld [tilespmem:s21+$0x4E30];
	v3 =	vor.u32 v1, v3;
	_ =	sdelay $0x4  }
0x162: {  	[tilespmem:v3+s26+$0x0] =	vst.idx.add.f32.msk $0xffff, v4  }
0x163: {  	[tilespmem:v3+s28+$0x0] =	vst.idx.add.f32.msk $0xffff, v2  }
0x164: {  	v3 =	vld [tilespmem:s21+$0x111C0];
	_ =	sdelay $0x4  }
0x165: {  	v3 =	vshll.u32 v3, $0x4  }
0x166: {  	v4 =	vld [tilespmem:s21+$0x4E40];
	v3 =	vor.u32 v1, v3;
	_ =	sdelay $0x4  }
0x167: {  	[tilespmem:v3+s26+$0x0] =	vst.idx.add.f32.msk $0xffff, v4  }
0x168: {  	[tilespmem:v3+s28+$0x0] =	vst.idx.add.f32.msk $0xffff, v2  }
0x169: {  	v3 =	vld [tilespmem:s21+$0x111D0];
	_ =	sdelay $0x4  }
0x16a: {  	v3 =	vshll.u32 v3, $0x4  }
0x16b: {  	v4 =	vld [tilespmem:s21+$0x4E50];
	v3 =	vor.u32 v1, v3;
	_ =	sdelay $0x4  }
0x16c: {  	[tilespmem:v3+s26+$0x0] =	vst.idx.add.f32.msk $0xffff, v4  }
0x16d: {  	[tilespmem:v3+s28+$0x0] =	vst.idx.add.f32.msk $0xffff, v2  }
0x16e: {  	v3 =	vld [tilespmem:s21+$0x111E0];
	_ =	sdelay $0x4  }
0x16f: {  	v3 =	vshll.u32 v3, $0x4  }
0x170: {  	v4 =	vld [tilespmem:s21+$0x4E60];
	v3 =	vor.u32 v1, v3;
	_ =	sdelay $0x4  }
0x171: {  	[tilespmem:v3+s26+$0x0] =	vst.idx.add.f32.msk $0xffff, v4  }
0x172: {  	[tilespmem:v3+s28+$0x0] =	vst.idx.add.f32.msk $0xffff, v2  }
0x173: {  	v3 =	vld [tilespmem:s21+$0x111F0];
	_ =	sdelay $0x4  }
0x174: {  	v3 =	vshll.u32 v3, $0x4  }
0x175: {  	v4 =	vld [tilespmem:s21+$0x4E70];
	v3 =	vor.u32 v1, v3;
	_ =	sdelay $0x4  }
0x176: {  	s22 =	sand.u32 $0x3FF0, s19;
	[tilespmem:v3+s26+$0x0] =	vst.idx.add.f32.msk $0xffff, v4  }
0x177: {  	s23 =	sadd.s32 $0x4E80, s22;
	[tilespmem:v3+s28+$0x0] =	vst.idx.add.f32.msk $0xffff, v2  }
0x178: {  	v3 =	vld [tilespmem:s23+$0xC380];
	_ =	sdelay $0x4  }
0x179: {  	v3 =	vshll.u32 v3, $0x4  }
0x17a: {  	v4 =	vld [tilespmem:s22+$0x4E80];
	v3 =	vor.u32 v1, v3;
	_ =	sdelay $0x4  }
0x17b: {  	[tilespmem:v3+s26+$0x0] =	vst.idx.add.f32.msk $0xffff, v4  }
0x17c: {  	[tilespmem:v3+s28+$0x0] =	vst.idx.add.f32.msk $0xffff, v2  }
0x17d: {  	v3 =	vld [tilespmem:s21+$0x11210];
	_ =	sdelay $0x4  }
0x17e: {  	v3 =	vshll.u32 v3, $0x4  }
0x17f: {  	v4 =	vld [tilespmem:s21+$0x4E90];
	v3 =	vor.u32 v1, v3;
	_ =	sdelay $0x4  }
0x180: {  	[tilespmem:v3+s26+$0x0] =	vst.idx.add.f32.msk $0xffff, v4  }
0x181: {  	[tilespmem:v3+s28+$0x0] =	vst.idx.add.f32.msk $0xffff, v2  }
0x182: {  	v3 =	vld [tilespmem:s21+$0x11220];
	_ =	sdelay $0x4  }
0x183: {  	v3 =	vshll.u32 v3, $0x4  }
0x184: {  	v4 =	vld [tilespmem:s21+$0x4EA0];
	v3 =	vor.u32 v1, v3;
	_ =	sdelay $0x4  }
0x185: {  	[tilespmem:v3+s26+$0x0] =	vst.idx.add.f32.msk $0xffff, v4  }
0x186: {  	[tilespmem:v3+s28+$0x0] =	vst.idx.add.f32.msk $0xffff, v2  }
0x187: {  	v3 =	vld [tilespmem:s21+$0x11230];
	_ =	sdelay $0x4  }
0x188: {  	v3 =	vshll.u32 v3, $0x4  }
0x189: {  	v4 =	vld [tilespmem:s21+$0x4EB0];
	v3 =	vor.u32 v1, v3;
	_ =	sdelay $0x4  }
0x18a: {  	[tilespmem:v3+s26+$0x0] =	vst.idx.add.f32.msk $0xffff, v4  }
0x18b: {  	[tilespmem:v3+s28+$0x0] =	vst.idx.add.f32.msk $0xffff, v2  }
0x18c: {  	v3 =	vld [tilespmem:s21+$0x11240];
	_ =	sdelay $0x4  }
0x18d: {  	v3 =	vshll.u32 v3, $0x4  }
0x18e: {  	v4 =	vld [tilespmem:s21+$0x4EC0];
	v3 =	vor.u32 v1, v3;
	_ =	sdelay $0x4  }
0x18f: {  	[tilespmem:v3+s26+$0x0] =	vst.idx.add.f32.msk $0xffff, v4  }
0x190: {  	[tilespmem:v3+s28+$0x0] =	vst.idx.add.f32.msk $0xffff, v2  }
0x191: {  	v3 =	vld [tilespmem:s21+$0x11250];
	_ =	sdelay $0x4  }
0x192: {  	v3 =	vshll.u32 v3, $0x4  }
0x193: {  	v4 =	vld [tilespmem:s21+$0x4ED0];
	v3 =	vor.u32 v1, v3;
	_ =	sdelay $0x4  }
0x194: {  	[tilespmem:v3+s26+$0x0] =	vst.idx.add.f32.msk $0xffff, v4  }
0x195: {  	[tilespmem:v3+s28+$0x0] =	vst.idx.add.f32.msk $0xffff, v2  }
0x196: {  	v3 =	vld [tilespmem:s21+$0x11260];
	_ =	sdelay $0x4  }
0x197: {  	v3 =	vshll.u32 v3, $0x4  }
0x198: {  	v4 =	vld [tilespmem:s21+$0x4EE0];
	v3 =	vor.u32 v1, v3;
	_ =	sdelay $0x4  }
0x199: {  	[tilespmem:v3+s26+$0x0] =	vst.idx.add.f32.msk $0xffff, v4  }
0x19a: {  	[tilespmem:v3+s28+$0x0] =	vst.idx.add.f32.msk $0xffff, v2  }
0x19b: {  	v3 =	vld [tilespmem:s21+$0x11270];
	_ =	sdelay $0x4  }
0x19c: {  	v3 =	vshll.u32 v3, $0x4  }
0x19d: {  	v4 =	vld [tilespmem:s21+$0x4EF0];
	v3 =	vor.u32 v1, v3;
	_ =	sdelay $0x4  }
0x19e: {  	[tilespmem:v3+s26+$0x0] =	vst.idx.add.f32.msk $0xffff, v4  }
0x19f: {  	s23 =	sadd.s32 $0x4F00, s22;
	[tilespmem:v3+s28+$0x0] =	vst.idx.add.f32.msk $0xffff, v2  }
0x1a0: {  	v3 =	vld [tilespmem:s23+$0xC380];
	_ =	sdelay $0x4  }
0x1a1: {  	v3 =	vshll.u32 v3, $0x4  }
0x1a2: {  	v4 =	vld [tilespmem:s22+$0x4F00];
	v3 =	vor.u32 v1, v3;
	_ =	sdelay $0x4  }
0x1a3: {  	[tilespmem:v3+s26+$0x0] =	vst.idx.add.f32.msk $0xffff, v4  }
0x1a4: {  	[tilespmem:v3+s28+$0x0] =	vst.idx.add.f32.msk $0xffff, v2  }
0x1a5: {  	v3 =	vld [tilespmem:s21+$0x11290];
	_ =	sdelay $0x4  }
0x1a6: {  	v3 =	vshll.u32 v3, $0x4  }
0x1a7: {  	v4 =	vld [tilespmem:s21+$0x4F10];
	v3 =	vor.u32 v1, v3;
	_ =	sdelay $0x4  }
0x1a8: {  	[tilespmem:v3+s26+$0x0] =	vst.idx.add.f32.msk $0xffff, v4  }
0x1a9: {  	[tilespmem:v3+s28+$0x0] =	vst.idx.add.f32.msk $0xffff, v2  }
0x1aa: {  	v3 =	vld [tilespmem:s21+$0x112A0];
	_ =	sdelay $0x4  }
0x1ab: {  	v3 =	vshll.u32 v3, $0x4  }
0x1ac: {  	v4 =	vld [tilespmem:s21+$0x4F20];
	v3 =	vor.u32 v1, v3;
	_ =	sdelay $0x4  }
0x1ad: {  	[tilespmem:v3+s26+$0x0] =	vst.idx.add.f32.msk $0xffff, v4  }
0x1ae: {  	[tilespmem:v3+s28+$0x0] =	vst.idx.add.f32.msk $0xffff, v2  }
0x1af: {  	v3 =	vld [tilespmem:s21+$0x112B0];
	_ =	sdelay $0x4  }
0x1b0: {  	v3 =	vshll.u32 v3, $0x4  }
0x1b1: {  	v4 =	vld [tilespmem:s21+$0x4F30];
	v3 =	vor.u32 v1, v3;
	_ =	sdelay $0x4  }
0x1b2: {  	[tilespmem:v3+s26+$0x0] =	vst.idx.add.f32.msk $0xffff, v4  }
0x1b3: {  	[tilespmem:v3+s28+$0x0] =	vst.idx.add.f32.msk $0xffff, v2  }
0x1b4: {  	v3 =	vld [tilespmem:s21+$0x112C0];
	_ =	sdelay $0x4  }
0x1b5: {  	v3 =	vshll.u32 v3, $0x4  }
0x1b6: {  	v4 =	vld [tilespmem:s21+$0x4F40];
	v3 =	vor.u32 v1, v3;
	_ =	sdelay $0x4  }
0x1b7: {  	[tilespmem:v3+s26+$0x0] =	vst.idx.add.f32.msk $0xffff, v4  }
0x1b8: {  	[tilespmem:v3+s28+$0x0] =	vst.idx.add.f32.msk $0xffff, v2  }
0x1b9: {  	v3 =	vld [tilespmem:s21+$0x112D0];
	_ =	sdelay $0x4  }
0x1ba: {  	v3 =	vshll.u32 v3, $0x4  }
0x1bb: {  	v4 =	vld [tilespmem:s21+$0x4F50];
	v3 =	vor.u32 v1, v3;
	_ =	sdelay $0x4  }
0x1bc: {  	[tilespmem:v3+s26+$0x0] =	vst.idx.add.f32.msk $0xffff, v4  }
0x1bd: {  	[tilespmem:v3+s28+$0x0] =	vst.idx.add.f32.msk $0xffff, v2  }
0x1be: {  	v3 =	vld [tilespmem:s21+$0x112E0];
	_ =	sdelay $0x4  }
0x1bf: {  	v3 =	vshll.u32 v3, $0x4  }
0x1c0: {  	v4 =	vld [tilespmem:s21+$0x4F60];
	v3 =	vor.u32 v1, v3;
	_ =	sdelay $0x4  }
0x1c1: {  	[tilespmem:v3+s26+$0x0] =	vst.idx.add.f32.msk $0xffff, v4  }
0x1c2: {  	[tilespmem:v3+s28+$0x0] =	vst.idx.add.f32.msk $0xffff, v2  }
0x1c3: {  	v3 =	vld [tilespmem:s21+$0x112F0];
	_ =	sdelay $0x4  }
0x1c4: {  	v3 =	vshll.u32 v3, $0x4  }
0x1c5: {  	v4 =	vld [tilespmem:s21+$0x4F70];
	v3 =	vor.u32 v1, v3;
	_ =	sdelay $0x4  }
0x1c6: {  	[tilespmem:v3+s26+$0x0] =	vst.idx.add.f32.msk $0xffff, v4  }
0x1c7: {  	s23 =	sadd.s32 $0x4F80, s22;
	[tilespmem:v3+s28+$0x0] =	vst.idx.add.f32.msk $0xffff, v2  }
0x1c8: {  	v3 =	vld [tilespmem:s23+$0xC380];
	_ =	sdelay $0x4  }
0x1c9: {  	v3 =	vshll.u32 v3, $0x4  }
0x1ca: {  	v4 =	vld [tilespmem:s22+$0x4F80];
	v3 =	vor.u32 v1, v3;
	_ =	sdelay $0x4  }
0x1cb: {  	[tilespmem:v3+s26+$0x0] =	vst.idx.add.f32.msk $0xffff, v4  }
0x1cc: {  	[tilespmem:v3+s28+$0x0] =	vst.idx.add.f32.msk $0xffff, v2  }
0x1cd: {  	v3 =	vld [tilespmem:s21+$0x11310];
	_ =	sdelay $0x4  }
0x1ce: {  	v3 =	vshll.u32 v3, $0x4  }
0x1cf: {  	v4 =	vld [tilespmem:s21+$0x4F90];
	v3 =	vor.u32 v1, v3;
	_ =	sdelay $0x4  }
0x1d0: {  	[tilespmem:v3+s26+$0x0] =	vst.idx.add.f32.msk $0xffff, v4  }
0x1d1: {  	[tilespmem:v3+s28+$0x0] =	vst.idx.add.f32.msk $0xffff, v2  }
0x1d2: {  	v3 =	vld [tilespmem:s21+$0x11320];
	_ =	sdelay $0x4  }
0x1d3: {  	v3 =	vshll.u32 v3, $0x4  }
0x1d4: {  	v4 =	vld [tilespmem:s21+$0x4FA0];
	v3 =	vor.u32 v1, v3  }
0x1d5: {  	p0 =	sne.s32 s20, $0x9600  }
.Ltmp2:
0x1d6: {  	_ = 	snop;
	(pc) =	sbr.rel @p0 .LBB2_6-.Ltmp2, $3  }
0x1d7: {  	_ =	sdelay $0x1  }
0x1d8: {  	[tilespmem:v3+s26+$0x0] =	vst.idx.add.f32.msk $0xffff, v4  }
0x1d9: {  	s19 =	sadd.s32 $0x190, s19;
	s20 =	sadd.s32 $0x640, s20;
	[tilespmem:v3+s28+$0x0] =	vst.idx.add.f32.msk $0xffff, v2  }
0x1da: {  	_ =	swait.ge [sflag:s31], $0x2710  }
0x1db: {  	[sflag:s31] =	ssyncset.done $0x0  }
0x1dc: {  	[sflag:s31] =	ssyncadd.s32 $0xFFFFD8F0  }
0x1dd: {  	_ =	swait.ge [sflag:s31], $0x2710  }
0x1de: {  	[sflag:s31] =	ssyncset.done $0x0  }
0x1df: {  	s19 =	simm.s32 $0x0;
	s20 =	simm.s32 $0x0;
	[sflag:s31] =	ssyncadd.s32 $0xFFFFD8F0  }
.LBB2_8:
0x1e0: {  	s21 =	sshra.s32 s20, $0x2  }
0x1e1: {  	v3 =	vld [tilespmem:s21+$0x138B0];
	_ =	sdelay $0x4  }
0x1e2: {  	v3 =	vshll.u32 v3, $0x4  }
0x1e3: {  	v4 =	vld [tilespmem:s21+$0x7530];
	v3 =	vor.u32 v1, v3;
	_ =	sdelay $0x4  }
0x1e4: {  	[tilespmem:v3+s26+$0x0] =	vst.idx.add.f32.msk $0xffff, v4  }
0x1e5: {  	[tilespmem:v3+s28+$0x0] =	vst.idx.add.f32.msk $0xffff, v2  }
0x1e6: {  	v3 =	vld [tilespmem:s21+$0x138C0];
	_ =	sdelay $0x4  }
0x1e7: {  	v3 =	vshll.u32 v3, $0x4  }
0x1e8: {  	v4 =	vld [tilespmem:s21+$0x7540];
	v3 =	vor.u32 v1, v3;
	_ =	sdelay $0x4  }
0x1e9: {  	[tilespmem:v3+s26+$0x0] =	vst.idx.add.f32.msk $0xffff, v4  }
0x1ea: {  	[tilespmem:v3+s28+$0x0] =	vst.idx.add.f32.msk $0xffff, v2  }
0x1eb: {  	v3 =	vld [tilespmem:s21+$0x138D0];
	_ =	sdelay $0x4  }
0x1ec: {  	v3 =	vshll.u32 v3, $0x4  }
0x1ed: {  	v4 =	vld [tilespmem:s21+$0x7550];
	v3 =	vor.u32 v1, v3;
	_ =	sdelay $0x4  }
0x1ee: {  	[tilespmem:v3+s26+$0x0] =	vst.idx.add.f32.msk $0xffff, v4  }
0x1ef: {  	[tilespmem:v3+s28+$0x0] =	vst.idx.add.f32.msk $0xffff, v2  }
0x1f0: {  	v3 =	vld [tilespmem:s21+$0x138E0];
	_ =	sdelay $0x4  }
0x1f1: {  	v3 =	vshll.u32 v3, $0x4  }
0x1f2: {  	v4 =	vld [tilespmem:s21+$0x7560];
	v3 =	vor.u32 v1, v3;
	_ =	sdelay $0x4  }
0x1f3: {  	[tilespmem:v3+s26+$0x0] =	vst.idx.add.f32.msk $0xffff, v4  }
0x1f4: {  	[tilespmem:v3+s28+$0x0] =	vst.idx.add.f32.msk $0xffff, v2  }
0x1f5: {  	v3 =	vld [tilespmem:s21+$0x138F0];
	_ =	sdelay $0x4  }
0x1f6: {  	v3 =	vshll.u32 v3, $0x4  }
0x1f7: {  	v4 =	vld [tilespmem:s21+$0x7570];
	v3 =	vor.u32 v1, v3;
	_ =	sdelay $0x4  }
0x1f8: {  	s22 =	sand.u32 $0x3FF0, s19;
	[tilespmem:v3+s26+$0x0] =	vst.idx.add.f32.msk $0xffff, v4  }
0x1f9: {  	s23 =	sadd.s32 $0x7580, s22;
	[tilespmem:v3+s28+$0x0] =	vst.idx.add.f32.msk $0xffff, v2  }
0x1fa: {  	v3 =	vld [tilespmem:s23+$0xC380];
	_ =	sdelay $0x4  }
0x1fb: {  	v3 =	vshll.u32 v3, $0x4  }
0x1fc: {  	v4 =	vld [tilespmem:s22+$0x7580];
	v3 =	vor.u32 v1, v3;
	_ =	sdelay $0x4  }
0x1fd: {  	[tilespmem:v3+s26+$0x0] =	vst.idx.add.f32.msk $0xffff, v4  }
0x1fe: {  	[tilespmem:v3+s28+$0x0] =	vst.idx.add.f32.msk $0xffff, v2  }
0x1ff: {  	v3 =	vld [tilespmem:s21+$0x13910];
	_ =	sdelay $0x4  }
0x200: {  	v3 =	vshll.u32 v3, $0x4  }
0x201: {  	v4 =	vld [tilespmem:s21+$0x7590];
	v3 =	vor.u32 v1, v3;
	_ =	sdelay $0x4  }
0x202: {  	[tilespmem:v3+s26+$0x0] =	vst.idx.add.f32.msk $0xffff, v4  }
0x203: {  	[tilespmem:v3+s28+$0x0] =	vst.idx.add.f32.msk $0xffff, v2  }
0x204: {  	v3 =	vld [tilespmem:s21+$0x13920];
	_ =	sdelay $0x4  }
0x205: {  	v3 =	vshll.u32 v3, $0x4  }
0x206: {  	v4 =	vld [tilespmem:s21+$0x75A0];
	v3 =	vor.u32 v1, v3;
	_ =	sdelay $0x4  }
0x207: {  	[tilespmem:v3+s26+$0x0] =	vst.idx.add.f32.msk $0xffff, v4  }
0x208: {  	[tilespmem:v3+s28+$0x0] =	vst.idx.add.f32.msk $0xffff, v2  }
0x209: {  	v3 =	vld [tilespmem:s21+$0x13930];
	_ =	sdelay $0x4  }
0x20a: {  	v3 =	vshll.u32 v3, $0x4  }
0x20b: {  	v4 =	vld [tilespmem:s21+$0x75B0];
	v3 =	vor.u32 v1, v3;
	_ =	sdelay $0x4  }
0x20c: {  	[tilespmem:v3+s26+$0x0] =	vst.idx.add.f32.msk $0xffff, v4  }
0x20d: {  	[tilespmem:v3+s28+$0x0] =	vst.idx.add.f32.msk $0xffff, v2  }
0x20e: {  	v3 =	vld [tilespmem:s21+$0x13940];
	_ =	sdelay $0x4  }
0x20f: {  	v3 =	vshll.u32 v3, $0x4  }
0x210: {  	v4 =	vld [tilespmem:s21+$0x75C0];
	v3 =	vor.u32 v1, v3;
	_ =	sdelay $0x4  }
0x211: {  	[tilespmem:v3+s26+$0x0] =	vst.idx.add.f32.msk $0xffff, v4  }
0x212: {  	[tilespmem:v3+s28+$0x0] =	vst.idx.add.f32.msk $0xffff, v2  }
0x213: {  	v3 =	vld [tilespmem:s21+$0x13950];
	_ =	sdelay $0x4  }
0x214: {  	v3 =	vshll.u32 v3, $0x4  }
0x215: {  	v4 =	vld [tilespmem:s21+$0x75D0];
	v3 =	vor.u32 v1, v3;
	_ =	sdelay $0x4  }
0x216: {  	[tilespmem:v3+s26+$0x0] =	vst.idx.add.f32.msk $0xffff, v4  }
0x217: {  	[tilespmem:v3+s28+$0x0] =	vst.idx.add.f32.msk $0xffff, v2  }
0x218: {  	v3 =	vld [tilespmem:s21+$0x13960];
	_ =	sdelay $0x4  }
0x219: {  	v3 =	vshll.u32 v3, $0x4  }
0x21a: {  	v4 =	vld [tilespmem:s21+$0x75E0];
	v3 =	vor.u32 v1, v3;
	_ =	sdelay $0x4  }
0x21b: {  	[tilespmem:v3+s26+$0x0] =	vst.idx.add.f32.msk $0xffff, v4  }
0x21c: {  	[tilespmem:v3+s28+$0x0] =	vst.idx.add.f32.msk $0xffff, v2  }
0x21d: {  	v3 =	vld [tilespmem:s21+$0x13970];
	_ =	sdelay $0x4  }
0x21e: {  	v3 =	vshll.u32 v3, $0x4  }
0x21f: {  	v4 =	vld [tilespmem:s21+$0x75F0];
	v3 =	vor.u32 v1, v3;
	_ =	sdelay $0x4  }
0x220: {  	[tilespmem:v3+s26+$0x0] =	vst.idx.add.f32.msk $0xffff, v4  }
0x221: {  	s23 =	sadd.s32 $0x7600, s22;
	[tilespmem:v3+s28+$0x0] =	vst.idx.add.f32.msk $0xffff, v2  }
0x222: {  	v3 =	vld [tilespmem:s23+$0xC380];
	_ =	sdelay $0x4  }
0x223: {  	v3 =	vshll.u32 v3, $0x4  }
0x224: {  	v4 =	vld [tilespmem:s22+$0x7600];
	v3 =	vor.u32 v1, v3;
	_ =	sdelay $0x4  }
0x225: {  	[tilespmem:v3+s26+$0x0] =	vst.idx.add.f32.msk $0xffff, v4  }
0x226: {  	[tilespmem:v3+s28+$0x0] =	vst.idx.add.f32.msk $0xffff, v2  }
0x227: {  	v3 =	vld [tilespmem:s21+$0x13990];
	_ =	sdelay $0x4  }
0x228: {  	v3 =	vshll.u32 v3, $0x4  }
0x229: {  	v4 =	vld [tilespmem:s21+$0x7610];
	v3 =	vor.u32 v1, v3;
	_ =	sdelay $0x4  }
0x22a: {  	[tilespmem:v3+s26+$0x0] =	vst.idx.add.f32.msk $0xffff, v4  }
0x22b: {  	[tilespmem:v3+s28+$0x0] =	vst.idx.add.f32.msk $0xffff, v2  }
0x22c: {  	v3 =	vld [tilespmem:s21+$0x139A0];
	_ =	sdelay $0x4  }
0x22d: {  	v3 =	vshll.u32 v3, $0x4  }
0x22e: {  	v4 =	vld [tilespmem:s21+$0x7620];
	v3 =	vor.u32 v1, v3;
	_ =	sdelay $0x4  }
0x22f: {  	[tilespmem:v3+s26+$0x0] =	vst.idx.add.f32.msk $0xffff, v4  }
0x230: {  	[tilespmem:v3+s28+$0x0] =	vst.idx.add.f32.msk $0xffff, v2  }
0x231: {  	v3 =	vld [tilespmem:s21+$0x139B0];
	_ =	sdelay $0x4  }
0x232: {  	v3 =	vshll.u32 v3, $0x4  }
0x233: {  	v4 =	vld [tilespmem:s21+$0x7630];
	v3 =	vor.u32 v1, v3;
	_ =	sdelay $0x4  }
0x234: {  	[tilespmem:v3+s26+$0x0] =	vst.idx.add.f32.msk $0xffff, v4  }
0x235: {  	[tilespmem:v3+s28+$0x0] =	vst.idx.add.f32.msk $0xffff, v2  }
0x236: {  	v3 =	vld [tilespmem:s21+$0x139C0];
	_ =	sdelay $0x4  }
0x237: {  	v3 =	vshll.u32 v3, $0x4  }
0x238: {  	v4 =	vld [tilespmem:s21+$0x7640];
	v3 =	vor.u32 v1, v3;
	_ =	sdelay $0x4  }
0x239: {  	[tilespmem:v3+s26+$0x0] =	vst.idx.add.f32.msk $0xffff, v4  }
0x23a: {  	[tilespmem:v3+s28+$0x0] =	vst.idx.add.f32.msk $0xffff, v2  }
0x23b: {  	v3 =	vld [tilespmem:s21+$0x139D0];
	_ =	sdelay $0x4  }
0x23c: {  	v3 =	vshll.u32 v3, $0x4  }
0x23d: {  	v4 =	vld [tilespmem:s21+$0x7650];
	v3 =	vor.u32 v1, v3;
	_ =	sdelay $0x4  }
0x23e: {  	[tilespmem:v3+s26+$0x0] =	vst.idx.add.f32.msk $0xffff, v4  }
0x23f: {  	[tilespmem:v3+s28+$0x0] =	vst.idx.add.f32.msk $0xffff, v2  }
0x240: {  	v3 =	vld [tilespmem:s21+$0x139E0];
	_ =	sdelay $0x4  }
0x241: {  	v3 =	vshll.u32 v3, $0x4  }
0x242: {  	v4 =	vld [tilespmem:s21+$0x7660];
	v3 =	vor.u32 v1, v3;
	_ =	sdelay $0x4  }
0x243: {  	[tilespmem:v3+s26+$0x0] =	vst.idx.add.f32.msk $0xffff, v4  }
0x244: {  	[tilespmem:v3+s28+$0x0] =	vst.idx.add.f32.msk $0xffff, v2  }
0x245: {  	v3 =	vld [tilespmem:s21+$0x139F0];
	_ =	sdelay $0x4  }
0x246: {  	v3 =	vshll.u32 v3, $0x4  }
0x247: {  	v4 =	vld [tilespmem:s21+$0x7670];
	v3 =	vor.u32 v1, v3;
	_ =	sdelay $0x4  }
0x248: {  	[tilespmem:v3+s26+$0x0] =	vst.idx.add.f32.msk $0xffff, v4  }
0x249: {  	s23 =	sadd.s32 $0x7680, s22;
	[tilespmem:v3+s28+$0x0] =	vst.idx.add.f32.msk $0xffff, v2  }
0x24a: {  	v3 =	vld [tilespmem:s23+$0xC380];
	_ =	sdelay $0x4  }
0x24b: {  	v3 =	vshll.u32 v3, $0x4  }
0x24c: {  	v4 =	vld [tilespmem:s22+$0x7680];
	v3 =	vor.u32 v1, v3;
	_ =	sdelay $0x4  }
0x24d: {  	[tilespmem:v3+s26+$0x0] =	vst.idx.add.f32.msk $0xffff, v4  }
0x24e: {  	[tilespmem:v3+s28+$0x0] =	vst.idx.add.f32.msk $0xffff, v2  }
0x24f: {  	v3 =	vld [tilespmem:s21+$0x13A10];
	_ =	sdelay $0x4  }
0x250: {  	v3 =	vshll.u32 v3, $0x4  }
0x251: {  	v4 =	vld [tilespmem:s21+$0x7690];
	v3 =	vor.u32 v1, v3;
	_ =	sdelay $0x4  }
0x252: {  	[tilespmem:v3+s26+$0x0] =	vst.idx.add.f32.msk $0xffff, v4  }
0x253: {  	[tilespmem:v3+s28+$0x0] =	vst.idx.add.f32.msk $0xffff, v2  }
0x254: {  	v3 =	vld [tilespmem:s21+$0x13A20];
	_ =	sdelay $0x4  }
0x255: {  	v3 =	vshll.u32 v3, $0x4  }
0x256: {  	v4 =	vld [tilespmem:s21+$0x76A0];
	v3 =	vor.u32 v1, v3;
	_ =	sdelay $0x4  }
0x257: {  	[tilespmem:v3+s26+$0x0] =	vst.idx.add.f32.msk $0xffff, v4  }
0x258: {  	[tilespmem:v3+s28+$0x0] =	vst.idx.add.f32.msk $0xffff, v2  }
0x259: {  	v3 =	vld [tilespmem:s21+$0x13A30];
	_ =	sdelay $0x4  }
0x25a: {  	v3 =	vshll.u32 v3, $0x4  }
0x25b: {  	v4 =	vld [tilespmem:s21+$0x76B0];
	v3 =	vor.u32 v1, v3  }
0x25c: {  	p0 =	sne.s32 s20, $0x9600  }
.Ltmp3:
0x25d: {  	_ = 	snop;
	(pc) =	sbr.rel @p0 .LBB2_8-.Ltmp3, $3  }
0x25e: {  	_ =	sdelay $0x1  }
0x25f: {  	[tilespmem:v3+s26+$0x0] =	vst.idx.add.f32.msk $0xffff, v4  }
0x260: {  	s19 =	sadd.s32 $0x190, s19;
	s20 =	sadd.s32 $0x640, s20;
	[tilespmem:v3+s28+$0x0] =	vst.idx.add.f32.msk $0xffff, v2  }
0x261: {  	_ =	swait.ge [sflag:s0], $0x2710  }
0x262: {  	[sflag:s0] =	ssyncset.done $0x0  }
0x263: {  	[sflag:s0] =	ssyncadd.s32 $0xFFFFD8F0  }
0x264: {  	_ =	swait.ge [sflag:s0], $0x2710  }
0x265: {  	[sflag:s0] =	ssyncset.done $0x0  }
0x266: {  	s19 =	simm.s32 $0x0;
	s20 =	simm.s32 $0x0;
	[sflag:s0] =	ssyncadd.s32 $0xFFFFD8F0  }
.LBB2_10:
0x267: {  	s21 =	sshra.s32 s20, $0x2  }
0x268: {  	v3 =	vld [tilespmem:s21+$0x15FC0];
	_ =	sdelay $0x4  }
0x269: {  	v3 =	vshll.u32 v3, $0x4  }
0x26a: {  	v4 =	vld [tilespmem:s21+$0x9C40];
	v3 =	vor.u32 v1, v3;
	_ =	sdelay $0x4  }
0x26b: {  	[tilespmem:v3+s26+$0x0] =	vst.idx.add.f32.msk $0xffff, v4  }
0x26c: {  	[tilespmem:v3+s28+$0x0] =	vst.idx.add.f32.msk $0xffff, v2  }
0x26d: {  	v3 =	vld [tilespmem:s21+$0x15FD0];
	_ =	sdelay $0x4  }
0x26e: {  	v3 =	vshll.u32 v3, $0x4  }
0x26f: {  	v4 =	vld [tilespmem:s21+$0x9C50];
	v3 =	vor.u32 v1, v3;
	_ =	sdelay $0x4  }
0x270: {  	[tilespmem:v3+s26+$0x0] =	vst.idx.add.f32.msk $0xffff, v4  }
0x271: {  	[tilespmem:v3+s28+$0x0] =	vst.idx.add.f32.msk $0xffff, v2  }
0x272: {  	v3 =	vld [tilespmem:s21+$0x15FE0];
	_ =	sdelay $0x4  }
0x273: {  	v3 =	vshll.u32 v3, $0x4  }
0x274: {  	v4 =	vld [tilespmem:s21+$0x9C60];
	v3 =	vor.u32 v1, v3;
	_ =	sdelay $0x4  }
0x275: {  	[tilespmem:v3+s26+$0x0] =	vst.idx.add.f32.msk $0xffff, v4  }
0x276: {  	[tilespmem:v3+s28+$0x0] =	vst.idx.add.f32.msk $0xffff, v2  }
0x277: {  	v3 =	vld [tilespmem:s21+$0x15FF0];
	_ =	sdelay $0x4  }
0x278: {  	v3 =	vshll.u32 v3, $0x4  }
0x279: {  	v4 =	vld [tilespmem:s21+$0x9C70];
	v3 =	vor.u32 v1, v3;
	_ =	sdelay $0x4  }
0x27a: {  	s22 =	sand.u32 $0x3FF0, s19;
	[tilespmem:v3+s26+$0x0] =	vst.idx.add.f32.msk $0xffff, v4  }
0x27b: {  	s23 =	sadd.s32 $0x9C80, s22;
	[tilespmem:v3+s28+$0x0] =	vst.idx.add.f32.msk $0xffff, v2  }
0x27c: {  	v3 =	vld [tilespmem:s23+$0xC380];
	_ =	sdelay $0x4  }
0x27d: {  	v3 =	vshll.u32 v3, $0x4  }
0x27e: {  	v4 =	vld [tilespmem:s22+$0x9C80];
	v3 =	vor.u32 v1, v3;
	_ =	sdelay $0x4  }
0x27f: {  	[tilespmem:v3+s26+$0x0] =	vst.idx.add.f32.msk $0xffff, v4  }
0x280: {  	[tilespmem:v3+s28+$0x0] =	vst.idx.add.f32.msk $0xffff, v2  }
0x281: {  	v3 =	vld [tilespmem:s21+$0x16010];
	_ =	sdelay $0x4  }
0x282: {  	v3 =	vshll.u32 v3, $0x4  }
0x283: {  	v4 =	vld [tilespmem:s21+$0x9C90];
	v3 =	vor.u32 v1, v3;
	_ =	sdelay $0x4  }
0x284: {  	[tilespmem:v3+s26+$0x0] =	vst.idx.add.f32.msk $0xffff, v4  }
0x285: {  	[tilespmem:v3+s28+$0x0] =	vst.idx.add.f32.msk $0xffff, v2  }
0x286: {  	v3 =	vld [tilespmem:s21+$0x16020];
	_ =	sdelay $0x4  }
0x287: {  	v3 =	vshll.u32 v3, $0x4  }
0x288: {  	v4 =	vld [tilespmem:s21+$0x9CA0];
	v3 =	vor.u32 v1, v3;
	_ =	sdelay $0x4  }
0x289: {  	[tilespmem:v3+s26+$0x0] =	vst.idx.add.f32.msk $0xffff, v4  }
0x28a: {  	[tilespmem:v3+s28+$0x0] =	vst.idx.add.f32.msk $0xffff, v2  }
0x28b: {  	v3 =	vld [tilespmem:s21+$0x16030];
	_ =	sdelay $0x4  }
0x28c: {  	v3 =	vshll.u32 v3, $0x4  }
0x28d: {  	v4 =	vld [tilespmem:s21+$0x9CB0];
	v3 =	vor.u32 v1, v3;
	_ =	sdelay $0x4  }
0x28e: {  	[tilespmem:v3+s26+$0x0] =	vst.idx.add.f32.msk $0xffff, v4  }
0x28f: {  	[tilespmem:v3+s28+$0x0] =	vst.idx.add.f32.msk $0xffff, v2  }
0x290: {  	v3 =	vld [tilespmem:s21+$0x16040];
	_ =	sdelay $0x4  }
0x291: {  	v3 =	vshll.u32 v3, $0x4  }
0x292: {  	v4 =	vld [tilespmem:s21+$0x9CC0];
	v3 =	vor.u32 v1, v3;
	_ =	sdelay $0x4  }
0x293: {  	[tilespmem:v3+s26+$0x0] =	vst.idx.add.f32.msk $0xffff, v4  }
0x294: {  	[tilespmem:v3+s28+$0x0] =	vst.idx.add.f32.msk $0xffff, v2  }
0x295: {  	v3 =	vld [tilespmem:s21+$0x16050];
	_ =	sdelay $0x4  }
0x296: {  	v3 =	vshll.u32 v3, $0x4  }
0x297: {  	v4 =	vld [tilespmem:s21+$0x9CD0];
	v3 =	vor.u32 v1, v3;
	_ =	sdelay $0x4  }
0x298: {  	[tilespmem:v3+s26+$0x0] =	vst.idx.add.f32.msk $0xffff, v4  }
0x299: {  	[tilespmem:v3+s28+$0x0] =	vst.idx.add.f32.msk $0xffff, v2  }
0x29a: {  	v3 =	vld [tilespmem:s21+$0x16060];
	_ =	sdelay $0x4  }
0x29b: {  	v3 =	vshll.u32 v3, $0x4  }
0x29c: {  	v4 =	vld [tilespmem:s21+$0x9CE0];
	v3 =	vor.u32 v1, v3;
	_ =	sdelay $0x4  }
0x29d: {  	[tilespmem:v3+s26+$0x0] =	vst.idx.add.f32.msk $0xffff, v4  }
0x29e: {  	[tilespmem:v3+s28+$0x0] =	vst.idx.add.f32.msk $0xffff, v2  }
0x29f: {  	v3 =	vld [tilespmem:s21+$0x16070];
	_ =	sdelay $0x4  }
0x2a0: {  	v3 =	vshll.u32 v3, $0x4  }
0x2a1: {  	v4 =	vld [tilespmem:s21+$0x9CF0];
	v3 =	vor.u32 v1, v3;
	_ =	sdelay $0x4  }
0x2a2: {  	[tilespmem:v3+s26+$0x0] =	vst.idx.add.f32.msk $0xffff, v4  }
0x2a3: {  	s23 =	sadd.s32 $0x9D00, s22;
	[tilespmem:v3+s28+$0x0] =	vst.idx.add.f32.msk $0xffff, v2  }
0x2a4: {  	v3 =	vld [tilespmem:s23+$0xC380];
	_ =	sdelay $0x4  }
0x2a5: {  	v3 =	vshll.u32 v3, $0x4  }
0x2a6: {  	v4 =	vld [tilespmem:s22+$0x9D00];
	v3 =	vor.u32 v1, v3;
	_ =	sdelay $0x4  }
0x2a7: {  	[tilespmem:v3+s26+$0x0] =	vst.idx.add.f32.msk $0xffff, v4  }
0x2a8: {  	[tilespmem:v3+s28+$0x0] =	vst.idx.add.f32.msk $0xffff, v2  }
0x2a9: {  	v3 =	vld [tilespmem:s21+$0x16090];
	_ =	sdelay $0x4  }
0x2aa: {  	v3 =	vshll.u32 v3, $0x4  }
0x2ab: {  	v4 =	vld [tilespmem:s21+$0x9D10];
	v3 =	vor.u32 v1, v3;
	_ =	sdelay $0x4  }
0x2ac: {  	[tilespmem:v3+s26+$0x0] =	vst.idx.add.f32.msk $0xffff, v4  }
0x2ad: {  	[tilespmem:v3+s28+$0x0] =	vst.idx.add.f32.msk $0xffff, v2  }
0x2ae: {  	v3 =	vld [tilespmem:s21+$0x160A0];
	_ =	sdelay $0x4  }
0x2af: {  	v3 =	vshll.u32 v3, $0x4  }
0x2b0: {  	v4 =	vld [tilespmem:s21+$0x9D20];
	v3 =	vor.u32 v1, v3;
	_ =	sdelay $0x4  }
0x2b1: {  	[tilespmem:v3+s26+$0x0] =	vst.idx.add.f32.msk $0xffff, v4  }
0x2b2: {  	[tilespmem:v3+s28+$0x0] =	vst.idx.add.f32.msk $0xffff, v2  }
0x2b3: {  	v3 =	vld [tilespmem:s21+$0x160B0];
	_ =	sdelay $0x4  }
0x2b4: {  	v3 =	vshll.u32 v3, $0x4  }
0x2b5: {  	v4 =	vld [tilespmem:s21+$0x9D30];
	v3 =	vor.u32 v1, v3;
	_ =	sdelay $0x4  }
0x2b6: {  	[tilespmem:v3+s26+$0x0] =	vst.idx.add.f32.msk $0xffff, v4  }
0x2b7: {  	[tilespmem:v3+s28+$0x0] =	vst.idx.add.f32.msk $0xffff, v2  }
0x2b8: {  	v3 =	vld [tilespmem:s21+$0x160C0];
	_ =	sdelay $0x4  }
0x2b9: {  	v3 =	vshll.u32 v3, $0x4  }
0x2ba: {  	v4 =	vld [tilespmem:s21+$0x9D40];
	v3 =	vor.u32 v1, v3;
	_ =	sdelay $0x4  }
0x2bb: {  	[tilespmem:v3+s26+$0x0] =	vst.idx.add.f32.msk $0xffff, v4  }
0x2bc: {  	[tilespmem:v3+s28+$0x0] =	vst.idx.add.f32.msk $0xffff, v2  }
0x2bd: {  	v3 =	vld [tilespmem:s21+$0x160D0];
	_ =	sdelay $0x4  }
0x2be: {  	v3 =	vshll.u32 v3, $0x4  }
0x2bf: {  	v4 =	vld [tilespmem:s21+$0x9D50];
	v3 =	vor.u32 v1, v3;
	_ =	sdelay $0x4  }
0x2c0: {  	[tilespmem:v3+s26+$0x0] =	vst.idx.add.f32.msk $0xffff, v4  }
0x2c1: {  	[tilespmem:v3+s28+$0x0] =	vst.idx.add.f32.msk $0xffff, v2  }
0x2c2: {  	v3 =	vld [tilespmem:s21+$0x160E0];
	_ =	sdelay $0x4  }
0x2c3: {  	v3 =	vshll.u32 v3, $0x4  }
0x2c4: {  	v4 =	vld [tilespmem:s21+$0x9D60];
	v3 =	vor.u32 v1, v3;
	_ =	sdelay $0x4  }
0x2c5: {  	[tilespmem:v3+s26+$0x0] =	vst.idx.add.f32.msk $0xffff, v4  }
0x2c6: {  	[tilespmem:v3+s28+$0x0] =	vst.idx.add.f32.msk $0xffff, v2  }
0x2c7: {  	v3 =	vld [tilespmem:s21+$0x160F0];
	_ =	sdelay $0x4  }
0x2c8: {  	v3 =	vshll.u32 v3, $0x4  }
0x2c9: {  	v4 =	vld [tilespmem:s21+$0x9D70];
	v3 =	vor.u32 v1, v3;
	_ =	sdelay $0x4  }
0x2ca: {  	[tilespmem:v3+s26+$0x0] =	vst.idx.add.f32.msk $0xffff, v4  }
0x2cb: {  	s23 =	sadd.s32 $0x9D80, s22;
	[tilespmem:v3+s28+$0x0] =	vst.idx.add.f32.msk $0xffff, v2  }
0x2cc: {  	v3 =	vld [tilespmem:s23+$0xC380];
	_ =	sdelay $0x4  }
0x2cd: {  	v3 =	vshll.u32 v3, $0x4  }
0x2ce: {  	v4 =	vld [tilespmem:s22+$0x9D80];
	v3 =	vor.u32 v1, v3;
	_ =	sdelay $0x4  }
0x2cf: {  	[tilespmem:v3+s26+$0x0] =	vst.idx.add.f32.msk $0xffff, v4  }
0x2d0: {  	[tilespmem:v3+s28+$0x0] =	vst.idx.add.f32.msk $0xffff, v2  }
0x2d1: {  	v3 =	vld [tilespmem:s21+$0x16110];
	_ =	sdelay $0x4  }
0x2d2: {  	v3 =	vshll.u32 v3, $0x4  }
0x2d3: {  	v4 =	vld [tilespmem:s21+$0x9D90];
	v3 =	vor.u32 v1, v3;
	_ =	sdelay $0x4  }
0x2d4: {  	[tilespmem:v3+s26+$0x0] =	vst.idx.add.f32.msk $0xffff, v4  }
0x2d5: {  	[tilespmem:v3+s28+$0x0] =	vst.idx.add.f32.msk $0xffff, v2  }
0x2d6: {  	v3 =	vld [tilespmem:s21+$0x16120];
	_ =	sdelay $0x4  }
0x2d7: {  	v3 =	vshll.u32 v3, $0x4  }
0x2d8: {  	v4 =	vld [tilespmem:s21+$0x9DA0];
	v3 =	vor.u32 v1, v3;
	_ =	sdelay $0x4  }
0x2d9: {  	[tilespmem:v3+s26+$0x0] =	vst.idx.add.f32.msk $0xffff, v4  }
0x2da: {  	[tilespmem:v3+s28+$0x0] =	vst.idx.add.f32.msk $0xffff, v2  }
0x2db: {  	v3 =	vld [tilespmem:s21+$0x16130];
	_ =	sdelay $0x4  }
0x2dc: {  	v3 =	vshll.u32 v3, $0x4  }
0x2dd: {  	v4 =	vld [tilespmem:s21+$0x9DB0];
	v3 =	vor.u32 v1, v3;
	_ =	sdelay $0x4  }
0x2de: {  	[tilespmem:v3+s26+$0x0] =	vst.idx.add.f32.msk $0xffff, v4  }
0x2df: {  	[tilespmem:v3+s28+$0x0] =	vst.idx.add.f32.msk $0xffff, v2  }
0x2e0: {  	v3 =	vld [tilespmem:s21+$0x16140];
	_ =	sdelay $0x4  }
0x2e1: {  	v3 =	vshll.u32 v3, $0x4  }
0x2e2: {  	v4 =	vld [tilespmem:s21+$0x9DC0];
	v3 =	vor.u32 v1, v3  }
0x2e3: {  	p0 =	sne.s32 s20, $0x9600  }
.Ltmp4:
0x2e4: {  	_ = 	snop;
	(pc) =	sbr.rel @p0 .LBB2_10-.Ltmp4, $3  }
0x2e5: {  	_ =	sdelay $0x1  }
0x2e6: {  	[tilespmem:v3+s26+$0x0] =	vst.idx.add.f32.msk $0xffff, v4  }
0x2e7: {  	s19 =	sadd.s32 $0x190, s19;
	s20 =	sadd.s32 $0x640, s20;
	[tilespmem:v3+s28+$0x0] =	vst.idx.add.f32.msk $0xffff, v2  }
0x2e8: {  	[hbm4b:s13+s1] =	stream.strided.scatter [tilespmem:s26], [sflag:$0x6], $0x100, s16, s1, $0x38;
	[tilespmem:$0x18900] =	vst v63  }
0x2e9: {  	s18 =	sadd.s32 $0x1, s18;
	_ =	swait.ge [sflag:s17], $0x100  }
0x2ea: {  	p0 =	sne.s32 s18, s15;
	[sflag:s17] =	ssyncset.done $0x0  }
.Ltmp5:
0x2eb: {  	[sflag:s17] =	ssyncadd.s32 $0xFFFFFF00;
	(pc) =	sbr.rel @p0 .LBB2_1-.Ltmp5, $4  }
0x2ec: {  	[hbm4b:s14+s1] =	stream.strided.scatter [tilespmem:s28], [sflag:$0x6], $0x100, s16, s1, $0x38;
	[tilespmem:$0x18900] =	vst v63  }
0x2ed: {  	_ =	swait.ge [sflag:s17], $0x100  }
0x2ee: {  	[sflag:s17] =	ssyncset.done $0x0  }
0x2ef: {  	[sflag:s17] =	ssyncadd.s32 $0xFFFFFF00  }
0x2f0: {  	_ =	sfence.sel $0x180000  }
0x2f1: {  	[bflag:$0x0] =	sbarrier.arrive $0xFFFF  }
0x2f2: {  	_ =	strace $0x90000047  }
0x2f3: {  	s0 =	stileid.u32;
	[bflag:$0x2] =	sbarrier.arrive $0xFFFF  }
0x2f4: {  	p0 =	sne.s32 s0, $0x0;
	s0 =	rddreg [dreg:$0x3]  }
0x2f5: {  	s0 =	sadd.s32 @!p0 $0x100000, s0  }
0x2f6: {  	[sflag:s0] =	ssyncadd.tile.s32 @!p0 $0x1;
	_ =	shalt  }
.Lfunc_end2:
_tile_overlayer_lowered:
.L_overlay_start_2:
0x2f7: {  	(tag) =	ssettag $0x2  }
0x2f8: {  	s0 =	rddreg [dreg:$0x0];
	s2 =	stileid.u32  }
0x2f9: {  	s1 =	rddreg [dreg:$0x1];
	p0 =	sne.s32 s2, $0x0  }
0x2fa: {  	s3 =	rddreg [dreg:$0x2];
	[bflag:$0x3] =	sbarrier.arrive $0xFFFF;
	s2 =	simm.s32 @!p0 $0x1C06  }
0x2fb: {  	[timem:s3], [sflag:s2] =	dma.local @!p0 [hbm:s0], s1  }
0x2fc: {  	s0 =	simm.s32 @!p0 $0x6  }
0x2fd: {  	_ =	swait.ge @!p0 [sflag:s0], s1  }
0x2fe: {  	s1 =	ssub.s32 @!p0 $0x0, s1;
	[sflag:s0] =	ssyncset.done @!p0 $0x0  }
0x2ff: {  	[sflag:s0] =	ssyncadd.s32 @!p0 s1  }
0x300: {  	[bflag:$0x3] =	sbarrier.arrive $0xFFFF  }
0x301: {  	_ =	shalt  }

</sc_bundles>
